<compile_context>
chip_gen: v7x
topology: tpu7x:2x2x1
jax: 0.10.2.dev20260603
libtpu: 0.0.44.dev20260713+nightly
codegen_flags: <defaults>
</compile_context>

<pallas_src>
import functools

import jax
import jax.numpy as jnp
from jax import lax
from jax.experimental import pallas as pl
from jax.experimental.pallas import tpu as pltpu
from jax.experimental.pallas import tpu_sc as plsc

_LB = 256


@functools.lru_cache(maxsize=None)
def _make_tc_transpose(v: int, d: int, cols: int):
    grid = (v + cols - 1) // cols

    def body(x_ref, o_ref):
        o_ref[:, 0:d] = x_ref[...].T

    return pl.pallas_call(
        body,
        grid=(grid,),
        in_specs=[pl.BlockSpec((d, cols), lambda i: (0, i))],
        out_specs=pl.BlockSpec((cols, 2 * d), lambda i: (i, 0)),
        out_shape=jax.ShapeDtypeStruct((v, 2 * d), jnp.float32),
    )


@functools.lru_cache(maxsize=None)
def _make_gather(hist: int, batch: int, d: int, v: int):
    info = plsc.get_sparse_core_info()
    nw = info.num_cores * info.num_subcores
    n_blocks = hist * (batch // _LB)
    assert n_blocks % (2 * nw) == 0
    blk_per_w = n_blocks // nw
    bc_per_h = batch // _LB

    mesh = plsc.VectorSubcoreMesh(core_axis_name="c", subcore_axis_name="s")

    @functools.partial(
        pl.kernel,
        mesh=mesh,
        out_type=jax.ShapeDtypeStruct((hist, d, batch), jnp.float32),
        scratch_types=[
            pltpu.VMEM((2, 2, _LB // 2), jnp.int32),
            pltpu.VMEM((2, _LB, 2 * d), jnp.float32),
            pltpu.VMEM((2, d, _LB), jnp.float32),
            pltpu.SemaphoreType.DMA,
            pltpu.SemaphoreType.DMA,
            pltpu.SemaphoreType.DMA,
        ],
        compiler_params=pltpu.CompilerParams(use_tc_tiling_on_sc=True,
                                             needs_layout_passes=False,
                                             disable_bounds_checks=True),
    )
    def gather(tbl_hbm, xt_hbm, out_hbm, idx_v, g_v, b_v,
               sem_i, sem_g, sem_o):
        wid = lax.axis_index("s") * info.num_cores + lax.axis_index("c")
        n0 = wid * blk_per_w
        vjs = [lax.iota(jnp.int32, 16) + jg * 16 for jg in range(_LB // 16)]

        def hb(n_loc):
            n = n0 + n_loc
            return n // bc_per_h, (n % bc_per_h) * _LB

        def load_idx(n_loc, bu):
            h, b0 = hb(n_loc)
            for k in (0, 1):
                pltpu.async_copy(xt_hbm.at[h, pl.ds(b0 + k * (_LB // 2),
                                                    _LB // 2)],
                                 idx_v.at[bu, k], sem_i)

        def wait_idx(bu):
            pltpu.make_async_copy(xt_hbm.at[pl.ds(0, 2), pl.ds(0, _LB // 2)],
                                  idx_v.at[bu], sem_i).wait()

        def fire(bu):
            for k in (0, 1):
                pltpu.async_copy(tbl_hbm.at[idx_v.at[bu, k]],
                                 g_v.at[bu, pl.ds(k * (_LB // 2), _LB // 2)],
                                 sem_g)

        def wait_gather(bu):
            pltpu.make_async_copy(tbl_hbm.at[pl.ds(0, _LB)], g_v.at[bu],
                                  sem_g).wait()

        def transpose(bu):
            g_ref = g_v.at[bu]
            b_ref = b_v.at[bu]

            @plsc.parallel_loop(0, d, unroll=8)
            def dbody(dd):
                vd = lax.broadcast(dd, (16,))
                for jg in range(_LB // 16):
                    vals = plsc.load_gather(g_ref, [vjs[jg], vd])
                    b_ref[dd, pl.ds(jg * 16, 16)] = vals

        def writeback(n_loc, bu):
            h, b0 = hb(n_loc)
            for dr in range(d // 8):
                pltpu.async_copy(
                    b_v.at[bu, pl.ds(dr * 8, 8)],
                    out_hbm.at[h, pl.ds(dr * 8, 8), pl.ds(b0, _LB)],
                    sem_o,
                )

        def drain_writeback():
            pltpu.make_async_copy(b_v.at[0],
                                  out_hbm.at[0, pl.ds(0, d), pl.ds(0, _LB)],
                                  sem_o).wait()

        load_idx(0, 0)
        wait_idx(0)
        fire(0)
        load_idx(1, 1)

        def body(m, carry):
            for j in (0, 1):
                bu = j
                n_loc = 2 * m + j
                if j == 0:
                    wait_idx(1)
                    fire(1)
                else:
                    @pl.when(m < blk_per_w // 2 - 1)
                    def _():
                        wait_idx(0)
                        fire(0)
                @pl.when(m > 0)
                def _():
                    drain_writeback()
                wait_gather(bu)
                @pl.when(m < blk_per_w // 2 - 1)
                def _():
                    load_idx(n_loc + 2, bu)
                transpose(bu)
                writeback(n_loc, bu)
            return carry

        lax.fori_loop(0, blk_per_w // 2, body, 0, unroll=False)
        drain_writeback()
        drain_writeback()

    return gather


def kernel(x, emb_loc):
    b, h = x.shape
    v, d = emb_loc.shape
    xt = x.T
    tbl = _make_tc_transpose(v, d, 4096)(emb_loc.T)
    out3 = _make_gather(h, b, d, v)(tbl, xt)
    return out3.transpose(2, 0, 1)

# --- scband reference (transcript-rebuilt; emitter-appended) ---
"""Pipeline reference for scband-loc-emb-23476291240224 (READ-ONLY COPY).

The authoritative reference and input builder live on the scoring server;
editing this copy changes nothing except your own understanding.
"""

import jax, jax.numpy as jnp
import numpy as np

LOC_SIZE = 1000000
LOC_EMB_SIZE = 64
BATCH = 16384
HIST = 50

def setup_inputs(seed: int = 0) -> dict:
    key = jax.random.key(seed)
    k1, k2 = jax.random.split(key)
    x = jax.random.randint(k1, (BATCH, HIST), 0, LOC_SIZE, dtype=jnp.int64) if jax.config.jax_enable_x64 else jax.random.randint(k1, (BATCH, HIST), 0, LOC_SIZE, dtype=jnp.int32)
    emb_loc = jax.random.normal(k2, (LOC_SIZE, LOC_EMB_SIZE), dtype=jnp.float32)
    return {"x": x, "emb_loc": emb_loc}

def reference(x, emb_loc):
    # nn.Embedding forward: gather rows of table by index
    return jnp.take(emb_loc, x, axis=0)

if __name__ == "__main__":
    import jax
    _d = setup_inputs()
    print(jax.jit(kernel)(*tuple(_d.values())))

</pallas_src>

<mosaic_0001>
#map = affine_map<(d0, d1) -> (0, 0)>
#map1 = affine_map<(d0, d1) -> (0, 0, 0)>
module attributes {stable_mosaic.version = 14 : i64} {
  func.func @gather(%arg0: i32, %arg1: i32, %arg2: memref<1000000x128xf32, #tpu.memory_space<hbm>>, %arg3: memref<50x16384xi32, #tpu.memory_space<hbm>>, %arg4: memref<50x64x16384xf32, #tpu.memory_space<hbm>>, %arg5: memref<2x2x128xi32, #tpu.memory_space<vmem>>, %arg6: memref<2x256x128xf32, #tpu.memory_space<vmem>>, %arg7: memref<2x64x256xf32, #tpu.memory_space<vmem>>, %arg8: memref<!tpu.dma_semaphore, #tpu.memory_space<semaphore_mem>>, %arg9: memref<!tpu.dma_semaphore, #tpu.memory_space<semaphore_mem>>, %arg10: memref<!tpu.dma_semaphore, #tpu.memory_space<semaphore_mem>>) attributes {dimension_semantics = [#tpu.dimension_semantics<core_parallel>, #tpu.dimension_semantics<subcore_parallel>], iteration_bounds = array<i64: 2, 16>, scalar_prefetch = 0 : i64, scratch_operands = 6 : i64, tpu.core_type = #tpu.core_type<sc_vector_subcore>, window_params = [{transform_indices = #map}, {transform_indices = #map}, {transform_indices = #map1}]} {
    %mul3A = arith.constant 2 : i32
    %mul3A_0 = arith.muli %arg1, %mul3A : i32
    %add3A = arith.addi %mul3A_0, %arg0 : i32
    %mul3A_1 = arith.constant 100 : i32
    %mul3A_2 = arith.muli %add3A, %mul3A_1 : i32
    %iota3A = tpu.iota {dimensions = array<i32: 0>} : vector<16xi32>
    %add3A_3 = arith.constant 0 : i32
    %add3A_4 = vector.broadcast %add3A_3 : i32 to vector<16xi32>
    %add3A_5 = arith.addi %iota3A, %add3A_4 : vector<16xi32>
    %iota3A_6 = tpu.iota {dimensions = array<i32: 0>} : vector<16xi32>
    %add3A_7 = arith.constant 16 : i32
    %add3A_8 = vector.broadcast %add3A_7 : i32 to vector<16xi32>
    %add3A_9 = arith.addi %iota3A_6, %add3A_8 : vector<16xi32>
    %iota3A_10 = tpu.iota {dimensions = array<i32: 0>} : vector<16xi32>
    %add3A_11 = arith.constant 32 : i32
    %add3A_12 = vector.broadcast %add3A_11 : i32 to vector<16xi32>
    %add3A_13 = arith.addi %iota3A_10, %add3A_12 : vector<16xi32>
    %iota3A_14 = tpu.iota {dimensions = array<i32: 0>} : vector<16xi32>
    %add3A_15 = arith.constant 48 : i32
    %add3A_16 = vector.broadcast %add3A_15 : i32 to vector<16xi32>
    %add3A_17 = arith.addi %iota3A_14, %add3A_16 : vector<16xi32>
    %iota3A_18 = tpu.iota {dimensions = array<i32: 0>} : vector<16xi32>
    %add3A_19 = arith.constant 64 : i32
    %add3A_20 = vector.broadcast %add3A_19 : i32 to vector<16xi32>
    %add3A_21 = arith.addi %iota3A_18, %add3A_20 : vector<16xi32>
    %iota3A_22 = tpu.iota {dimensions = array<i32: 0>} : vector<16xi32>
    %add3A_23 = arith.constant 80 : i32
    %add3A_24 = vector.broadcast %add3A_23 : i32 to vector<16xi32>
    %add3A_25 = arith.addi %iota3A_22, %add3A_24 : vector<16xi32>
    %iota3A_26 = tpu.iota {dimensions = array<i32: 0>} : vector<16xi32>
    %add3A_27 = arith.constant 96 : i32
    %add3A_28 = vector.broadcast %add3A_27 : i32 to vector<16xi32>
    %add3A_29 = arith.addi %iota3A_26, %add3A_28 : vector<16xi32>
    %iota3A_30 = tpu.iota {dimensions = array<i32: 0>} : vector<16xi32>
    %add3A_31 = arith.constant 112 : i32
    %add3A_32 = vector.broadcast %add3A_31 : i32 to vector<16xi32>
    %add3A_33 = arith.addi %iota3A_30, %add3A_32 : vector<16xi32>
    %iota3A_34 = tpu.iota {dimensions = array<i32: 0>} : vector<16xi32>
    %add3A_35 = arith.constant 128 : i32
    %add3A_36 = vector.broadcast %add3A_35 : i32 to vector<16xi32>
    %add3A_37 = arith.addi %iota3A_34, %add3A_36 : vector<16xi32>
    %iota3A_38 = tpu.iota {dimensions = array<i32: 0>} : vector<16xi32>
    %add3A_39 = arith.constant 144 : i32
    %add3A_40 = vector.broadcast %add3A_39 : i32 to vector<16xi32>
    %add3A_41 = arith.addi %iota3A_38, %add3A_40 : vector<16xi32>
    %iota3A_42 = tpu.iota {dimensions = array<i32: 0>} : vector<16xi32>
    %add3A_43 = arith.constant 160 : i32
    %add3A_44 = vector.broadcast %add3A_43 : i32 to vector<16xi32>
    %add3A_45 = arith.addi %iota3A_42, %add3A_44 : vector<16xi32>
    %iota3A_46 = tpu.iota {dimensions = array<i32: 0>} : vector<16xi32>
    %add3A_47 = arith.constant 176 : i32
    %add3A_48 = vector.broadcast %add3A_47 : i32 to vector<16xi32>
    %add3A_49 = arith.addi %iota3A_46, %add3A_48 : vector<16xi32>
    %iota3A_50 = tpu.iota {dimensions = array<i32: 0>} : vector<16xi32>
    %add3A_51 = arith.constant 192 : i32
    %add3A_52 = vector.broadcast %add3A_51 : i32 to vector<16xi32>
    %add3A_53 = arith.addi %iota3A_50, %add3A_52 : vector<16xi32>
    %iota3A_54 = tpu.iota {dimensions = array<i32: 0>} : vector<16xi32>
    %add3A_55 = arith.constant 208 : i32
    %add3A_56 = vector.broadcast %add3A_55 : i32 to vector<16xi32>
    %add3A_57 = arith.addi %iota3A_54, %add3A_56 : vector<16xi32>
    %iota3A_58 = tpu.iota {dimensions = array<i32: 0>} : vector<16xi32>
    %add3A_59 = arith.constant 224 : i32
    %add3A_60 = vector.broadcast %add3A_59 : i32 to vector<16xi32>
    %add3A_61 = arith.addi %iota3A_58, %add3A_60 : vector<16xi32>
    %iota3A_62 = tpu.iota {dimensions = array<i32: 0>} : vector<16xi32>
    %add3A_63 = arith.constant 240 : i32
    %add3A_64 = vector.broadcast %add3A_63 : i32 to vector<16xi32>
    %add3A_65 = arith.addi %iota3A_62, %add3A_64 : vector<16xi32>
    %add3A_66 = arith.constant 0 : i32
    %add3A_67 = arith.addi %mul3A_2, %add3A_66 : i32
    %jit3A = arith.constant 64 : i32
    %div3A = arith.divsi %add3A_67, %jit3A : i32
    %sign3A = arith.constant 0 : i32
    %sign3A_68 = arith.cmpi sgt, %add3A_67, %sign3A : i32
    %sign3A_69 = arith.extui %sign3A_68 : i1 to i32
    %sign3A_70 = arith.constant 0 : i32
    %sign3A_71 = arith.cmpi slt, %add3A_67, %sign3A_70 : i32
    %sign3A_72 = arith.extui %sign3A_71 : i1 to i32
    %sign3A_73 = arith.subi %sign3A_69, %sign3A_72 : i32
    %sign3A_74 = arith.constant 0 : i32
    %sign3A_75 = arith.cmpi sgt, %jit3A, %sign3A_74 : i32
    %sign3A_76 = arith.extui %sign3A_75 : i1 to i32
    %sign3A_77 = arith.constant 0 : i32
    %sign3A_78 = arith.cmpi slt, %jit3A, %sign3A_77 : i32
    %sign3A_79 = arith.extui %sign3A_78 : i1 to i32
    %sign3A_80 = arith.subi %sign3A_76, %sign3A_79 : i32
    %ne3A = arith.cmpi ne, %sign3A_73, %sign3A_80 : i32
    %rem3A = arith.remsi %add3A_67, %jit3A : i32
    %ne3A_81 = arith.constant 0 : i32
    %ne3A_82 = arith.cmpi ne, %rem3A, %ne3A_81 : i32
    %and3A = arith.andi %ne3A, %ne3A_82 : i1
    %sub3A = arith.constant 1 : i32
    %sub3A_83 = arith.subi %div3A, %sub3A : i32
    %select_n3A = arith.select %and3A, %sub3A_83, %div3A : i32
    %jit3A_84 = arith.constant 64 : i32
    %eq3A = arith.constant 0 : i32
    %eq3A_85 = arith.cmpi eq, %jit3A_84, %eq3A : i32
    %jit3A_86 = arith.constant 1 : i32
    %select_n3A_87 = arith.select %eq3A_85, %jit3A_86, %jit3A_84 : i32
    %rem3A_88 = arith.remsi %add3A_67, %select_n3A_87 : i32
    %ne3A_89 = arith.constant 0 : i32
    %ne3A_90 = arith.cmpi ne, %rem3A_88, %ne3A_89 : i32
    %lt3A = arith.constant 0 : i32
    %lt3A_91 = arith.cmpi slt, %rem3A_88, %lt3A : i32
    %lt3A_92 = arith.constant 0 : i32
    %lt3A_93 = arith.cmpi slt, %select_n3A_87, %lt3A_92 : i32
    %ne3A_94 = arith.xori %lt3A_91, %lt3A_93 : i1
    %and3A_95 = arith.andi %ne3A_94, %ne3A_90 : i1
    %add3A_96 = arith.addi %rem3A_88, %select_n3A_87 : i32
    %select_n3A_97 = arith.select %and3A_95, %add3A_96, %rem3A_88 : i32
    %mul3A_98 = arith.constant 256 : i32
    %mul3A_99 = arith.muli %select_n3A_97, %mul3A_98 : i32
    %add3A_100 = arith.constant 0 : i32
    %add3A_101 = arith.addi %mul3A_99, %add3A_100 : i32
    %dma_start3A = arith.constant 0 : i32
    %dma_start3A_102 = arith.constant 0 : i32
    %dma_start3A_103 = arith.constant 0 : i32
    %dma_start3A_104 = tpu.memref_slice %arg5[%dma_start3A, %dma_start3A_102, %dma_start3A_103] : memref<2x2x128xi32, #tpu.memory_space<vmem>> -> memref<1x1x128xi32, #tpu.memory_space<vmem>>
    %dma_start3A_105 = tpu.memref_squeeze %dma_start3A_104 : memref<1x1x128xi32, #tpu.memory_space<vmem>> -> memref<128xi32, #tpu.memory_space<vmem>>
    %dma_start3A_106 = tpu.memref_slice %arg3[%select_n3A, %add3A_101] : memref<50x16384xi32, #tpu.memory_space<hbm>> -> memref<1x128xi32, #tpu.memory_space<hbm>>
    %dma_start3A_107 = tpu.memref_squeeze %dma_start3A_106 : memref<1x128xi32, #tpu.memory_space<hbm>> -> memref<128xi32, #tpu.memory_space<hbm>>
    %dma_start3A_108 = arith.constant 0 : i32
    %dma_start3A_109 = tpu.memref_slice %arg5[%dma_start3A, %dma_start3A_102, %dma_start3A_108] : memref<2x2x128xi32, #tpu.memory_space<vmem>> -> memref<1x1x128xi32, #tpu.memory_space<vmem>>
    %dma_start3A_110 = tpu.memref_squeeze %dma_start3A_109 : memref<1x1x128xi32, #tpu.memory_space<vmem>> -> memref<128xi32, #tpu.memory_space<vmem>>
    %dma_start3A_111 = tpu.memref_slice %arg3[%select_n3A, %add3A_101] : memref<50x16384xi32, #tpu.memory_space<hbm>> -> memref<1x128xi32, #tpu.memory_space<hbm>>
    %dma_start3A_112 = tpu.memref_squeeze %dma_start3A_111 : memref<1x128xi32, #tpu.memory_space<hbm>> -> memref<128xi32, #tpu.memory_space<hbm>>
    tpu.enqueue_dma source(%dma_start3A_112 : memref<128xi32, #tpu.memory_space<hbm>>) target(%dma_start3A_110 : memref<128xi32, #tpu.memory_space<vmem>>) target_semaphore(%arg8 : memref<!tpu.dma_semaphore, #tpu.memory_space<semaphore_mem>>)
    %add3A_113 = arith.constant 128 : i32
    %add3A_114 = arith.addi %mul3A_99, %add3A_113 : i32
    %dma_start3A_115 = arith.constant 0 : i32
    %dma_start3A_116 = arith.constant 1 : i32
    %dma_start3A_117 = arith.constant 0 : i32
    %dma_start3A_118 = tpu.memref_slice %arg5[%dma_start3A_115, %dma_start3A_116, %dma_start3A_117] : memref<2x2x128xi32, #tpu.memory_space<vmem>> -> memref<1x1x128xi32, #tpu.memory_space<vmem>>
    %dma_start3A_119 = tpu.memref_squeeze %dma_start3A_118 : memref<1x1x128xi32, #tpu.memory_space<vmem>> -> memref<128xi32, #tpu.memory_space<vmem>>
    %dma_start3A_120 = tpu.memref_slice %arg3[%select_n3A, %add3A_114] : memref<50x16384xi32, #tpu.memory_space<hbm>> -> memref<1x128xi32, #tpu.memory_space<hbm>>
    %dma_start3A_121 = tpu.memref_squeeze %dma_start3A_120 : memref<1x128xi32, #tpu.memory_space<hbm>> -> memref<128xi32, #tpu.memory_space<hbm>>
    %dma_start3A_122 = arith.constant 0 : i32
    %dma_start3A_123 = tpu.memref_slice %arg5[%dma_start3A_115, %dma_start3A_116, %dma_start3A_122] : memref<2x2x128xi32, #tpu.memory_space<vmem>> -> memref<1x1x128xi32, #tpu.memory_space<vmem>>
    %dma_start3A_124 = tpu.memref_squeeze %dma_start3A_123 : memref<1x1x128xi32, #tpu.memory_space<vmem>> -> memref<128xi32, #tpu.memory_space<vmem>>
    %dma_start3A_125 = tpu.memref_slice %arg3[%select_n3A, %add3A_114] : memref<50x16384xi32, #tpu.memory_space<hbm>> -> memref<1x128xi32, #tpu.memory_space<hbm>>
    %dma_start3A_126 = tpu.memref_squeeze %dma_start3A_125 : memref<1x128xi32, #tpu.memory_space<hbm>> -> memref<128xi32, #tpu.memory_space<hbm>>
    tpu.enqueue_dma source(%dma_start3A_126 : memref<128xi32, #tpu.memory_space<hbm>>) target(%dma_start3A_124 : memref<128xi32, #tpu.memory_space<vmem>>) target_semaphore(%arg8 : memref<!tpu.dma_semaphore, #tpu.memory_space<semaphore_mem>>)
    %dma_wait3A = arith.constant 0 : i32
    %dma_wait3A_127 = arith.constant 0 : i32
    %dma_wait3A_128 = arith.constant 0 : i32
    %dma_wait3A_129 = tpu.memref_slice %arg5[%dma_wait3A, %dma_wait3A_127, %dma_wait3A_128] : memref<2x2x128xi32, #tpu.memory_space<vmem>> -> memref<1x2x128xi32, #tpu.memory_space<vmem>>
    %dma_wait3A_130 = tpu.memref_squeeze %dma_wait3A_129 : memref<1x2x128xi32, #tpu.memory_space<vmem>> -> memref<2x128xi32, #tpu.memory_space<vmem>>
    %dma_wait3A_131 = arith.constant 0 : i32
    %dma_wait3A_132 = arith.constant 0 : i32
    %dma_wait3A_133 = tpu.memref_slice %arg3[%dma_wait3A_131, %dma_wait3A_132] : memref<50x16384xi32, #tpu.memory_space<hbm>> -> memref<2x128xi32, #tpu.memory_space<hbm>>
    %dma_wait3A_134 = arith.constant 0 : i32
    %dma_wait3A_135 = arith.constant 0 : i32
    %dma_wait3A_136 = tpu.memref_slice %arg5[%dma_wait3A, %dma_wait3A_134, %dma_wait3A_135] : memref<2x2x128xi32, #tpu.memory_space<vmem>> -> memref<1x2x128xi32, #tpu.memory_space<vmem>>
    %dma_wait3A_137 = tpu.memref_squeeze %dma_wait3A_136 : memref<1x2x128xi32, #tpu.memory_space<vmem>> -> memref<2x128xi32, #tpu.memory_space<vmem>>
    %dma_wait3A_138 = arith.constant 0 : i32
    %dma_wait3A_139 = arith.constant 0 : i32
    %dma_wait3A_140 = tpu.memref_slice %arg3[%dma_wait3A_138, %dma_wait3A_139] : memref<50x16384xi32, #tpu.memory_space<hbm>> -> memref<2x128xi32, #tpu.memory_space<hbm>>
    tpu.wait_dma2 semaphore(%arg8 : memref<!tpu.dma_semaphore, #tpu.memory_space<semaphore_mem>>) src(%dma_wait3A_140 : memref<2x128xi32, #tpu.memory_space<hbm>>) dst(%dma_wait3A_137 : memref<2x128xi32, #tpu.memory_space<vmem>>)
    %dma_start3A_141 = arith.constant 0 : i32
    %dma_start3A_142 = arith.constant 0 : i32
    %dma_start3A_143 = arith.constant 0 : i32
    %dma_start3A_144 = arith.constant 0 : i32
    %dma_start3A_145 = arith.constant 0 : i32
    %dma_start3A_146 = tpu.memref_slice %arg6[%dma_start3A_143, %dma_start3A_144, %dma_start3A_145] : memref<2x256x128xf32, #tpu.memory_space<vmem>> -> memref<1x128x128xf32, #tpu.memory_space<vmem>>
    %dma_start3A_147 = tpu.memref_squeeze %dma_start3A_146 : memref<1x128x128xf32, #tpu.memory_space<vmem>> -> memref<128x128xf32, #tpu.memory_space<vmem>>
    %dma_start3A_148 = arith.constant 0 : i32
    %dma_start3A_149 = tpu.memref_slice %arg5[%dma_start3A_141, %dma_start3A_142, %dma_start3A_148] : memref<2x2x128xi32, #tpu.memory_space<vmem>> -> memref<1x1x128xi32, #tpu.memory_space<vmem>>
    %dma_start3A_150 = tpu.memref_squeeze %dma_start3A_149 : memref<1x1x128xi32, #tpu.memory_space<vmem>> -> memref<128xi32, #tpu.memory_space<vmem>>
    %dma_start3A_151 = arith.constant 0 : i32
    %dma_start3A_152 = arith.constant 0 : i32
    %dma_start3A_153 = tpu.memref_slice %arg2[%dma_start3A_151, %dma_start3A_152] : memref<1000000x128xf32, #tpu.memory_space<hbm>> -> memref<1000000x128xf32, #tpu.memory_space<hbm>>
    tpu.enqueue_indirect_dma source(%dma_start3A_153 : memref<1000000x128xf32, #tpu.memory_space<hbm>>) target(%dma_start3A_147 : memref<128x128xf32, #tpu.memory_space<vmem>>) offsets(%dma_start3A_150 : memref<128xi32, #tpu.memory_space<vmem>>) semaphore(%arg9 : memref<!tpu.dma_semaphore, #tpu.memory_space<semaphore_mem>>)
    %dma_start3A_154 = arith.constant 0 : i32
    %dma_start3A_155 = arith.constant 1 : i32
    %dma_start3A_156 = arith.constant 0 : i32
    %dma_start3A_157 = arith.constant 128 : i32
    %dma_start3A_158 = arith.constant 0 : i32
    %dma_start3A_159 = tpu.memref_slice %arg6[%dma_start3A_156, %dma_start3A_157, %dma_start3A_158] : memref<2x256x128xf32, #tpu.memory_space<vmem>> -> memref<1x128x128xf32, #tpu.memory_space<vmem>>
    %dma_start3A_160 = tpu.memref_squeeze %dma_start3A_159 : memref<1x128x128xf32, #tpu.memory_space<vmem>> -> memref<128x128xf32, #tpu.memory_space<vmem>>
    %dma_start3A_161 = arith.constant 0 : i32
    %dma_start3A_162 = tpu.memref_slice %arg5[%dma_start3A_154, %dma_start3A_155, %dma_start3A_161] : memref<2x2x128xi32, #tpu.memory_space<vmem>> -> memref<1x1x128xi32, #tpu.memory_space<vmem>>
    %dma_start3A_163 = tpu.memref_squeeze %dma_start3A_162 : memref<1x1x128xi32, #tpu.memory_space<vmem>> -> memref<128xi32, #tpu.memory_space<vmem>>
    %dma_start3A_164 = arith.constant 0 : i32
    %dma_start3A_165 = arith.constant 0 : i32
    %dma_start3A_166 = tpu.memref_slice %arg2[%dma_start3A_164, %dma_start3A_165] : memref<1000000x128xf32, #tpu.memory_space<hbm>> -> memref<1000000x128xf32, #tpu.memory_space<hbm>>
    tpu.enqueue_indirect_dma source(%dma_start3A_166 : memref<1000000x128xf32, #tpu.memory_space<hbm>>) target(%dma_start3A_160 : memref<128x128xf32, #tpu.memory_space<vmem>>) offsets(%dma_start3A_163 : memref<128xi32, #tpu.memory_space<vmem>>) semaphore(%arg9 : memref<!tpu.dma_semaphore, #tpu.memory_space<semaphore_mem>>)
    %add3A_167 = arith.constant 1 : i32
    %add3A_168 = arith.addi %mul3A_2, %add3A_167 : i32
    %jit3A_169 = arith.constant 64 : i32
    %div3A_170 = arith.divsi %add3A_168, %jit3A_169 : i32
    %sign3A_171 = arith.constant 0 : i32
    %sign3A_172 = arith.cmpi sgt, %add3A_168, %sign3A_171 : i32
    %sign3A_173 = arith.extui %sign3A_172 : i1 to i32
    %sign3A_174 = arith.constant 0 : i32
    %sign3A_175 = arith.cmpi slt, %add3A_168, %sign3A_174 : i32
    %sign3A_176 = arith.extui %sign3A_175 : i1 to i32
    %sign3A_177 = arith.subi %sign3A_173, %sign3A_176 : i32
    %sign3A_178 = arith.constant 0 : i32
    %sign3A_179 = arith.cmpi sgt, %jit3A_169, %sign3A_178 : i32
    %sign3A_180 = arith.extui %sign3A_179 : i1 to i32
    %sign3A_181 = arith.constant 0 : i32
    %sign3A_182 = arith.cmpi slt, %jit3A_169, %sign3A_181 : i32
    %sign3A_183 = arith.extui %sign3A_182 : i1 to i32
    %sign3A_184 = arith.subi %sign3A_180, %sign3A_183 : i32
    %ne3A_185 = arith.cmpi ne, %sign3A_177, %sign3A_184 : i32
    %rem3A_186 = arith.remsi %add3A_168, %jit3A_169 : i32
    %ne3A_187 = arith.constant 0 : i32
    %ne3A_188 = arith.cmpi ne, %rem3A_186, %ne3A_187 : i32
    %and3A_189 = arith.andi %ne3A_185, %ne3A_188 : i1
    %sub3A_190 = arith.constant 1 : i32
    %sub3A_191 = arith.subi %div3A_170, %sub3A_190 : i32
    %select_n3A_192 = arith.select %and3A_189, %sub3A_191, %div3A_170 : i32
    %jit3A_193 = arith.constant 64 : i32
    %eq3A_194 = arith.constant 0 : i32
    %eq3A_195 = arith.cmpi eq, %jit3A_193, %eq3A_194 : i32
    %jit3A_196 = arith.constant 1 : i32
    %select_n3A_197 = arith.select %eq3A_195, %jit3A_196, %jit3A_193 : i32
    %rem3A_198 = arith.remsi %add3A_168, %select_n3A_197 : i32
    %ne3A_199 = arith.constant 0 : i32
    %ne3A_200 = arith.cmpi ne, %rem3A_198, %ne3A_199 : i32
    %lt3A_201 = arith.constant 0 : i32
    %lt3A_202 = arith.cmpi slt, %rem3A_198, %lt3A_201 : i32
    %lt3A_203 = arith.constant 0 : i32
    %lt3A_204 = arith.cmpi slt, %select_n3A_197, %lt3A_203 : i32
    %ne3A_205 = arith.xori %lt3A_202, %lt3A_204 : i1
    %and3A_206 = arith.andi %ne3A_205, %ne3A_200 : i1
    %add3A_207 = arith.addi %rem3A_198, %select_n3A_197 : i32
    %select_n3A_208 = arith.select %and3A_206, %add3A_207, %rem3A_198 : i32
    %mul3A_209 = arith.constant 256 : i32
    %mul3A_210 = arith.muli %select_n3A_208, %mul3A_209 : i32
    %add3A_211 = arith.constant 0 : i32
    %add3A_212 = arith.addi %mul3A_210, %add3A_211 : i32
    %dma_start3A_213 = arith.constant 1 : i32
    %dma_start3A_214 = arith.constant 0 : i32
    %dma_start3A_215 = arith.constant 0 : i32
    %dma_start3A_216 = tpu.memref_slice %arg5[%dma_start3A_213, %dma_start3A_214, %dma_start3A_215] : memref<2x2x128xi32, #tpu.memory_space<vmem>> -> memref<1x1x128xi32, #tpu.memory_space<vmem>>
    %dma_start3A_217 = tpu.memref_squeeze %dma_start3A_216 : memref<1x1x128xi32, #tpu.memory_space<vmem>> -> memref<128xi32, #tpu.memory_space<vmem>>
    %dma_start3A_218 = tpu.memref_slice %arg3[%select_n3A_192, %add3A_212] : memref<50x16384xi32, #tpu.memory_space<hbm>> -> memref<1x128xi32, #tpu.memory_space<hbm>>
    %dma_start3A_219 = tpu.memref_squeeze %dma_start3A_218 : memref<1x128xi32, #tpu.memory_space<hbm>> -> memref<128xi32, #tpu.memory_space<hbm>>
    %dma_start3A_220 = arith.constant 0 : i32
    %dma_start3A_221 = tpu.memref_slice %arg5[%dma_start3A_213, %dma_start3A_214, %dma_start3A_220] : memref<2x2x128xi32, #tpu.memory_space<vmem>> -> memref<1x1x128xi32, #tpu.memory_space<vmem>>
    %dma_start3A_222 = tpu.memref_squeeze %dma_start3A_221 : memref<1x1x128xi32, #tpu.memory_space<vmem>> -> memref<128xi32, #tpu.memory_space<vmem>>
    %dma_start3A_223 = tpu.memref_slice %arg3[%select_n3A_192, %add3A_212] : memref<50x16384xi32, #tpu.memory_space<hbm>> -> memref<1x128xi32, #tpu.memory_space<hbm>>
    %dma_start3A_224 = tpu.memref_squeeze %dma_start3A_223 : memref<1x128xi32, #tpu.memory_space<hbm>> -> memref<128xi32, #tpu.memory_space<hbm>>
    tpu.enqueue_dma source(%dma_start3A_224 : memref<128xi32, #tpu.memory_space<hbm>>) target(%dma_start3A_222 : memref<128xi32, #tpu.memory_space<vmem>>) target_semaphore(%arg8 : memref<!tpu.dma_semaphore, #tpu.memory_space<semaphore_mem>>)
    %add3A_225 = arith.constant 128 : i32
    %add3A_226 = arith.addi %mul3A_210, %add3A_225 : i32
    %dma_start3A_227 = arith.constant 1 : i32
    %dma_start3A_228 = arith.constant 1 : i32
    %dma_start3A_229 = arith.constant 0 : i32
    %dma_start3A_230 = tpu.memref_slice %arg5[%dma_start3A_227, %dma_start3A_228, %dma_start3A_229] : memref<2x2x128xi32, #tpu.memory_space<vmem>> -> memref<1x1x128xi32, #tpu.memory_space<vmem>>
    %dma_start3A_231 = tpu.memref_squeeze %dma_start3A_230 : memref<1x1x128xi32, #tpu.memory_space<vmem>> -> memref<128xi32, #tpu.memory_space<vmem>>
    %dma_start3A_232 = tpu.memref_slice %arg3[%select_n3A_192, %add3A_226] : memref<50x16384xi32, #tpu.memory_space<hbm>> -> memref<1x128xi32, #tpu.memory_space<hbm>>
    %dma_start3A_233 = tpu.memref_squeeze %dma_start3A_232 : memref<1x128xi32, #tpu.memory_space<hbm>> -> memref<128xi32, #tpu.memory_space<hbm>>
    %dma_start3A_234 = arith.constant 0 : i32
    %dma_start3A_235 = tpu.memref_slice %arg5[%dma_start3A_227, %dma_start3A_228, %dma_start3A_234] : memref<2x2x128xi32, #tpu.memory_space<vmem>> -> memref<1x1x128xi32, #tpu.memory_space<vmem>>
    %dma_start3A_236 = tpu.memref_squeeze %dma_start3A_235 : memref<1x1x128xi32, #tpu.memory_space<vmem>> -> memref<128xi32, #tpu.memory_space<vmem>>
    %dma_start3A_237 = tpu.memref_slice %arg3[%select_n3A_192, %add3A_226] : memref<50x16384xi32, #tpu.memory_space<hbm>> -> memref<1x128xi32, #tpu.memory_space<hbm>>
    %dma_start3A_238 = tpu.memref_squeeze %dma_start3A_237 : memref<1x128xi32, #tpu.memory_space<hbm>> -> memref<128xi32, #tpu.memory_space<hbm>>
    tpu.enqueue_dma source(%dma_start3A_238 : memref<128xi32, #tpu.memory_space<hbm>>) target(%dma_start3A_236 : memref<128xi32, #tpu.memory_space<vmem>>) target_semaphore(%arg8 : memref<!tpu.dma_semaphore, #tpu.memory_space<semaphore_mem>>)
    %scan3A = arith.constant 0 : i32
    %scan3A_239 = arith.constant 0 : i32
    %scan3A_240 = arith.constant 50 : i32
    %scan3A_241 = arith.addi %scan3A_239, %scan3A_240 : i32
    %scan3A_242 = arith.constant 1 : i32
    scf.for %scan3A_280 = %scan3A_239 to %scan3A_241 step %scan3A_242  : i32 {
      %mul3A_281 = arith.constant 2 : i32
      %mul3A_282 = arith.muli %mul3A_281, %scan3A_280 : i32
      %add3A_283 = arith.constant 0 : i32
      %add3A_284 = arith.addi %mul3A_282, %add3A_283 : i32
      %dma_wait3A_285 = arith.constant 1 : i32
      %dma_wait3A_286 = arith.constant 0 : i32
      %dma_wait3A_287 = arith.constant 0 : i32
      %dma_wait3A_288 = tpu.memref_slice %arg5[%dma_wait3A_285, %dma_wait3A_286, %dma_wait3A_287] : memref<2x2x128xi32, #tpu.memory_space<vmem>> -> memref<1x2x128xi32, #tpu.memory_space<vmem>>
      %dma_wait3A_289 = tpu.memref_squeeze %dma_wait3A_288 : memref<1x2x128xi32, #tpu.memory_space<vmem>> -> memref<2x128xi32, #tpu.memory_space<vmem>>
      %dma_wait3A_290 = arith.constant 0 : i32
      %dma_wait3A_291 = arith.constant 0 : i32
      %dma_wait3A_292 = tpu.memref_slice %arg3[%dma_wait3A_290, %dma_wait3A_291] : memref<50x16384xi32, #tpu.memory_space<hbm>> -> memref<2x128xi32, #tpu.memory_space<hbm>>
      %dma_wait3A_293 = arith.constant 0 : i32
      %dma_wait3A_294 = arith.constant 0 : i32
      %dma_wait3A_295 = tpu.memref_slice %arg5[%dma_wait3A_285, %dma_wait3A_293, %dma_wait3A_294] : memref<2x2x128xi32, #tpu.memory_space<vmem>> -> memref<1x2x128xi32, #tpu.memory_space<vmem>>
      %dma_wait3A_296 = tpu.memref_squeeze %dma_wait3A_295 : memref<1x2x128xi32, #tpu.memory_space<vmem>> -> memref<2x128xi32, #tpu.memory_space<vmem>>
      %dma_wait3A_297 = arith.constant 0 : i32
      %dma_wait3A_298 = arith.constant 0 : i32
      %dma_wait3A_299 = tpu.memref_slice %arg3[%dma_wait3A_297, %dma_wait3A_298] : memref<50x16384xi32, #tpu.memory_space<hbm>> -> memref<2x128xi32, #tpu.memory_space<hbm>>
      tpu.wait_dma2 semaphore(%arg8 : memref<!tpu.dma_semaphore, #tpu.memory_space<semaphore_mem>>) src(%dma_wait3A_299 : memref<2x128xi32, #tpu.memory_space<hbm>>) dst(%dma_wait3A_296 : memref<2x128xi32, #tpu.memory_space<vmem>>)
      %dma_start3A_300 = arith.constant 1 : i32
      %dma_start3A_301 = arith.constant 0 : i32
      %dma_start3A_302 = arith.constant 1 : i32
      %dma_start3A_303 = arith.constant 0 : i32
      %dma_start3A_304 = arith.constant 0 : i32
      %dma_start3A_305 = tpu.memref_slice %arg6[%dma_start3A_302, %dma_start3A_303, %dma_start3A_304] : memref<2x256x128xf32, #tpu.memory_space<vmem>> -> memref<1x128x128xf32, #tpu.memory_space<vmem>>
      %dma_start3A_306 = tpu.memref_squeeze %dma_start3A_305 : memref<1x128x128xf32, #tpu.memory_space<vmem>> -> memref<128x128xf32, #tpu.memory_space<vmem>>
      %dma_start3A_307 = arith.constant 0 : i32
      %dma_start3A_308 = tpu.memref_slice %arg5[%dma_start3A_300, %dma_start3A_301, %dma_start3A_307] : memref<2x2x128xi32, #tpu.memory_space<vmem>> -> memref<1x1x128xi32, #tpu.memory_space<vmem>>
      %dma_start3A_309 = tpu.memref_squeeze %dma_start3A_308 : memref<1x1x128xi32, #tpu.memory_space<vmem>> -> memref<128xi32, #tpu.memory_space<vmem>>
      %dma_start3A_310 = arith.constant 0 : i32
      %dma_start3A_311 = arith.constant 0 : i32
      %dma_start3A_312 = tpu.memref_slice %arg2[%dma_start3A_310, %dma_start3A_311] : memref<1000000x128xf32, #tpu.memory_space<hbm>> -> memref<1000000x128xf32, #tpu.memory_space<hbm>>
      tpu.enqueue_indirect_dma source(%dma_start3A_312 : memref<1000000x128xf32, #tpu.memory_space<hbm>>) target(%dma_start3A_306 : memref<128x128xf32, #tpu.memory_space<vmem>>) offsets(%dma_start3A_309 : memref<128xi32, #tpu.memory_space<vmem>>) semaphore(%arg9 : memref<!tpu.dma_semaphore, #tpu.memory_space<semaphore_mem>>)
      %dma_start3A_313 = arith.constant 1 : i32
      %dma_start3A_314 = arith.constant 1 : i32
      %dma_start3A_315 = arith.constant 1 : i32
      %dma_start3A_316 = arith.constant 128 : i32
      %dma_start3A_317 = arith.constant 0 : i32
      %dma_start3A_318 = tpu.memref_slice %arg6[%dma_start3A_315, %dma_start3A_316, %dma_start3A_317] : memref<2x256x128xf32, #tpu.memory_space<vmem>> -> memref<1x128x128xf32, #tpu.memory_space<vmem>>
      %dma_start3A_319 = tpu.memref_squeeze %dma_start3A_318 : memref<1x128x128xf32, #tpu.memory_space<vmem>> -> memref<128x128xf32, #tpu.memory_space<vmem>>
      %dma_start3A_320 = arith.constant 0 : i32
      %dma_start3A_321 = tpu.memref_slice %arg5[%dma_start3A_313, %dma_start3A_314, %dma_start3A_320] : memref<2x2x128xi32, #tpu.memory_space<vmem>> -> memref<1x1x128xi32, #tpu.memory_space<vmem>>
      %dma_start3A_322 = tpu.memref_squeeze %dma_start3A_321 : memref<1x1x128xi32, #tpu.memory_space<vmem>> -> memref<128xi32, #tpu.memory_space<vmem>>
      %dma_start3A_323 = arith.constant 0 : i32
      %dma_start3A_324 = arith.constant 0 : i32
      %dma_start3A_325 = tpu.memref_slice %arg2[%dma_start3A_323, %dma_start3A_324] : memref<1000000x128xf32, #tpu.memory_space<hbm>> -> memref<1000000x128xf32, #tpu.memory_space<hbm>>
      tpu.enqueue_indirect_dma source(%dma_start3A_325 : memref<1000000x128xf32, #tpu.memory_space<hbm>>) target(%dma_start3A_319 : memref<128x128xf32, #tpu.memory_space<vmem>>) offsets(%dma_start3A_322 : memref<128xi32, #tpu.memory_space<vmem>>) semaphore(%arg9 : memref<!tpu.dma_semaphore, #tpu.memory_space<semaphore_mem>>)
      %gt3A = arith.constant 0 : i32
      %gt3A_326 = arith.cmpi sgt, %scan3A_280, %gt3A : i32
      %convert_element_type3A = arith.extui %gt3A_326 : i1 to i32
      %cond3A = arith.constant 0 : i32
      %cond3A_327 = arith.cmpi ne, %convert_element_type3A, %cond3A : i32
      scf.if %cond3A_327 {
        %dma_wait3A_717 = arith.constant 0 : i32
        %dma_wait3A_718 = arith.constant 0 : i32
        %dma_wait3A_719 = arith.constant 0 : i32
        %dma_wait3A_720 = arith.constant 0 : i32
        %dma_wait3A_721 = tpu.memref_slice %arg7[%dma_wait3A_717, %dma_wait3A_719, %dma_wait3A_720] : memref<2x64x256xf32, #tpu.memory_space<vmem>> -> memref<1x64x256xf32, #tpu.memory_space<vmem>>
        %dma_wait3A_722 = tpu.memref_squeeze %dma_wait3A_721 : memref<1x64x256xf32, #tpu.memory_space<vmem>> -> memref<64x256xf32, #tpu.memory_space<vmem>>
        %dma_wait3A_723 = arith.constant 0 : i32
        %dma_wait3A_724 = arith.constant 0 : i32
        %dma_wait3A_725 = tpu.memref_slice %arg4[%dma_wait3A_718, %dma_wait3A_723, %dma_wait3A_724] : memref<50x64x16384xf32, #tpu.memory_space<hbm>> -> memref<1x64x256xf32, #tpu.memory_space<hbm>>
        %dma_wait3A_726 = tpu.memref_squeeze %dma_wait3A_725 : memref<1x64x256xf32, #tpu.memory_space<hbm>> -> memref<64x256xf32, #tpu.memory_space<hbm>>
        %dma_wait3A_727 = arith.constant 0 : i32
        %dma_wait3A_728 = arith.constant 0 : i32
        %dma_wait3A_729 = tpu.memref_slice %arg4[%dma_wait3A_718, %dma_wait3A_727, %dma_wait3A_728] : memref<50x64x16384xf32, #tpu.memory_space<hbm>> -> memref<1x64x256xf32, #tpu.memory_space<hbm>>
        %dma_wait3A_730 = tpu.memref_squeeze %dma_wait3A_729 : memref<1x64x256xf32, #tpu.memory_space<hbm>> -> memref<64x256xf32, #tpu.memory_space<hbm>>
        %dma_wait3A_731 = arith.constant 0 : i32
        %dma_wait3A_732 = arith.constant 0 : i32
        %dma_wait3A_733 = tpu.memref_slice %arg7[%dma_wait3A_717, %dma_wait3A_731, %dma_wait3A_732] : memref<2x64x256xf32, #tpu.memory_space<vmem>> -> memref<1x64x256xf32, #tpu.memory_space<vmem>>
        %dma_wait3A_734 = tpu.memref_squeeze %dma_wait3A_733 : memref<1x64x256xf32, #tpu.memory_space<vmem>> -> memref<64x256xf32, #tpu.memory_space<vmem>>
        tpu.wait_dma2 semaphore(%arg10 : memref<!tpu.dma_semaphore, #tpu.memory_space<semaphore_mem>>) src(%dma_wait3A_734 : memref<64x256xf32, #tpu.memory_space<vmem>>) dst(%dma_wait3A_730 : memref<64x256xf32, #tpu.memory_space<hbm>>)
      } else {
      }
      %dma_wait3A_328 = arith.constant 0 : i32
      %dma_wait3A_329 = arith.constant 0 : i32
      %dma_wait3A_330 = arith.constant 0 : i32
      %dma_wait3A_331 = tpu.memref_slice %arg6[%dma_wait3A_328, %dma_wait3A_329, %dma_wait3A_330] : memref<2x256x128xf32, #tpu.memory_space<vmem>> -> memref<1x256x128xf32, #tpu.memory_space<vmem>>
      %dma_wait3A_332 = tpu.memref_squeeze %dma_wait3A_331 : memref<1x256x128xf32, #tpu.memory_space<vmem>> -> memref<256x128xf32, #tpu.memory_space<vmem>>
      %dma_wait3A_333 = arith.constant 0 : i32
      %dma_wait3A_334 = arith.constant 0 : i32
      %dma_wait3A_335 = tpu.memref_slice %arg2[%dma_wait3A_333, %dma_wait3A_334] : memref<1000000x128xf32, #tpu.memory_space<hbm>> -> memref<256x128xf32, #tpu.memory_space<hbm>>
      %dma_wait3A_336 = arith.constant 0 : i32
      %dma_wait3A_337 = arith.constant 0 : i32
      %dma_wait3A_338 = tpu.memref_slice %arg6[%dma_wait3A_328, %dma_wait3A_336, %dma_wait3A_337] : memref<2x256x128xf32, #tpu.memory_space<vmem>> -> memref<1x256x128xf32, #tpu.memory_space<vmem>>
      %dma_wait3A_339 = tpu.memref_squeeze %dma_wait3A_338 : memref<1x256x128xf32, #tpu.memory_space<vmem>> -> memref<256x128xf32, #tpu.memory_space<vmem>>
      %dma_wait3A_340 = arith.constant 0 : i32
      %dma_wait3A_341 = arith.constant 0 : i32
      %dma_wait3A_342 = tpu.memref_slice %arg2[%dma_wait3A_340, %dma_wait3A_341] : memref<1000000x128xf32, #tpu.memory_space<hbm>> -> memref<256x128xf32, #tpu.memory_space<hbm>>
      tpu.wait_dma2 semaphore(%arg9 : memref<!tpu.dma_semaphore, #tpu.memory_space<semaphore_mem>>) src(%dma_wait3A_342 : memref<256x128xf32, #tpu.memory_space<hbm>>) dst(%dma_wait3A_339 : memref<256x128xf32, #tpu.memory_space<vmem>>)
      %lt3A_343 = arith.constant 49 : i32
      %lt3A_344 = arith.cmpi slt, %scan3A_280, %lt3A_343 : i32
      %convert_element_type3A_345 = arith.extui %lt3A_344 : i1 to i32
      %cond3A_346 = arith.constant 0 : i32
      %cond3A_347 = arith.cmpi ne, %convert_element_type3A_345, %cond3A_346 : i32
      scf.if %cond3A_347 {
        %add3A_717 = arith.constant 2 : i32
        %add3A_718 = arith.addi %add3A_284, %add3A_717 : i32
        %add3A_719 = arith.addi %mul3A_2, %add3A_718 : i32
        %jit3A_720 = arith.constant 64 : i32
        %div3A_721 = arith.divsi %add3A_719, %jit3A_720 : i32
        %sign3A_722 = arith.constant 0 : i32
        %sign3A_723 = arith.cmpi sgt, %add3A_719, %sign3A_722 : i32
        %sign3A_724 = arith.extui %sign3A_723 : i1 to i32
        %sign3A_725 = arith.constant 0 : i32
        %sign3A_726 = arith.cmpi slt, %add3A_719, %sign3A_725 : i32
        %sign3A_727 = arith.extui %sign3A_726 : i1 to i32
        %sign3A_728 = arith.subi %sign3A_724, %sign3A_727 : i32
        %sign3A_729 = arith.constant 0 : i32
        %sign3A_730 = arith.cmpi sgt, %jit3A_720, %sign3A_729 : i32
        %sign3A_731 = arith.extui %sign3A_730 : i1 to i32
        %sign3A_732 = arith.constant 0 : i32
        %sign3A_733 = arith.cmpi slt, %jit3A_720, %sign3A_732 : i32
        %sign3A_734 = arith.extui %sign3A_733 : i1 to i32
        %sign3A_735 = arith.subi %sign3A_731, %sign3A_734 : i32
        %ne3A_736 = arith.cmpi ne, %sign3A_728, %sign3A_735 : i32
        %rem3A_737 = arith.remsi %add3A_719, %jit3A_720 : i32
        %ne3A_738 = arith.constant 0 : i32
        %ne3A_739 = arith.cmpi ne, %rem3A_737, %ne3A_738 : i32
        %and3A_740 = arith.andi %ne3A_736, %ne3A_739 : i1
        %sub3A_741 = arith.constant 1 : i32
        %sub3A_742 = arith.subi %div3A_721, %sub3A_741 : i32
        %select_n3A_743 = arith.select %and3A_740, %sub3A_742, %div3A_721 : i32
        %jit3A_744 = arith.constant 64 : i32
        %eq3A_745 = arith.constant 0 : i32
        %eq3A_746 = arith.cmpi eq, %jit3A_744, %eq3A_745 : i32
        %jit3A_747 = arith.constant 1 : i32
        %select_n3A_748 = arith.select %eq3A_746, %jit3A_747, %jit3A_744 : i32
        %rem3A_749 = arith.remsi %add3A_719, %select_n3A_748 : i32
        %ne3A_750 = arith.constant 0 : i32
        %ne3A_751 = arith.cmpi ne, %rem3A_749, %ne3A_750 : i32
        %lt3A_752 = arith.constant 0 : i32
        %lt3A_753 = arith.cmpi slt, %rem3A_749, %lt3A_752 : i32
        %lt3A_754 = arith.constant 0 : i32
        %lt3A_755 = arith.cmpi slt, %select_n3A_748, %lt3A_754 : i32
        %ne3A_756 = arith.xori %lt3A_753, %lt3A_755 : i1
        %and3A_757 = arith.andi %ne3A_756, %ne3A_751 : i1
        %add3A_758 = arith.addi %rem3A_749, %select_n3A_748 : i32
        %select_n3A_759 = arith.select %and3A_757, %add3A_758, %rem3A_749 : i32
        %mul3A_760 = arith.constant 256 : i32
        %mul3A_761 = arith.muli %select_n3A_759, %mul3A_760 : i32
        %add3A_762 = arith.constant 0 : i32
        %add3A_763 = arith.addi %mul3A_761, %add3A_762 : i32
        %dma_start3A_764 = arith.constant 0 : i32
        %dma_start3A_765 = arith.constant 0 : i32
        %dma_start3A_766 = arith.constant 0 : i32
        %dma_start3A_767 = tpu.memref_slice %arg5[%dma_start3A_764, %dma_start3A_765, %dma_start3A_766] : memref<2x2x128xi32, #tpu.memory_space<vmem>> -> memref<1x1x128xi32, #tpu.memory_space<vmem>>
        %dma_start3A_768 = tpu.memref_squeeze %dma_start3A_767 : memref<1x1x128xi32, #tpu.memory_space<vmem>> -> memref<128xi32, #tpu.memory_space<vmem>>
        %dma_start3A_769 = tpu.memref_slice %arg3[%select_n3A_743, %add3A_763] : memref<50x16384xi32, #tpu.memory_space<hbm>> -> memref<1x128xi32, #tpu.memory_space<hbm>>
        %dma_start3A_770 = tpu.memref_squeeze %dma_start3A_769 : memref<1x128xi32, #tpu.memory_space<hbm>> -> memref<128xi32, #tpu.memory_space<hbm>>
        %dma_start3A_771 = arith.constant 0 : i32
        %dma_start3A_772 = tpu.memref_slice %arg5[%dma_start3A_764, %dma_start3A_765, %dma_start3A_771] : memref<2x2x128xi32, #tpu.memory_space<vmem>> -> memref<1x1x128xi32, #tpu.memory_space<vmem>>
        %dma_start3A_773 = tpu.memref_squeeze %dma_start3A_772 : memref<1x1x128xi32, #tpu.memory_space<vmem>> -> memref<128xi32, #tpu.memory_space<vmem>>
        %dma_start3A_774 = tpu.memref_slice %arg3[%select_n3A_743, %add3A_763] : memref<50x16384xi32, #tpu.memory_space<hbm>> -> memref<1x128xi32, #tpu.memory_space<hbm>>
        %dma_start3A_775 = tpu.memref_squeeze %dma_start3A_774 : memref<1x128xi32, #tpu.memory_space<hbm>> -> memref<128xi32, #tpu.memory_space<hbm>>
        tpu.enqueue_dma source(%dma_start3A_775 : memref<128xi32, #tpu.memory_space<hbm>>) target(%dma_start3A_773 : memref<128xi32, #tpu.memory_space<vmem>>) target_semaphore(%arg8 : memref<!tpu.dma_semaphore, #tpu.memory_space<semaphore_mem>>)
        %add3A_776 = arith.constant 128 : i32
        %add3A_777 = arith.addi %mul3A_761, %add3A_776 : i32
        %dma_start3A_778 = arith.constant 0 : i32
        %dma_start3A_779 = arith.constant 1 : i32
        %dma_start3A_780 = arith.constant 0 : i32
        %dma_start3A_781 = tpu.memref_slice %arg5[%dma_start3A_778, %dma_start3A_779, %dma_start3A_780] : memref<2x2x128xi32, #tpu.memory_space<vmem>> -> memref<1x1x128xi32, #tpu.memory_space<vmem>>
        %dma_start3A_782 = tpu.memref_squeeze %dma_start3A_781 : memref<1x1x128xi32, #tpu.memory_space<vmem>> -> memref<128xi32, #tpu.memory_space<vmem>>
        %dma_start3A_783 = tpu.memref_slice %arg3[%select_n3A_743, %add3A_777] : memref<50x16384xi32, #tpu.memory_space<hbm>> -> memref<1x128xi32, #tpu.memory_space<hbm>>
        %dma_start3A_784 = tpu.memref_squeeze %dma_start3A_783 : memref<1x128xi32, #tpu.memory_space<hbm>> -> memref<128xi32, #tpu.memory_space<hbm>>
        %dma_start3A_785 = arith.constant 0 : i32
        %dma_start3A_786 = tpu.memref_slice %arg5[%dma_start3A_778, %dma_start3A_779, %dma_start3A_785] : memref<2x2x128xi32, #tpu.memory_space<vmem>> -> memref<1x1x128xi32, #tpu.memory_space<vmem>>
        %dma_start3A_787 = tpu.memref_squeeze %dma_start3A_786 : memref<1x1x128xi32, #tpu.memory_space<vmem>> -> memref<128xi32, #tpu.memory_space<vmem>>
        %dma_start3A_788 = tpu.memref_slice %arg3[%select_n3A_743, %add3A_777] : memref<50x16384xi32, #tpu.memory_space<hbm>> -> memref<1x128xi32, #tpu.memory_space<hbm>>
        %dma_start3A_789 = tpu.memref_squeeze %dma_start3A_788 : memref<1x128xi32, #tpu.memory_space<hbm>> -> memref<128xi32, #tpu.memory_space<hbm>>
        tpu.enqueue_dma source(%dma_start3A_789 : memref<128xi32, #tpu.memory_space<hbm>>) target(%dma_start3A_787 : memref<128xi32, #tpu.memory_space<vmem>>) target_semaphore(%arg8 : memref<!tpu.dma_semaphore, #tpu.memory_space<semaphore_mem>>)
      } else {
      }
      %parallel_loop3A = arith.constant 0 : i32
      %parallel_loop3A_348 = arith.constant 64 : i32
      %parallel_loop3A_349 = arith.constant 1 : i32
      %parallel_loop3A_350 = arith.constant 0 : i32
      %parallel_loop3A_351 = arith.constant 0 : i32
      scf.for %parallel_loop3A_717 = %parallel_loop3A to %parallel_loop3A_348 step %parallel_loop3A_349  : i32 {
        %parallel_loop3A_718 = vector.broadcast %parallel_loop3A_717 : i32 to vector<16xi32>
        %parallel_loop3A_719 = arith.constant 0 : i32
        %parallel_loop3A_720 = arith.constant 0 : i32
        %parallel_loop3A_721 = tpu.memref_slice %arg6[%parallel_loop3A_350, %parallel_loop3A_719, %parallel_loop3A_720] : memref<2x256x128xf32, #tpu.memory_space<vmem>> -> memref<1x256x128xf32, #tpu.memory_space<vmem>>
        %parallel_loop3A_722 = tpu.memref_squeeze %parallel_loop3A_721 : memref<1x256x128xf32, #tpu.memory_space<vmem>> -> memref<256x128xf32, #tpu.memory_space<vmem>>
        %parallel_loop3A_723 = tpu.vector_load_idx %parallel_loop3A_722[%add3A_5, %parallel_loop3A_718] : memref<256x128xf32, #tpu.memory_space<vmem>>[vector<16xi32>, vector<16xi32>], vector<16xf32>,
        %parallel_loop3A_724 = arith.constant 0 : i32
        %parallel_loop3A_725 = arith.constant 0 : i32
        %parallel_loop3A_726 = tpu.memref_slice %arg7[%parallel_loop3A_351, %parallel_loop3A_724, %parallel_loop3A_725] : memref<2x64x256xf32, #tpu.memory_space<vmem>> -> memref<1x64x256xf32, #tpu.memory_space<vmem>>
        %parallel_loop3A_727 = tpu.memref_squeeze %parallel_loop3A_726 : memref<1x64x256xf32, #tpu.memory_space<vmem>> -> memref<64x256xf32, #tpu.memory_space<vmem>>
        %parallel_loop3A_728 = arith.index_cast %parallel_loop3A_717 : i32 to index
        %parallel_loop3A_729 = arith.constant 0 : index
        %parallel_loop3A_730 = tpu.vector_load %parallel_loop3A_727[%parallel_loop3A_728, %parallel_loop3A_729] {strides = array<i32>} : memref<64x256xf32, #tpu.memory_space<vmem>>, vector<16xf32>,
        tpu.vector_store %parallel_loop3A_727[%parallel_loop3A_728, %parallel_loop3A_729], %parallel_loop3A_723 {strides = array<i32>} : memref<64x256xf32, #tpu.memory_space<vmem>>, vector<16xf32>,
        %parallel_loop3A_731 = arith.constant 0 : i32
        %parallel_loop3A_732 = arith.constant 0 : i32
        %parallel_loop3A_733 = tpu.memref_slice %arg6[%parallel_loop3A_350, %parallel_loop3A_731, %parallel_loop3A_732] : memref<2x256x128xf32, #tpu.memory_space<vmem>> -> memref<1x256x128xf32, #tpu.memory_space<vmem>>
        %parallel_loop3A_734 = tpu.memref_squeeze %parallel_loop3A_733 : memref<1x256x128xf32, #tpu.memory_space<vmem>> -> memref<256x128xf32, #tpu.memory_space<vmem>>
        %parallel_loop3A_735 = tpu.vector_load_idx %parallel_loop3A_734[%add3A_9, %parallel_loop3A_718] : memref<256x128xf32, #tpu.memory_space<vmem>>[vector<16xi32>, vector<16xi32>], vector<16xf32>,
        %parallel_loop3A_736 = arith.constant 0 : i32
        %parallel_loop3A_737 = arith.constant 0 : i32
        %parallel_loop3A_738 = tpu.memref_slice %arg7[%parallel_loop3A_351, %parallel_loop3A_736, %parallel_loop3A_737] : memref<2x64x256xf32, #tpu.memory_space<vmem>> -> memref<1x64x256xf32, #tpu.memory_space<vmem>>
        %parallel_loop3A_739 = tpu.memref_squeeze %parallel_loop3A_738 : memref<1x64x256xf32, #tpu.memory_space<vmem>> -> memref<64x256xf32, #tpu.memory_space<vmem>>
        %parallel_loop3A_740 = arith.index_cast %parallel_loop3A_717 : i32 to index
        %parallel_loop3A_741 = arith.constant 16 : index
        %parallel_loop3A_742 = tpu.vector_load %parallel_loop3A_739[%parallel_loop3A_740, %parallel_loop3A_741] {strides = array<i32>} : memref<64x256xf32, #tpu.memory_space<vmem>>, vector<16xf32>,
        tpu.vector_store %parallel_loop3A_739[%parallel_loop3A_740, %parallel_loop3A_741], %parallel_loop3A_735 {strides = array<i32>} : memref<64x256xf32, #tpu.memory_space<vmem>>, vector<16xf32>,
        %parallel_loop3A_743 = arith.constant 0 : i32
        %parallel_loop3A_744 = arith.constant 0 : i32
        %parallel_loop3A_745 = tpu.memref_slice %arg6[%parallel_loop3A_350, %parallel_loop3A_743, %parallel_loop3A_744] : memref<2x256x128xf32, #tpu.memory_space<vmem>> -> memref<1x256x128xf32, #tpu.memory_space<vmem>>
        %parallel_loop3A_746 = tpu.memref_squeeze %parallel_loop3A_745 : memref<1x256x128xf32, #tpu.memory_space<vmem>> -> memref<256x128xf32, #tpu.memory_space<vmem>>
        %parallel_loop3A_747 = tpu.vector_load_idx %parallel_loop3A_746[%add3A_13, %parallel_loop3A_718] : memref<256x128xf32, #tpu.memory_space<vmem>>[vector<16xi32>, vector<16xi32>], vector<16xf32>,
        %parallel_loop3A_748 = arith.constant 0 : i32
        %parallel_loop3A_749 = arith.constant 0 : i32
        %parallel_loop3A_750 = tpu.memref_slice %arg7[%parallel_loop3A_351, %parallel_loop3A_748, %parallel_loop3A_749] : memref<2x64x256xf32, #tpu.memory_space<vmem>> -> memref<1x64x256xf32, #tpu.memory_space<vmem>>
        %parallel_loop3A_751 = tpu.memref_squeeze %parallel_loop3A_750 : memref<1x64x256xf32, #tpu.memory_space<vmem>> -> memref<64x256xf32, #tpu.memory_space<vmem>>
        %parallel_loop3A_752 = arith.index_cast %parallel_loop3A_717 : i32 to index
        %parallel_loop3A_753 = arith.constant 32 : index
        %parallel_loop3A_754 = tpu.vector_load %parallel_loop3A_751[%parallel_loop3A_752, %parallel_loop3A_753] {strides = array<i32>} : memref<64x256xf32, #tpu.memory_space<vmem>>, vector<16xf32>,
        tpu.vector_store %parallel_loop3A_751[%parallel_loop3A_752, %parallel_loop3A_753], %parallel_loop3A_747 {strides = array<i32>} : memref<64x256xf32, #tpu.memory_space<vmem>>, vector<16xf32>,
        %parallel_loop3A_755 = arith.constant 0 : i32
        %parallel_loop3A_756 = arith.constant 0 : i32
        %parallel_loop3A_757 = tpu.memref_slice %arg6[%parallel_loop3A_350, %parallel_loop3A_755, %parallel_loop3A_756] : memref<2x256x128xf32, #tpu.memory_space<vmem>> -> memref<1x256x128xf32, #tpu.memory_space<vmem>>
        %parallel_loop3A_758 = tpu.memref_squeeze %parallel_loop3A_757 : memref<1x256x128xf32, #tpu.memory_space<vmem>> -> memref<256x128xf32, #tpu.memory_space<vmem>>
        %parallel_loop3A_759 = tpu.vector_load_idx %parallel_loop3A_758[%add3A_17, %parallel_loop3A_718] : memref<256x128xf32, #tpu.memory_space<vmem>>[vector<16xi32>, vector<16xi32>], vector<16xf32>,
        %parallel_loop3A_760 = arith.constant 0 : i32
        %parallel_loop3A_761 = arith.constant 0 : i32
        %parallel_loop3A_762 = tpu.memref_slice %arg7[%parallel_loop3A_351, %parallel_loop3A_760, %parallel_loop3A_761] : memref<2x64x256xf32, #tpu.memory_space<vmem>> -> memref<1x64x256xf32, #tpu.memory_space<vmem>>
        %parallel_loop3A_763 = tpu.memref_squeeze %parallel_loop3A_762 : memref<1x64x256xf32, #tpu.memory_space<vmem>> -> memref<64x256xf32, #tpu.memory_space<vmem>>
        %parallel_loop3A_764 = arith.index_cast %parallel_loop3A_717 : i32 to index
        %parallel_loop3A_765 = arith.constant 48 : index
        %parallel_loop3A_766 = tpu.vector_load %parallel_loop3A_763[%parallel_loop3A_764, %parallel_loop3A_765] {strides = array<i32>} : memref<64x256xf32, #tpu.memory_space<vmem>>, vector<16xf32>,
        tpu.vector_store %parallel_loop3A_763[%parallel_loop3A_764, %parallel_loop3A_765], %parallel_loop3A_759 {strides = array<i32>} : memref<64x256xf32, #tpu.memory_space<vmem>>, vector<16xf32>,
        %parallel_loop3A_767 = arith.constant 0 : i32
        %parallel_loop3A_768 = arith.constant 0 : i32
        %parallel_loop3A_769 = tpu.memref_slice %arg6[%parallel_loop3A_350, %parallel_loop3A_767, %parallel_loop3A_768] : memref<2x256x128xf32, #tpu.memory_space<vmem>> -> memref<1x256x128xf32, #tpu.memory_space<vmem>>
        %parallel_loop3A_770 = tpu.memref_squeeze %parallel_loop3A_769 : memref<1x256x128xf32, #tpu.memory_space<vmem>> -> memref<256x128xf32, #tpu.memory_space<vmem>>
        %parallel_loop3A_771 = tpu.vector_load_idx %parallel_loop3A_770[%add3A_21, %parallel_loop3A_718] : memref<256x128xf32, #tpu.memory_space<vmem>>[vector<16xi32>, vector<16xi32>], vector<16xf32>,
        %parallel_loop3A_772 = arith.constant 0 : i32
        %parallel_loop3A_773 = arith.constant 0 : i32
        %parallel_loop3A_774 = tpu.memref_slice %arg7[%parallel_loop3A_351, %parallel_loop3A_772, %parallel_loop3A_773] : memref<2x64x256xf32, #tpu.memory_space<vmem>> -> memref<1x64x256xf32, #tpu.memory_space<vmem>>
        %parallel_loop3A_775 = tpu.memref_squeeze %parallel_loop3A_774 : memref<1x64x256xf32, #tpu.memory_space<vmem>> -> memref<64x256xf32, #tpu.memory_space<vmem>>
        %parallel_loop3A_776 = arith.index_cast %parallel_loop3A_717 : i32 to index
        %parallel_loop3A_777 = arith.constant 64 : index
        %parallel_loop3A_778 = tpu.vector_load %parallel_loop3A_775[%parallel_loop3A_776, %parallel_loop3A_777] {strides = array<i32>} : memref<64x256xf32, #tpu.memory_space<vmem>>, vector<16xf32>,
        tpu.vector_store %parallel_loop3A_775[%parallel_loop3A_776, %parallel_loop3A_777], %parallel_loop3A_771 {strides = array<i32>} : memref<64x256xf32, #tpu.memory_space<vmem>>, vector<16xf32>,
        %parallel_loop3A_779 = arith.constant 0 : i32
        %parallel_loop3A_780 = arith.constant 0 : i32
        %parallel_loop3A_781 = tpu.memref_slice %arg6[%parallel_loop3A_350, %parallel_loop3A_779, %parallel_loop3A_780] : memref<2x256x128xf32, #tpu.memory_space<vmem>> -> memref<1x256x128xf32, #tpu.memory_space<vmem>>
        %parallel_loop3A_782 = tpu.memref_squeeze %parallel_loop3A_781 : memref<1x256x128xf32, #tpu.memory_space<vmem>> -> memref<256x128xf32, #tpu.memory_space<vmem>>
        %parallel_loop3A_783 = tpu.vector_load_idx %parallel_loop3A_782[%add3A_25, %parallel_loop3A_718] : memref<256x128xf32, #tpu.memory_space<vmem>>[vector<16xi32>, vector<16xi32>], vector<16xf32>,
        %parallel_loop3A_784 = arith.constant 0 : i32
        %parallel_loop3A_785 = arith.constant 0 : i32
        %parallel_loop3A_786 = tpu.memref_slice %arg7[%parallel_loop3A_351, %parallel_loop3A_784, %parallel_loop3A_785] : memref<2x64x256xf32, #tpu.memory_space<vmem>> -> memref<1x64x256xf32, #tpu.memory_space<vmem>>
        %parallel_loop3A_787 = tpu.memref_squeeze %parallel_loop3A_786 : memref<1x64x256xf32, #tpu.memory_space<vmem>> -> memref<64x256xf32, #tpu.memory_space<vmem>>
        %parallel_loop3A_788 = arith.index_cast %parallel_loop3A_717 : i32 to index
        %parallel_loop3A_789 = arith.constant 80 : index
        %parallel_loop3A_790 = tpu.vector_load %parallel_loop3A_787[%parallel_loop3A_788, %parallel_loop3A_789] {strides = array<i32>} : memref<64x256xf32, #tpu.memory_space<vmem>>, vector<16xf32>,
        tpu.vector_store %parallel_loop3A_787[%parallel_loop3A_788, %parallel_loop3A_789], %parallel_loop3A_783 {strides = array<i32>} : memref<64x256xf32, #tpu.memory_space<vmem>>, vector<16xf32>,
        %parallel_loop3A_791 = arith.constant 0 : i32
        %parallel_loop3A_792 = arith.constant 0 : i32
        %parallel_loop3A_793 = tpu.memref_slice %arg6[%parallel_loop3A_350, %parallel_loop3A_791, %parallel_loop3A_792] : memref<2x256x128xf32, #tpu.memory_space<vmem>> -> memref<1x256x128xf32, #tpu.memory_space<vmem>>
        %parallel_loop3A_794 = tpu.memref_squeeze %parallel_loop3A_793 : memref<1x256x128xf32, #tpu.memory_space<vmem>> -> memref<256x128xf32, #tpu.memory_space<vmem>>
        %parallel_loop3A_795 = tpu.vector_load_idx %parallel_loop3A_794[%add3A_29, %parallel_loop3A_718] : memref<256x128xf32, #tpu.memory_space<vmem>>[vector<16xi32>, vector<16xi32>], vector<16xf32>,
        %parallel_loop3A_796 = arith.constant 0 : i32
        %parallel_loop3A_797 = arith.constant 0 : i32
        %parallel_loop3A_798 = tpu.memref_slice %arg7[%parallel_loop3A_351, %parallel_loop3A_796, %parallel_loop3A_797] : memref<2x64x256xf32, #tpu.memory_space<vmem>> -> memref<1x64x256xf32, #tpu.memory_space<vmem>>
        %parallel_loop3A_799 = tpu.memref_squeeze %parallel_loop3A_798 : memref<1x64x256xf32, #tpu.memory_space<vmem>> -> memref<64x256xf32, #tpu.memory_space<vmem>>
        %parallel_loop3A_800 = arith.index_cast %parallel_loop3A_717 : i32 to index
        %parallel_loop3A_801 = arith.constant 96 : index
        %parallel_loop3A_802 = tpu.vector_load %parallel_loop3A_799[%parallel_loop3A_800, %parallel_loop3A_801] {strides = array<i32>} : memref<64x256xf32, #tpu.memory_space<vmem>>, vector<16xf32>,
        tpu.vector_store %parallel_loop3A_799[%parallel_loop3A_800, %parallel_loop3A_801], %parallel_loop3A_795 {strides = array<i32>} : memref<64x256xf32, #tpu.memory_space<vmem>>, vector<16xf32>,
        %parallel_loop3A_803 = arith.constant 0 : i32
        %parallel_loop3A_804 = arith.constant 0 : i32
        %parallel_loop3A_805 = tpu.memref_slice %arg6[%parallel_loop3A_350, %parallel_loop3A_803, %parallel_loop3A_804] : memref<2x256x128xf32, #tpu.memory_space<vmem>> -> memref<1x256x128xf32, #tpu.memory_space<vmem>>
        %parallel_loop3A_806 = tpu.memref_squeeze %parallel_loop3A_805 : memref<1x256x128xf32, #tpu.memory_space<vmem>> -> memref<256x128xf32, #tpu.memory_space<vmem>>
        %parallel_loop3A_807 = tpu.vector_load_idx %parallel_loop3A_806[%add3A_33, %parallel_loop3A_718] : memref<256x128xf32, #tpu.memory_space<vmem>>[vector<16xi32>, vector<16xi32>], vector<16xf32>,
        %parallel_loop3A_808 = arith.constant 0 : i32
        %parallel_loop3A_809 = arith.constant 0 : i32
        %parallel_loop3A_810 = tpu.memref_slice %arg7[%parallel_loop3A_351, %parallel_loop3A_808, %parallel_loop3A_809] : memref<2x64x256xf32, #tpu.memory_space<vmem>> -> memref<1x64x256xf32, #tpu.memory_space<vmem>>
        %parallel_loop3A_811 = tpu.memref_squeeze %parallel_loop3A_810 : memref<1x64x256xf32, #tpu.memory_space<vmem>> -> memref<64x256xf32, #tpu.memory_space<vmem>>
        %parallel_loop3A_812 = arith.index_cast %parallel_loop3A_717 : i32 to index
        %parallel_loop3A_813 = arith.constant 112 : index
        %parallel_loop3A_814 = tpu.vector_load %parallel_loop3A_811[%parallel_loop3A_812, %parallel_loop3A_813] {strides = array<i32>} : memref<64x256xf32, #tpu.memory_space<vmem>>, vector<16xf32>,
        tpu.vector_store %parallel_loop3A_811[%parallel_loop3A_812, %parallel_loop3A_813], %parallel_loop3A_807 {strides = array<i32>} : memref<64x256xf32, #tpu.memory_space<vmem>>, vector<16xf32>,
        %parallel_loop3A_815 = arith.constant 0 : i32
        %parallel_loop3A_816 = arith.constant 0 : i32
        %parallel_loop3A_817 = tpu.memref_slice %arg6[%parallel_loop3A_350, %parallel_loop3A_815, %parallel_loop3A_816] : memref<2x256x128xf32, #tpu.memory_space<vmem>> -> memref<1x256x128xf32, #tpu.memory_space<vmem>>
        %parallel_loop3A_818 = tpu.memref_squeeze %parallel_loop3A_817 : memref<1x256x128xf32, #tpu.memory_space<vmem>> -> memref<256x128xf32, #tpu.memory_space<vmem>>
        %parallel_loop3A_819 = tpu.vector_load_idx %parallel_loop3A_818[%add3A_37, %parallel_loop3A_718] : memref<256x128xf32, #tpu.memory_space<vmem>>[vector<16xi32>, vector<16xi32>], vector<16xf32>,
        %parallel_loop3A_820 = arith.constant 0 : i32
        %parallel_loop3A_821 = arith.constant 0 : i32
        %parallel_loop3A_822 = tpu.memref_slice %arg7[%parallel_loop3A_351, %parallel_loop3A_820, %parallel_loop3A_821] : memref<2x64x256xf32, #tpu.memory_space<vmem>> -> memref<1x64x256xf32, #tpu.memory_space<vmem>>
        %parallel_loop3A_823 = tpu.memref_squeeze %parallel_loop3A_822 : memref<1x64x256xf32, #tpu.memory_space<vmem>> -> memref<64x256xf32, #tpu.memory_space<vmem>>
        %parallel_loop3A_824 = arith.index_cast %parallel_loop3A_717 : i32 to index
        %parallel_loop3A_825 = arith.constant 128 : index
        %parallel_loop3A_826 = tpu.vector_load %parallel_loop3A_823[%parallel_loop3A_824, %parallel_loop3A_825] {strides = array<i32>} : memref<64x256xf32, #tpu.memory_space<vmem>>, vector<16xf32>,
        tpu.vector_store %parallel_loop3A_823[%parallel_loop3A_824, %parallel_loop3A_825], %parallel_loop3A_819 {strides = array<i32>} : memref<64x256xf32, #tpu.memory_space<vmem>>, vector<16xf32>,
        %parallel_loop3A_827 = arith.constant 0 : i32
        %parallel_loop3A_828 = arith.constant 0 : i32
        %parallel_loop3A_829 = tpu.memref_slice %arg6[%parallel_loop3A_350, %parallel_loop3A_827, %parallel_loop3A_828] : memref<2x256x128xf32, #tpu.memory_space<vmem>> -> memref<1x256x128xf32, #tpu.memory_space<vmem>>
        %parallel_loop3A_830 = tpu.memref_squeeze %parallel_loop3A_829 : memref<1x256x128xf32, #tpu.memory_space<vmem>> -> memref<256x128xf32, #tpu.memory_space<vmem>>
        %parallel_loop3A_831 = tpu.vector_load_idx %parallel_loop3A_830[%add3A_41, %parallel_loop3A_718] : memref<256x128xf32, #tpu.memory_space<vmem>>[vector<16xi32>, vector<16xi32>], vector<16xf32>,
        %parallel_loop3A_832 = arith.constant 0 : i32
        %parallel_loop3A_833 = arith.constant 0 : i32
        %parallel_loop3A_834 = tpu.memref_slice %arg7[%parallel_loop3A_351, %parallel_loop3A_832, %parallel_loop3A_833] : memref<2x64x256xf32, #tpu.memory_space<vmem>> -> memref<1x64x256xf32, #tpu.memory_space<vmem>>
        %parallel_loop3A_835 = tpu.memref_squeeze %parallel_loop3A_834 : memref<1x64x256xf32, #tpu.memory_space<vmem>> -> memref<64x256xf32, #tpu.memory_space<vmem>>
        %parallel_loop3A_836 = arith.index_cast %parallel_loop3A_717 : i32 to index
        %parallel_loop3A_837 = arith.constant 144 : index
        %parallel_loop3A_838 = tpu.vector_load %parallel_loop3A_835[%parallel_loop3A_836, %parallel_loop3A_837] {strides = array<i32>} : memref<64x256xf32, #tpu.memory_space<vmem>>, vector<16xf32>,
        tpu.vector_store %parallel_loop3A_835[%parallel_loop3A_836, %parallel_loop3A_837], %parallel_loop3A_831 {strides = array<i32>} : memref<64x256xf32, #tpu.memory_space<vmem>>, vector<16xf32>,
        %parallel_loop3A_839 = arith.constant 0 : i32
        %parallel_loop3A_840 = arith.constant 0 : i32
        %parallel_loop3A_841 = tpu.memref_slice %arg6[%parallel_loop3A_350, %parallel_loop3A_839, %parallel_loop3A_840] : memref<2x256x128xf32, #tpu.memory_space<vmem>> -> memref<1x256x128xf32, #tpu.memory_space<vmem>>
        %parallel_loop3A_842 = tpu.memref_squeeze %parallel_loop3A_841 : memref<1x256x128xf32, #tpu.memory_space<vmem>> -> memref<256x128xf32, #tpu.memory_space<vmem>>
        %parallel_loop3A_843 = tpu.vector_load_idx %parallel_loop3A_842[%add3A_45, %parallel_loop3A_718] : memref<256x128xf32, #tpu.memory_space<vmem>>[vector<16xi32>, vector<16xi32>], vector<16xf32>,
        %parallel_loop3A_844 = arith.constant 0 : i32
        %parallel_loop3A_845 = arith.constant 0 : i32
        %parallel_loop3A_846 = tpu.memref_slice %arg7[%parallel_loop3A_351, %parallel_loop3A_844, %parallel_loop3A_845] : memref<2x64x256xf32, #tpu.memory_space<vmem>> -> memref<1x64x256xf32, #tpu.memory_space<vmem>>
        %parallel_loop3A_847 = tpu.memref_squeeze %parallel_loop3A_846 : memref<1x64x256xf32, #tpu.memory_space<vmem>> -> memref<64x256xf32, #tpu.memory_space<vmem>>
        %parallel_loop3A_848 = arith.index_cast %parallel_loop3A_717 : i32 to index
        %parallel_loop3A_849 = arith.constant 160 : index
        %parallel_loop3A_850 = tpu.vector_load %parallel_loop3A_847[%parallel_loop3A_848, %parallel_loop3A_849] {strides = array<i32>} : memref<64x256xf32, #tpu.memory_space<vmem>>, vector<16xf32>,
        tpu.vector_store %parallel_loop3A_847[%parallel_loop3A_848, %parallel_loop3A_849], %parallel_loop3A_843 {strides = array<i32>} : memref<64x256xf32, #tpu.memory_space<vmem>>, vector<16xf32>,
        %parallel_loop3A_851 = arith.constant 0 : i32
        %parallel_loop3A_852 = arith.constant 0 : i32
        %parallel_loop3A_853 = tpu.memref_slice %arg6[%parallel_loop3A_350, %parallel_loop3A_851, %parallel_loop3A_852] : memref<2x256x128xf32, #tpu.memory_space<vmem>> -> memref<1x256x128xf32, #tpu.memory_space<vmem>>
        %parallel_loop3A_854 = tpu.memref_squeeze %parallel_loop3A_853 : memref<1x256x128xf32, #tpu.memory_space<vmem>> -> memref<256x128xf32, #tpu.memory_space<vmem>>
        %parallel_loop3A_855 = tpu.vector_load_idx %parallel_loop3A_854[%add3A_49, %parallel_loop3A_718] : memref<256x128xf32, #tpu.memory_space<vmem>>[vector<16xi32>, vector<16xi32>], vector<16xf32>,
        %parallel_loop3A_856 = arith.constant 0 : i32
        %parallel_loop3A_857 = arith.constant 0 : i32
        %parallel_loop3A_858 = tpu.memref_slice %arg7[%parallel_loop3A_351, %parallel_loop3A_856, %parallel_loop3A_857] : memref<2x64x256xf32, #tpu.memory_space<vmem>> -> memref<1x64x256xf32, #tpu.memory_space<vmem>>
        %parallel_loop3A_859 = tpu.memref_squeeze %parallel_loop3A_858 : memref<1x64x256xf32, #tpu.memory_space<vmem>> -> memref<64x256xf32, #tpu.memory_space<vmem>>
        %parallel_loop3A_860 = arith.index_cast %parallel_loop3A_717 : i32 to index
        %parallel_loop3A_861 = arith.constant 176 : index
        %parallel_loop3A_862 = tpu.vector_load %parallel_loop3A_859[%parallel_loop3A_860, %parallel_loop3A_861] {strides = array<i32>} : memref<64x256xf32, #tpu.memory_space<vmem>>, vector<16xf32>,
        tpu.vector_store %parallel_loop3A_859[%parallel_loop3A_860, %parallel_loop3A_861], %parallel_loop3A_855 {strides = array<i32>} : memref<64x256xf32, #tpu.memory_space<vmem>>, vector<16xf32>,
        %parallel_loop3A_863 = arith.constant 0 : i32
        %parallel_loop3A_864 = arith.constant 0 : i32
        %parallel_loop3A_865 = tpu.memref_slice %arg6[%parallel_loop3A_350, %parallel_loop3A_863, %parallel_loop3A_864] : memref<2x256x128xf32, #tpu.memory_space<vmem>> -> memref<1x256x128xf32, #tpu.memory_space<vmem>>
        %parallel_loop3A_866 = tpu.memref_squeeze %parallel_loop3A_865 : memref<1x256x128xf32, #tpu.memory_space<vmem>> -> memref<256x128xf32, #tpu.memory_space<vmem>>
        %parallel_loop3A_867 = tpu.vector_load_idx %parallel_loop3A_866[%add3A_53, %parallel_loop3A_718] : memref<256x128xf32, #tpu.memory_space<vmem>>[vector<16xi32>, vector<16xi32>], vector<16xf32>,
        %parallel_loop3A_868 = arith.constant 0 : i32
        %parallel_loop3A_869 = arith.constant 0 : i32
        %parallel_loop3A_870 = tpu.memref_slice %arg7[%parallel_loop3A_351, %parallel_loop3A_868, %parallel_loop3A_869] : memref<2x64x256xf32, #tpu.memory_space<vmem>> -> memref<1x64x256xf32, #tpu.memory_space<vmem>>
        %parallel_loop3A_871 = tpu.memref_squeeze %parallel_loop3A_870 : memref<1x64x256xf32, #tpu.memory_space<vmem>> -> memref<64x256xf32, #tpu.memory_space<vmem>>
        %parallel_loop3A_872 = arith.index_cast %parallel_loop3A_717 : i32 to index
        %parallel_loop3A_873 = arith.constant 192 : index
        %parallel_loop3A_874 = tpu.vector_load %parallel_loop3A_871[%parallel_loop3A_872, %parallel_loop3A_873] {strides = array<i32>} : memref<64x256xf32, #tpu.memory_space<vmem>>, vector<16xf32>,
        tpu.vector_store %parallel_loop3A_871[%parallel_loop3A_872, %parallel_loop3A_873], %parallel_loop3A_867 {strides = array<i32>} : memref<64x256xf32, #tpu.memory_space<vmem>>, vector<16xf32>,
        %parallel_loop3A_875 = arith.constant 0 : i32
        %parallel_loop3A_876 = arith.constant 0 : i32
        %parallel_loop3A_877 = tpu.memref_slice %arg6[%parallel_loop3A_350, %parallel_loop3A_875, %parallel_loop3A_876] : memref<2x256x128xf32, #tpu.memory_space<vmem>> -> memref<1x256x128xf32, #tpu.memory_space<vmem>>
        %parallel_loop3A_878 = tpu.memref_squeeze %parallel_loop3A_877 : memref<1x256x128xf32, #tpu.memory_space<vmem>> -> memref<256x128xf32, #tpu.memory_space<vmem>>
        %parallel_loop3A_879 = tpu.vector_load_idx %parallel_loop3A_878[%add3A_57, %parallel_loop3A_718] : memref<256x128xf32, #tpu.memory_space<vmem>>[vector<16xi32>, vector<16xi32>], vector<16xf32>,
        %parallel_loop3A_880 = arith.constant 0 : i32
        %parallel_loop3A_881 = arith.constant 0 : i32
        %parallel_loop3A_882 = tpu.memref_slice %arg7[%parallel_loop3A_351, %parallel_loop3A_880, %parallel_loop3A_881] : memref<2x64x256xf32, #tpu.memory_space<vmem>> -> memref<1x64x256xf32, #tpu.memory_space<vmem>>
        %parallel_loop3A_883 = tpu.memref_squeeze %parallel_loop3A_882 : memref<1x64x256xf32, #tpu.memory_space<vmem>> -> memref<64x256xf32, #tpu.memory_space<vmem>>
        %parallel_loop3A_884 = arith.index_cast %parallel_loop3A_717 : i32 to index
        %parallel_loop3A_885 = arith.constant 208 : index
        %parallel_loop3A_886 = tpu.vector_load %parallel_loop3A_883[%parallel_loop3A_884, %parallel_loop3A_885] {strides = array<i32>} : memref<64x256xf32, #tpu.memory_space<vmem>>, vector<16xf32>,
        tpu.vector_store %parallel_loop3A_883[%parallel_loop3A_884, %parallel_loop3A_885], %parallel_loop3A_879 {strides = array<i32>} : memref<64x256xf32, #tpu.memory_space<vmem>>, vector<16xf32>,
        %parallel_loop3A_887 = arith.constant 0 : i32
        %parallel_loop3A_888 = arith.constant 0 : i32
        %parallel_loop3A_889 = tpu.memref_slice %arg6[%parallel_loop3A_350, %parallel_loop3A_887, %parallel_loop3A_888] : memref<2x256x128xf32, #tpu.memory_space<vmem>> -> memref<1x256x128xf32, #tpu.memory_space<vmem>>
        %parallel_loop3A_890 = tpu.memref_squeeze %parallel_loop3A_889 : memref<1x256x128xf32, #tpu.memory_space<vmem>> -> memref<256x128xf32, #tpu.memory_space<vmem>>
        %parallel_loop3A_891 = tpu.vector_load_idx %parallel_loop3A_890[%add3A_61, %parallel_loop3A_718] : memref<256x128xf32, #tpu.memory_space<vmem>>[vector<16xi32>, vector<16xi32>], vector<16xf32>,
        %parallel_loop3A_892 = arith.constant 0 : i32
        %parallel_loop3A_893 = arith.constant 0 : i32
        %parallel_loop3A_894 = tpu.memref_slice %arg7[%parallel_loop3A_351, %parallel_loop3A_892, %parallel_loop3A_893] : memref<2x64x256xf32, #tpu.memory_space<vmem>> -> memref<1x64x256xf32, #tpu.memory_space<vmem>>
        %parallel_loop3A_895 = tpu.memref_squeeze %parallel_loop3A_894 : memref<1x64x256xf32, #tpu.memory_space<vmem>> -> memref<64x256xf32, #tpu.memory_space<vmem>>
        %parallel_loop3A_896 = arith.index_cast %parallel_loop3A_717 : i32 to index
        %parallel_loop3A_897 = arith.constant 224 : index
        %parallel_loop3A_898 = tpu.vector_load %parallel_loop3A_895[%parallel_loop3A_896, %parallel_loop3A_897] {strides = array<i32>} : memref<64x256xf32, #tpu.memory_space<vmem>>, vector<16xf32>,
        tpu.vector_store %parallel_loop3A_895[%parallel_loop3A_896, %parallel_loop3A_897], %parallel_loop3A_891 {strides = array<i32>} : memref<64x256xf32, #tpu.memory_space<vmem>>, vector<16xf32>,
        %parallel_loop3A_899 = arith.constant 0 : i32
        %parallel_loop3A_900 = arith.constant 0 : i32
        %parallel_loop3A_901 = tpu.memref_slice %arg6[%parallel_loop3A_350, %parallel_loop3A_899, %parallel_loop3A_900] : memref<2x256x128xf32, #tpu.memory_space<vmem>> -> memref<1x256x128xf32, #tpu.memory_space<vmem>>
        %parallel_loop3A_902 = tpu.memref_squeeze %parallel_loop3A_901 : memref<1x256x128xf32, #tpu.memory_space<vmem>> -> memref<256x128xf32, #tpu.memory_space<vmem>>
        %parallel_loop3A_903 = tpu.vector_load_idx %parallel_loop3A_902[%add3A_65, %parallel_loop3A_718] : memref<256x128xf32, #tpu.memory_space<vmem>>[vector<16xi32>, vector<16xi32>], vector<16xf32>,
        %parallel_loop3A_904 = arith.constant 0 : i32
        %parallel_loop3A_905 = arith.constant 0 : i32
        %parallel_loop3A_906 = tpu.memref_slice %arg7[%parallel_loop3A_351, %parallel_loop3A_904, %parallel_loop3A_905] : memref<2x64x256xf32, #tpu.memory_space<vmem>> -> memref<1x64x256xf32, #tpu.memory_space<vmem>>
        %parallel_loop3A_907 = tpu.memref_squeeze %parallel_loop3A_906 : memref<1x64x256xf32, #tpu.memory_space<vmem>> -> memref<64x256xf32, #tpu.memory_space<vmem>>
        %parallel_loop3A_908 = arith.index_cast %parallel_loop3A_717 : i32 to index
        %parallel_loop3A_909 = arith.constant 240 : index
        %parallel_loop3A_910 = tpu.vector_load %parallel_loop3A_907[%parallel_loop3A_908, %parallel_loop3A_909] {strides = array<i32>} : memref<64x256xf32, #tpu.memory_space<vmem>>, vector<16xf32>,
        tpu.vector_store %parallel_loop3A_907[%parallel_loop3A_908, %parallel_loop3A_909], %parallel_loop3A_903 {strides = array<i32>} : memref<64x256xf32, #tpu.memory_space<vmem>>, vector<16xf32>,
      } {sc.loop_unroll_factor = 8 : i64, sc.parallel_access}
      %add3A_352 = arith.addi %mul3A_2, %add3A_284 : i32
      %jit3A_353 = arith.constant 64 : i32
      %div3A_354 = arith.divsi %add3A_352, %jit3A_353 : i32
      %sign3A_355 = arith.constant 0 : i32
      %sign3A_356 = arith.cmpi sgt, %add3A_352, %sign3A_355 : i32
      %sign3A_357 = arith.extui %sign3A_356 : i1 to i32
      %sign3A_358 = arith.constant 0 : i32
      %sign3A_359 = arith.cmpi slt, %add3A_352, %sign3A_358 : i32
      %sign3A_360 = arith.extui %sign3A_359 : i1 to i32
      %sign3A_361 = arith.subi %sign3A_357, %sign3A_360 : i32
      %sign3A_362 = arith.constant 0 : i32
      %sign3A_363 = arith.cmpi sgt, %jit3A_353, %sign3A_362 : i32
      %sign3A_364 = arith.extui %sign3A_363 : i1 to i32
      %sign3A_365 = arith.constant 0 : i32
      %sign3A_366 = arith.cmpi slt, %jit3A_353, %sign3A_365 : i32
      %sign3A_367 = arith.extui %sign3A_366 : i1 to i32
      %sign3A_368 = arith.subi %sign3A_364, %sign3A_367 : i32
      %ne3A_369 = arith.cmpi ne, %sign3A_361, %sign3A_368 : i32
      %rem3A_370 = arith.remsi %add3A_352, %jit3A_353 : i32
      %ne3A_371 = arith.constant 0 : i32
      %ne3A_372 = arith.cmpi ne, %rem3A_370, %ne3A_371 : i32
      %and3A_373 = arith.andi %ne3A_369, %ne3A_372 : i1
      %sub3A_374 = arith.constant 1 : i32
      %sub3A_375 = arith.subi %div3A_354, %sub3A_374 : i32
      %select_n3A_376 = arith.select %and3A_373, %sub3A_375, %div3A_354 : i32
      %jit3A_377 = arith.constant 64 : i32
      %eq3A_378 = arith.constant 0 : i32
      %eq3A_379 = arith.cmpi eq, %jit3A_377, %eq3A_378 : i32
      %jit3A_380 = arith.constant 1 : i32
      %select_n3A_381 = arith.select %eq3A_379, %jit3A_380, %jit3A_377 : i32
      %rem3A_382 = arith.remsi %add3A_352, %select_n3A_381 : i32
      %ne3A_383 = arith.constant 0 : i32
      %ne3A_384 = arith.cmpi ne, %rem3A_382, %ne3A_383 : i32
      %lt3A_385 = arith.constant 0 : i32
      %lt3A_386 = arith.cmpi slt, %rem3A_382, %lt3A_385 : i32
      %lt3A_387 = arith.constant 0 : i32
      %lt3A_388 = arith.cmpi slt, %select_n3A_381, %lt3A_387 : i32
      %ne3A_389 = arith.xori %lt3A_386, %lt3A_388 : i1
      %and3A_390 = arith.andi %ne3A_389, %ne3A_384 : i1
      %add3A_391 = arith.addi %rem3A_382, %select_n3A_381 : i32
      %select_n3A_392 = arith.select %and3A_390, %add3A_391, %rem3A_382 : i32
      %mul3A_393 = arith.constant 256 : i32
      %mul3A_394 = arith.muli %select_n3A_392, %mul3A_393 : i32
      %dma_start3A_395 = arith.constant 0 : i32
      %dma_start3A_396 = arith.constant 0 : i32
      %dma_start3A_397 = arith.constant 0 : i32
      %dma_start3A_398 = tpu.memref_slice %arg7[%dma_start3A_395, %dma_start3A_396, %dma_start3A_397] : memref<2x64x256xf32, #tpu.memory_space<vmem>> -> memref<1x8x256xf32, #tpu.memory_space<vmem>>
      %dma_start3A_399 = tpu.memref_squeeze %dma_start3A_398 : memref<1x8x256xf32, #tpu.memory_space<vmem>> -> memref<8x256xf32, #tpu.memory_space<vmem>>
      %dma_start3A_400 = arith.constant 0 : i32
      %dma_start3A_401 = tpu.memref_slice %arg4[%select_n3A_376, %dma_start3A_400, %mul3A_394] : memref<50x64x16384xf32, #tpu.memory_space<hbm>> -> memref<1x8x256xf32, #tpu.memory_space<hbm>>
      %dma_start3A_402 = tpu.memref_squeeze %dma_start3A_401 : memref<1x8x256xf32, #tpu.memory_space<hbm>> -> memref<8x256xf32, #tpu.memory_space<hbm>>
      %dma_start3A_403 = arith.constant 0 : i32
      %dma_start3A_404 = tpu.memref_slice %arg4[%select_n3A_376, %dma_start3A_403, %mul3A_394] : memref<50x64x16384xf32, #tpu.memory_space<hbm>> -> memref<1x8x256xf32, #tpu.memory_space<hbm>>
      %dma_start3A_405 = tpu.memref_squeeze %dma_start3A_404 : memref<1x8x256xf32, #tpu.memory_space<hbm>> -> memref<8x256xf32, #tpu.memory_space<hbm>>
      %dma_start3A_406 = arith.constant 0 : i32
      %dma_start3A_407 = arith.constant 0 : i32
      %dma_start3A_408 = tpu.memref_slice %arg7[%dma_start3A_395, %dma_start3A_406, %dma_start3A_407] : memref<2x64x256xf32, #tpu.memory_space<vmem>> -> memref<1x8x256xf32, #tpu.memory_space<vmem>>
      %dma_start3A_409 = tpu.memref_squeeze %dma_start3A_408 : memref<1x8x256xf32, #tpu.memory_space<vmem>> -> memref<8x256xf32, #tpu.memory_space<vmem>>
      tpu.enqueue_dma source(%dma_start3A_409 : memref<8x256xf32, #tpu.memory_space<vmem>>) target(%dma_start3A_405 : memref<8x256xf32, #tpu.memory_space<hbm>>) target_semaphore(%arg10 : memref<!tpu.dma_semaphore, #tpu.memory_space<semaphore_mem>>)
      %dma_start3A_410 = arith.constant 0 : i32
      %dma_start3A_411 = arith.constant 8 : i32
      %dma_start3A_412 = arith.constant 0 : i32
      %dma_start3A_413 = tpu.memref_slice %arg7[%dma_start3A_410, %dma_start3A_411, %dma_start3A_412] : memref<2x64x256xf32, #tpu.memory_space<vmem>> -> memref<1x8x256xf32, #tpu.memory_space<vmem>>
      %dma_start3A_414 = tpu.memref_squeeze %dma_start3A_413 : memref<1x8x256xf32, #tpu.memory_space<vmem>> -> memref<8x256xf32, #tpu.memory_space<vmem>>
      %dma_start3A_415 = arith.constant 8 : i32
      %dma_start3A_416 = tpu.memref_slice %arg4[%select_n3A_376, %dma_start3A_415, %mul3A_394] : memref<50x64x16384xf32, #tpu.memory_space<hbm>> -> memref<1x8x256xf32, #tpu.memory_space<hbm>>
      %dma_start3A_417 = tpu.memref_squeeze %dma_start3A_416 : memref<1x8x256xf32, #tpu.memory_space<hbm>> -> memref<8x256xf32, #tpu.memory_space<hbm>>
      %dma_start3A_418 = arith.constant 8 : i32
      %dma_start3A_419 = tpu.memref_slice %arg4[%select_n3A_376, %dma_start3A_418, %mul3A_394] : memref<50x64x16384xf32, #tpu.memory_space<hbm>> -> memref<1x8x256xf32, #tpu.memory_space<hbm>>
      %dma_start3A_420 = tpu.memref_squeeze %dma_start3A_419 : memref<1x8x256xf32, #tpu.memory_space<hbm>> -> memref<8x256xf32, #tpu.memory_space<hbm>>
      %dma_start3A_421 = arith.constant 8 : i32
      %dma_start3A_422 = arith.constant 0 : i32
      %dma_start3A_423 = tpu.memref_slice %arg7[%dma_start3A_410, %dma_start3A_421, %dma_start3A_422] : memref<2x64x256xf32, #tpu.memory_space<vmem>> -> memref<1x8x256xf32, #tpu.memory_space<vmem>>
      %dma_start3A_424 = tpu.memref_squeeze %dma_start3A_423 : memref<1x8x256xf32, #tpu.memory_space<vmem>> -> memref<8x256xf32, #tpu.memory_space<vmem>>
      tpu.enqueue_dma source(%dma_start3A_424 : memref<8x256xf32, #tpu.memory_space<vmem>>) target(%dma_start3A_420 : memref<8x256xf32, #tpu.memory_space<hbm>>) target_semaphore(%arg10 : memref<!tpu.dma_semaphore, #tpu.memory_space<semaphore_mem>>)
      %dma_start3A_425 = arith.constant 0 : i32
      %dma_start3A_426 = arith.constant 16 : i32
      %dma_start3A_427 = arith.constant 0 : i32
      %dma_start3A_428 = tpu.memref_slice %arg7[%dma_start3A_425, %dma_start3A_426, %dma_start3A_427] : memref<2x64x256xf32, #tpu.memory_space<vmem>> -> memref<1x8x256xf32, #tpu.memory_space<vmem>>
      %dma_start3A_429 = tpu.memref_squeeze %dma_start3A_428 : memref<1x8x256xf32, #tpu.memory_space<vmem>> -> memref<8x256xf32, #tpu.memory_space<vmem>>
      %dma_start3A_430 = arith.constant 16 : i32
      %dma_start3A_431 = tpu.memref_slice %arg4[%select_n3A_376, %dma_start3A_430, %mul3A_394] : memref<50x64x16384xf32, #tpu.memory_space<hbm>> -> memref<1x8x256xf32, #tpu.memory_space<hbm>>
      %dma_start3A_432 = tpu.memref_squeeze %dma_start3A_431 : memref<1x8x256xf32, #tpu.memory_space<hbm>> -> memref<8x256xf32, #tpu.memory_space<hbm>>
      %dma_start3A_433 = arith.constant 16 : i32
      %dma_start3A_434 = tpu.memref_slice %arg4[%select_n3A_376, %dma_start3A_433, %mul3A_394] : memref<50x64x16384xf32, #tpu.memory_space<hbm>> -> memref<1x8x256xf32, #tpu.memory_space<hbm>>
      %dma_start3A_435 = tpu.memref_squeeze %dma_start3A_434 : memref<1x8x256xf32, #tpu.memory_space<hbm>> -> memref<8x256xf32, #tpu.memory_space<hbm>>
      %dma_start3A_436 = arith.constant 16 : i32
      %dma_start3A_437 = arith.constant 0 : i32
      %dma_start3A_438 = tpu.memref_slice %arg7[%dma_start3A_425, %dma_start3A_436, %dma_start3A_437] : memref<2x64x256xf32, #tpu.memory_space<vmem>> -> memref<1x8x256xf32, #tpu.memory_space<vmem>>
      %dma_start3A_439 = tpu.memref_squeeze %dma_start3A_438 : memref<1x8x256xf32, #tpu.memory_space<vmem>> -> memref<8x256xf32, #tpu.memory_space<vmem>>
      tpu.enqueue_dma source(%dma_start3A_439 : memref<8x256xf32, #tpu.memory_space<vmem>>) target(%dma_start3A_435 : memref<8x256xf32, #tpu.memory_space<hbm>>) target_semaphore(%arg10 : memref<!tpu.dma_semaphore, #tpu.memory_space<semaphore_mem>>)
      %dma_start3A_440 = arith.constant 0 : i32
      %dma_start3A_441 = arith.constant 24 : i32
      %dma_start3A_442 = arith.constant 0 : i32
      %dma_start3A_443 = tpu.memref_slice %arg7[%dma_start3A_440, %dma_start3A_441, %dma_start3A_442] : memref<2x64x256xf32, #tpu.memory_space<vmem>> -> memref<1x8x256xf32, #tpu.memory_space<vmem>>
      %dma_start3A_444 = tpu.memref_squeeze %dma_start3A_443 : memref<1x8x256xf32, #tpu.memory_space<vmem>> -> memref<8x256xf32, #tpu.memory_space<vmem>>
      %dma_start3A_445 = arith.constant 24 : i32
      %dma_start3A_446 = tpu.memref_slice %arg4[%select_n3A_376, %dma_start3A_445, %mul3A_394] : memref<50x64x16384xf32, #tpu.memory_space<hbm>> -> memref<1x8x256xf32, #tpu.memory_space<hbm>>
      %dma_start3A_447 = tpu.memref_squeeze %dma_start3A_446 : memref<1x8x256xf32, #tpu.memory_space<hbm>> -> memref<8x256xf32, #tpu.memory_space<hbm>>
      %dma_start3A_448 = arith.constant 24 : i32
      %dma_start3A_449 = tpu.memref_slice %arg4[%select_n3A_376, %dma_start3A_448, %mul3A_394] : memref<50x64x16384xf32, #tpu.memory_space<hbm>> -> memref<1x8x256xf32, #tpu.memory_space<hbm>>
      %dma_start3A_450 = tpu.memref_squeeze %dma_start3A_449 : memref<1x8x256xf32, #tpu.memory_space<hbm>> -> memref<8x256xf32, #tpu.memory_space<hbm>>
      %dma_start3A_451 = arith.constant 24 : i32
      %dma_start3A_452 = arith.constant 0 : i32
      %dma_start3A_453 = tpu.memref_slice %arg7[%dma_start3A_440, %dma_start3A_451, %dma_start3A_452] : memref<2x64x256xf32, #tpu.memory_space<vmem>> -> memref<1x8x256xf32, #tpu.memory_space<vmem>>
      %dma_start3A_454 = tpu.memref_squeeze %dma_start3A_453 : memref<1x8x256xf32, #tpu.memory_space<vmem>> -> memref<8x256xf32, #tpu.memory_space<vmem>>
      tpu.enqueue_dma source(%dma_start3A_454 : memref<8x256xf32, #tpu.memory_space<vmem>>) target(%dma_start3A_450 : memref<8x256xf32, #tpu.memory_space<hbm>>) target_semaphore(%arg10 : memref<!tpu.dma_semaphore, #tpu.memory_space<semaphore_mem>>)
      %dma_start3A_455 = arith.constant 0 : i32
      %dma_start3A_456 = arith.constant 32 : i32
      %dma_start3A_457 = arith.constant 0 : i32
      %dma_start3A_458 = tpu.memref_slice %arg7[%dma_start3A_455, %dma_start3A_456, %dma_start3A_457] : memref<2x64x256xf32, #tpu.memory_space<vmem>> -> memref<1x8x256xf32, #tpu.memory_space<vmem>>
      %dma_start3A_459 = tpu.memref_squeeze %dma_start3A_458 : memref<1x8x256xf32, #tpu.memory_space<vmem>> -> memref<8x256xf32, #tpu.memory_space<vmem>>
      %dma_start3A_460 = arith.constant 32 : i32
      %dma_start3A_461 = tpu.memref_slice %arg4[%select_n3A_376, %dma_start3A_460, %mul3A_394] : memref<50x64x16384xf32, #tpu.memory_space<hbm>> -> memref<1x8x256xf32, #tpu.memory_space<hbm>>
      %dma_start3A_462 = tpu.memref_squeeze %dma_start3A_461 : memref<1x8x256xf32, #tpu.memory_space<hbm>> -> memref<8x256xf32, #tpu.memory_space<hbm>>
      %dma_start3A_463 = arith.constant 32 : i32
      %dma_start3A_464 = tpu.memref_slice %arg4[%select_n3A_376, %dma_start3A_463, %mul3A_394] : memref<50x64x16384xf32, #tpu.memory_space<hbm>> -> memref<1x8x256xf32, #tpu.memory_space<hbm>>
      %dma_start3A_465 = tpu.memref_squeeze %dma_start3A_464 : memref<1x8x256xf32, #tpu.memory_space<hbm>> -> memref<8x256xf32, #tpu.memory_space<hbm>>
      %dma_start3A_466 = arith.constant 32 : i32
      %dma_start3A_467 = arith.constant 0 : i32
      %dma_start3A_468 = tpu.memref_slice %arg7[%dma_start3A_455, %dma_start3A_466, %dma_start3A_467] : memref<2x64x256xf32, #tpu.memory_space<vmem>> -> memref<1x8x256xf32, #tpu.memory_space<vmem>>
      %dma_start3A_469 = tpu.memref_squeeze %dma_start3A_468 : memref<1x8x256xf32, #tpu.memory_space<vmem>> -> memref<8x256xf32, #tpu.memory_space<vmem>>
      tpu.enqueue_dma source(%dma_start3A_469 : memref<8x256xf32, #tpu.memory_space<vmem>>) target(%dma_start3A_465 : memref<8x256xf32, #tpu.memory_space<hbm>>) target_semaphore(%arg10 : memref<!tpu.dma_semaphore, #tpu.memory_space<semaphore_mem>>)
      %dma_start3A_470 = arith.constant 0 : i32
      %dma_start3A_471 = arith.constant 40 : i32
      %dma_start3A_472 = arith.constant 0 : i32
      %dma_start3A_473 = tpu.memref_slice %arg7[%dma_start3A_470, %dma_start3A_471, %dma_start3A_472] : memref<2x64x256xf32, #tpu.memory_space<vmem>> -> memref<1x8x256xf32, #tpu.memory_space<vmem>>
      %dma_start3A_474 = tpu.memref_squeeze %dma_start3A_473 : memref<1x8x256xf32, #tpu.memory_space<vmem>> -> memref<8x256xf32, #tpu.memory_space<vmem>>
      %dma_start3A_475 = arith.constant 40 : i32
      %dma_start3A_476 = tpu.memref_slice %arg4[%select_n3A_376, %dma_start3A_475, %mul3A_394] : memref<50x64x16384xf32, #tpu.memory_space<hbm>> -> memref<1x8x256xf32, #tpu.memory_space<hbm>>
      %dma_start3A_477 = tpu.memref_squeeze %dma_start3A_476 : memref<1x8x256xf32, #tpu.memory_space<hbm>> -> memref<8x256xf32, #tpu.memory_space<hbm>>
      %dma_start3A_478 = arith.constant 40 : i32
      %dma_start3A_479 = tpu.memref_slice %arg4[%select_n3A_376, %dma_start3A_478, %mul3A_394] : memref<50x64x16384xf32, #tpu.memory_space<hbm>> -> memref<1x8x256xf32, #tpu.memory_space<hbm>>
      %dma_start3A_480 = tpu.memref_squeeze %dma_start3A_479 : memref<1x8x256xf32, #tpu.memory_space<hbm>> -> memref<8x256xf32, #tpu.memory_space<hbm>>
      %dma_start3A_481 = arith.constant 40 : i32
      %dma_start3A_482 = arith.constant 0 : i32
      %dma_start3A_483 = tpu.memref_slice %arg7[%dma_start3A_470, %dma_start3A_481, %dma_start3A_482] : memref<2x64x256xf32, #tpu.memory_space<vmem>> -> memref<1x8x256xf32, #tpu.memory_space<vmem>>
      %dma_start3A_484 = tpu.memref_squeeze %dma_start3A_483 : memref<1x8x256xf32, #tpu.memory_space<vmem>> -> memref<8x256xf32, #tpu.memory_space<vmem>>
      tpu.enqueue_dma source(%dma_start3A_484 : memref<8x256xf32, #tpu.memory_space<vmem>>) target(%dma_start3A_480 : memref<8x256xf32, #tpu.memory_space<hbm>>) target_semaphore(%arg10 : memref<!tpu.dma_semaphore, #tpu.memory_space<semaphore_mem>>)
      %dma_start3A_485 = arith.constant 0 : i32
      %dma_start3A_486 = arith.constant 48 : i32
      %dma_start3A_487 = arith.constant 0 : i32
      %dma_start3A_488 = tpu.memref_slice %arg7[%dma_start3A_485, %dma_start3A_486, %dma_start3A_487] : memref<2x64x256xf32, #tpu.memory_space<vmem>> -> memref<1x8x256xf32, #tpu.memory_space<vmem>>
      %dma_start3A_489 = tpu.memref_squeeze %dma_start3A_488 : memref<1x8x256xf32, #tpu.memory_space<vmem>> -> memref<8x256xf32, #tpu.memory_space<vmem>>
      %dma_start3A_490 = arith.constant 48 : i32
      %dma_start3A_491 = tpu.memref_slice %arg4[%select_n3A_376, %dma_start3A_490, %mul3A_394] : memref<50x64x16384xf32, #tpu.memory_space<hbm>> -> memref<1x8x256xf32, #tpu.memory_space<hbm>>
      %dma_start3A_492 = tpu.memref_squeeze %dma_start3A_491 : memref<1x8x256xf32, #tpu.memory_space<hbm>> -> memref<8x256xf32, #tpu.memory_space<hbm>>
      %dma_start3A_493 = arith.constant 48 : i32
      %dma_start3A_494 = tpu.memref_slice %arg4[%select_n3A_376, %dma_start3A_493, %mul3A_394] : memref<50x64x16384xf32, #tpu.memory_space<hbm>> -> memref<1x8x256xf32, #tpu.memory_space<hbm>>
      %dma_start3A_495 = tpu.memref_squeeze %dma_start3A_494 : memref<1x8x256xf32, #tpu.memory_space<hbm>> -> memref<8x256xf32, #tpu.memory_space<hbm>>
      %dma_start3A_496 = arith.constant 48 : i32
      %dma_start3A_497 = arith.constant 0 : i32
      %dma_start3A_498 = tpu.memref_slice %arg7[%dma_start3A_485, %dma_start3A_496, %dma_start3A_497] : memref<2x64x256xf32, #tpu.memory_space<vmem>> -> memref<1x8x256xf32, #tpu.memory_space<vmem>>
      %dma_start3A_499 = tpu.memref_squeeze %dma_start3A_498 : memref<1x8x256xf32, #tpu.memory_space<vmem>> -> memref<8x256xf32, #tpu.memory_space<vmem>>
      tpu.enqueue_dma source(%dma_start3A_499 : memref<8x256xf32, #tpu.memory_space<vmem>>) target(%dma_start3A_495 : memref<8x256xf32, #tpu.memory_space<hbm>>) target_semaphore(%arg10 : memref<!tpu.dma_semaphore, #tpu.memory_space<semaphore_mem>>)
      %dma_start3A_500 = arith.constant 0 : i32
      %dma_start3A_501 = arith.constant 56 : i32
      %dma_start3A_502 = arith.constant 0 : i32
      %dma_start3A_503 = tpu.memref_slice %arg7[%dma_start3A_500, %dma_start3A_501, %dma_start3A_502] : memref<2x64x256xf32, #tpu.memory_space<vmem>> -> memref<1x8x256xf32, #tpu.memory_space<vmem>>
      %dma_start3A_504 = tpu.memref_squeeze %dma_start3A_503 : memref<1x8x256xf32, #tpu.memory_space<vmem>> -> memref<8x256xf32, #tpu.memory_space<vmem>>
      %dma_start3A_505 = arith.constant 56 : i32
      %dma_start3A_506 = tpu.memref_slice %arg4[%select_n3A_376, %dma_start3A_505, %mul3A_394] : memref<50x64x16384xf32, #tpu.memory_space<hbm>> -> memref<1x8x256xf32, #tpu.memory_space<hbm>>
      %dma_start3A_507 = tpu.memref_squeeze %dma_start3A_506 : memref<1x8x256xf32, #tpu.memory_space<hbm>> -> memref<8x256xf32, #tpu.memory_space<hbm>>
      %dma_start3A_508 = arith.constant 56 : i32
      %dma_start3A_509 = tpu.memref_slice %arg4[%select_n3A_376, %dma_start3A_508, %mul3A_394] : memref<50x64x16384xf32, #tpu.memory_space<hbm>> -> memref<1x8x256xf32, #tpu.memory_space<hbm>>
      %dma_start3A_510 = tpu.memref_squeeze %dma_start3A_509 : memref<1x8x256xf32, #tpu.memory_space<hbm>> -> memref<8x256xf32, #tpu.memory_space<hbm>>
      %dma_start3A_511 = arith.constant 56 : i32
      %dma_start3A_512 = arith.constant 0 : i32
      %dma_start3A_513 = tpu.memref_slice %arg7[%dma_start3A_500, %dma_start3A_511, %dma_start3A_512] : memref<2x64x256xf32, #tpu.memory_space<vmem>> -> memref<1x8x256xf32, #tpu.memory_space<vmem>>
      %dma_start3A_514 = tpu.memref_squeeze %dma_start3A_513 : memref<1x8x256xf32, #tpu.memory_space<vmem>> -> memref<8x256xf32, #tpu.memory_space<vmem>>
      tpu.enqueue_dma source(%dma_start3A_514 : memref<8x256xf32, #tpu.memory_space<vmem>>) target(%dma_start3A_510 : memref<8x256xf32, #tpu.memory_space<hbm>>) target_semaphore(%arg10 : memref<!tpu.dma_semaphore, #tpu.memory_space<semaphore_mem>>)
      %mul3A_515 = arith.constant 2 : i32
      %mul3A_516 = arith.muli %mul3A_515, %scan3A_280 : i32
      %add3A_517 = arith.constant 1 : i32
      %add3A_518 = arith.addi %mul3A_516, %add3A_517 : i32
      %lt3A_519 = arith.constant 49 : i32
      %lt3A_520 = arith.cmpi slt, %scan3A_280, %lt3A_519 : i32
      %convert_element_type3A_521 = arith.extui %lt3A_520 : i1 to i32
      %cond3A_522 = arith.constant 0 : i32
      %cond3A_523 = arith.cmpi ne, %convert_element_type3A_521, %cond3A_522 : i32
      scf.if %cond3A_523 {
        %dma_wait3A_717 = arith.constant 0 : i32
        %dma_wait3A_718 = arith.constant 0 : i32
        %dma_wait3A_719 = arith.constant 0 : i32
        %dma_wait3A_720 = tpu.memref_slice %arg5[%dma_wait3A_717, %dma_wait3A_718, %dma_wait3A_719] : memref<2x2x128xi32, #tpu.memory_space<vmem>> -> memref<1x2x128xi32, #tpu.memory_space<vmem>>
        %dma_wait3A_721 = tpu.memref_squeeze %dma_wait3A_720 : memref<1x2x128xi32, #tpu.memory_space<vmem>> -> memref<2x128xi32, #tpu.memory_space<vmem>>
        %dma_wait3A_722 = arith.constant 0 : i32
        %dma_wait3A_723 = arith.constant 0 : i32
        %dma_wait3A_724 = tpu.memref_slice %arg3[%dma_wait3A_722, %dma_wait3A_723] : memref<50x16384xi32, #tpu.memory_space<hbm>> -> memref<2x128xi32, #tpu.memory_space<hbm>>
        %dma_wait3A_725 = arith.constant 0 : i32
        %dma_wait3A_726 = arith.constant 0 : i32
        %dma_wait3A_727 = tpu.memref_slice %arg5[%dma_wait3A_717, %dma_wait3A_725, %dma_wait3A_726] : memref<2x2x128xi32, #tpu.memory_space<vmem>> -> memref<1x2x128xi32, #tpu.memory_space<vmem>>
        %dma_wait3A_728 = tpu.memref_squeeze %dma_wait3A_727 : memref<1x2x128xi32, #tpu.memory_space<vmem>> -> memref<2x128xi32, #tpu.memory_space<vmem>>
        %dma_wait3A_729 = arith.constant 0 : i32
        %dma_wait3A_730 = arith.constant 0 : i32
        %dma_wait3A_731 = tpu.memref_slice %arg3[%dma_wait3A_729, %dma_wait3A_730] : memref<50x16384xi32, #tpu.memory_space<hbm>> -> memref<2x128xi32, #tpu.memory_space<hbm>>
        tpu.wait_dma2 semaphore(%arg8 : memref<!tpu.dma_semaphore, #tpu.memory_space<semaphore_mem>>) src(%dma_wait3A_731 : memref<2x128xi32, #tpu.memory_space<hbm>>) dst(%dma_wait3A_728 : memref<2x128xi32, #tpu.memory_space<vmem>>)
        %dma_start3A_732 = arith.constant 0 : i32
        %dma_start3A_733 = arith.constant 0 : i32
        %dma_start3A_734 = arith.constant 0 : i32
        %dma_start3A_735 = arith.constant 0 : i32
        %dma_start3A_736 = arith.constant 0 : i32
        %dma_start3A_737 = tpu.memref_slice %arg6[%dma_start3A_734, %dma_start3A_735, %dma_start3A_736] : memref<2x256x128xf32, #tpu.memory_space<vmem>> -> memref<1x128x128xf32, #tpu.memory_space<vmem>>
        %dma_start3A_738 = tpu.memref_squeeze %dma_start3A_737 : memref<1x128x128xf32, #tpu.memory_space<vmem>> -> memref<128x128xf32, #tpu.memory_space<vmem>>
        %dma_start3A_739 = arith.constant 0 : i32
        %dma_start3A_740 = tpu.memref_slice %arg5[%dma_start3A_732, %dma_start3A_733, %dma_start3A_739] : memref<2x2x128xi32, #tpu.memory_space<vmem>> -> memref<1x1x128xi32, #tpu.memory_space<vmem>>
        %dma_start3A_741 = tpu.memref_squeeze %dma_start3A_740 : memref<1x1x128xi32, #tpu.memory_space<vmem>> -> memref<128xi32, #tpu.memory_space<vmem>>
        %dma_start3A_742 = arith.constant 0 : i32
        %dma_start3A_743 = arith.constant 0 : i32
        %dma_start3A_744 = tpu.memref_slice %arg2[%dma_start3A_742, %dma_start3A_743] : memref<1000000x128xf32, #tpu.memory_space<hbm>> -> memref<1000000x128xf32, #tpu.memory_space<hbm>>
        tpu.enqueue_indirect_dma source(%dma_start3A_744 : memref<1000000x128xf32, #tpu.memory_space<hbm>>) target(%dma_start3A_738 : memref<128x128xf32, #tpu.memory_space<vmem>>) offsets(%dma_start3A_741 : memref<128xi32, #tpu.memory_space<vmem>>) semaphore(%arg9 : memref<!tpu.dma_semaphore, #tpu.memory_space<semaphore_mem>>)
        %dma_start3A_745 = arith.constant 0 : i32
        %dma_start3A_746 = arith.constant 1 : i32
        %dma_start3A_747 = arith.constant 0 : i32
        %dma_start3A_748 = arith.constant 128 : i32
        %dma_start3A_749 = arith.constant 0 : i32
        %dma_start3A_750 = tpu.memref_slice %arg6[%dma_start3A_747, %dma_start3A_748, %dma_start3A_749] : memref<2x256x128xf32, #tpu.memory_space<vmem>> -> memref<1x128x128xf32, #tpu.memory_space<vmem>>
        %dma_start3A_751 = tpu.memref_squeeze %dma_start3A_750 : memref<1x128x128xf32, #tpu.memory_space<vmem>> -> memref<128x128xf32, #tpu.memory_space<vmem>>
        %dma_start3A_752 = arith.constant 0 : i32
        %dma_start3A_753 = tpu.memref_slice %arg5[%dma_start3A_745, %dma_start3A_746, %dma_start3A_752] : memref<2x2x128xi32, #tpu.memory_space<vmem>> -> memref<1x1x128xi32, #tpu.memory_space<vmem>>
        %dma_start3A_754 = tpu.memref_squeeze %dma_start3A_753 : memref<1x1x128xi32, #tpu.memory_space<vmem>> -> memref<128xi32, #tpu.memory_space<vmem>>
        %dma_start3A_755 = arith.constant 0 : i32
        %dma_start3A_756 = arith.constant 0 : i32
        %dma_start3A_757 = tpu.memref_slice %arg2[%dma_start3A_755, %dma_start3A_756] : memref<1000000x128xf32, #tpu.memory_space<hbm>> -> memref<1000000x128xf32, #tpu.memory_space<hbm>>
        tpu.enqueue_indirect_dma source(%dma_start3A_757 : memref<1000000x128xf32, #tpu.memory_space<hbm>>) target(%dma_start3A_751 : memref<128x128xf32, #tpu.memory_space<vmem>>) offsets(%dma_start3A_754 : memref<128xi32, #tpu.memory_space<vmem>>) semaphore(%arg9 : memref<!tpu.dma_semaphore, #tpu.memory_space<semaphore_mem>>)
      } else {
      }
      %gt3A_524 = arith.constant 0 : i32
      %gt3A_525 = arith.cmpi sgt, %scan3A_280, %gt3A_524 : i32
      %convert_element_type3A_526 = arith.extui %gt3A_525 : i1 to i32
      %cond3A_527 = arith.constant 0 : i32
      %cond3A_528 = arith.cmpi ne, %convert_element_type3A_526, %cond3A_527 : i32
      scf.if %cond3A_528 {
        %dma_wait3A_717 = arith.constant 0 : i32
        %dma_wait3A_718 = arith.constant 0 : i32
        %dma_wait3A_719 = arith.constant 0 : i32
        %dma_wait3A_720 = arith.constant 0 : i32
        %dma_wait3A_721 = tpu.memref_slice %arg7[%dma_wait3A_717, %dma_wait3A_719, %dma_wait3A_720] : memref<2x64x256xf32, #tpu.memory_space<vmem>> -> memref<1x64x256xf32, #tpu.memory_space<vmem>>
        %dma_wait3A_722 = tpu.memref_squeeze %dma_wait3A_721 : memref<1x64x256xf32, #tpu.memory_space<vmem>> -> memref<64x256xf32, #tpu.memory_space<vmem>>
        %dma_wait3A_723 = arith.constant 0 : i32
        %dma_wait3A_724 = arith.constant 0 : i32
        %dma_wait3A_725 = tpu.memref_slice %arg4[%dma_wait3A_718, %dma_wait3A_723, %dma_wait3A_724] : memref<50x64x16384xf32, #tpu.memory_space<hbm>> -> memref<1x64x256xf32, #tpu.memory_space<hbm>>
        %dma_wait3A_726 = tpu.memref_squeeze %dma_wait3A_725 : memref<1x64x256xf32, #tpu.memory_space<hbm>> -> memref<64x256xf32, #tpu.memory_space<hbm>>
        %dma_wait3A_727 = arith.constant 0 : i32
        %dma_wait3A_728 = arith.constant 0 : i32
        %dma_wait3A_729 = tpu.memref_slice %arg4[%dma_wait3A_718, %dma_wait3A_727, %dma_wait3A_728] : memref<50x64x16384xf32, #tpu.memory_space<hbm>> -> memref<1x64x256xf32, #tpu.memory_space<hbm>>
        %dma_wait3A_730 = tpu.memref_squeeze %dma_wait3A_729 : memref<1x64x256xf32, #tpu.memory_space<hbm>> -> memref<64x256xf32, #tpu.memory_space<hbm>>
        %dma_wait3A_731 = arith.constant 0 : i32
        %dma_wait3A_732 = arith.constant 0 : i32
        %dma_wait3A_733 = tpu.memref_slice %arg7[%dma_wait3A_717, %dma_wait3A_731, %dma_wait3A_732] : memref<2x64x256xf32, #tpu.memory_space<vmem>> -> memref<1x64x256xf32, #tpu.memory_space<vmem>>
        %dma_wait3A_734 = tpu.memref_squeeze %dma_wait3A_733 : memref<1x64x256xf32, #tpu.memory_space<vmem>> -> memref<64x256xf32, #tpu.memory_space<vmem>>
        tpu.wait_dma2 semaphore(%arg10 : memref<!tpu.dma_semaphore, #tpu.memory_space<semaphore_mem>>) src(%dma_wait3A_734 : memref<64x256xf32, #tpu.memory_space<vmem>>) dst(%dma_wait3A_730 : memref<64x256xf32, #tpu.memory_space<hbm>>)
      } else {
      }
      %dma_wait3A_529 = arith.constant 1 : i32
      %dma_wait3A_530 = arith.constant 0 : i32
      %dma_wait3A_531 = arith.constant 0 : i32
      %dma_wait3A_532 = tpu.memref_slice %arg6[%dma_wait3A_529, %dma_wait3A_530, %dma_wait3A_531] : memref<2x256x128xf32, #tpu.memory_space<vmem>> -> memref<1x256x128xf32, #tpu.memory_space<vmem>>
      %dma_wait3A_533 = tpu.memref_squeeze %dma_wait3A_532 : memref<1x256x128xf32, #tpu.memory_space<vmem>> -> memref<256x128xf32, #tpu.memory_space<vmem>>
      %dma_wait3A_534 = arith.constant 0 : i32
      %dma_wait3A_535 = arith.constant 0 : i32
      %dma_wait3A_536 = tpu.memref_slice %arg2[%dma_wait3A_534, %dma_wait3A_535] : memref<1000000x128xf32, #tpu.memory_space<hbm>> -> memref<256x128xf32, #tpu.memory_space<hbm>>
      %dma_wait3A_537 = arith.constant 0 : i32
      %dma_wait3A_538 = arith.constant 0 : i32
      %dma_wait3A_539 = tpu.memref_slice %arg6[%dma_wait3A_529, %dma_wait3A_537, %dma_wait3A_538] : memref<2x256x128xf32, #tpu.memory_space<vmem>> -> memref<1x256x128xf32, #tpu.memory_space<vmem>>
      %dma_wait3A_540 = tpu.memref_squeeze %dma_wait3A_539 : memref<1x256x128xf32, #tpu.memory_space<vmem>> -> memref<256x128xf32, #tpu.memory_space<vmem>>
      %dma_wait3A_541 = arith.constant 0 : i32
      %dma_wait3A_542 = arith.constant 0 : i32
      %dma_wait3A_543 = tpu.memref_slice %arg2[%dma_wait3A_541, %dma_wait3A_542] : memref<1000000x128xf32, #tpu.memory_space<hbm>> -> memref<256x128xf32, #tpu.memory_space<hbm>>
      tpu.wait_dma2 semaphore(%arg9 : memref<!tpu.dma_semaphore, #tpu.memory_space<semaphore_mem>>) src(%dma_wait3A_543 : memref<256x128xf32, #tpu.memory_space<hbm>>) dst(%dma_wait3A_540 : memref<256x128xf32, #tpu.memory_space<vmem>>)
      %lt3A_544 = arith.constant 49 : i32
      %lt3A_545 = arith.cmpi slt, %scan3A_280, %lt3A_544 : i32
      %convert_element_type3A_546 = arith.extui %lt3A_545 : i1 to i32
      %cond3A_547 = arith.constant 0 : i32
      %cond3A_548 = arith.cmpi ne, %convert_element_type3A_546, %cond3A_547 : i32
      scf.if %cond3A_548 {
        %add3A_717 = arith.constant 2 : i32
        %add3A_718 = arith.addi %add3A_518, %add3A_717 : i32
        %add3A_719 = arith.addi %mul3A_2, %add3A_718 : i32
        %jit3A_720 = arith.constant 64 : i32
        %div3A_721 = arith.divsi %add3A_719, %jit3A_720 : i32
        %sign3A_722 = arith.constant 0 : i32
        %sign3A_723 = arith.cmpi sgt, %add3A_719, %sign3A_722 : i32
        %sign3A_724 = arith.extui %sign3A_723 : i1 to i32
        %sign3A_725 = arith.constant 0 : i32
        %sign3A_726 = arith.cmpi slt, %add3A_719, %sign3A_725 : i32
        %sign3A_727 = arith.extui %sign3A_726 : i1 to i32
        %sign3A_728 = arith.subi %sign3A_724, %sign3A_727 : i32
        %sign3A_729 = arith.constant 0 : i32
        %sign3A_730 = arith.cmpi sgt, %jit3A_720, %sign3A_729 : i32
        %sign3A_731 = arith.extui %sign3A_730 : i1 to i32
        %sign3A_732 = arith.constant 0 : i32
        %sign3A_733 = arith.cmpi slt, %jit3A_720, %sign3A_732 : i32
        %sign3A_734 = arith.extui %sign3A_733 : i1 to i32
        %sign3A_735 = arith.subi %sign3A_731, %sign3A_734 : i32
        %ne3A_736 = arith.cmpi ne, %sign3A_728, %sign3A_735 : i32
        %rem3A_737 = arith.remsi %add3A_719, %jit3A_720 : i32
        %ne3A_738 = arith.constant 0 : i32
        %ne3A_739 = arith.cmpi ne, %rem3A_737, %ne3A_738 : i32
        %and3A_740 = arith.andi %ne3A_736, %ne3A_739 : i1
        %sub3A_741 = arith.constant 1 : i32
        %sub3A_742 = arith.subi %div3A_721, %sub3A_741 : i32
        %select_n3A_743 = arith.select %and3A_740, %sub3A_742, %div3A_721 : i32
        %jit3A_744 = arith.constant 64 : i32
        %eq3A_745 = arith.constant 0 : i32
        %eq3A_746 = arith.cmpi eq, %jit3A_744, %eq3A_745 : i32
        %jit3A_747 = arith.constant 1 : i32
        %select_n3A_748 = arith.select %eq3A_746, %jit3A_747, %jit3A_744 : i32
        %rem3A_749 = arith.remsi %add3A_719, %select_n3A_748 : i32
        %ne3A_750 = arith.constant 0 : i32
        %ne3A_751 = arith.cmpi ne, %rem3A_749, %ne3A_750 : i32
        %lt3A_752 = arith.constant 0 : i32
        %lt3A_753 = arith.cmpi slt, %rem3A_749, %lt3A_752 : i32
        %lt3A_754 = arith.constant 0 : i32
        %lt3A_755 = arith.cmpi slt, %select_n3A_748, %lt3A_754 : i32
        %ne3A_756 = arith.xori %lt3A_753, %lt3A_755 : i1
        %and3A_757 = arith.andi %ne3A_756, %ne3A_751 : i1
        %add3A_758 = arith.addi %rem3A_749, %select_n3A_748 : i32
        %select_n3A_759 = arith.select %and3A_757, %add3A_758, %rem3A_749 : i32
        %mul3A_760 = arith.constant 256 : i32
        %mul3A_761 = arith.muli %select_n3A_759, %mul3A_760 : i32
        %add3A_762 = arith.constant 0 : i32
        %add3A_763 = arith.addi %mul3A_761, %add3A_762 : i32
        %dma_start3A_764 = arith.constant 1 : i32
        %dma_start3A_765 = arith.constant 0 : i32
        %dma_start3A_766 = arith.constant 0 : i32
        %dma_start3A_767 = tpu.memref_slice %arg5[%dma_start3A_764, %dma_start3A_765, %dma_start3A_766] : memref<2x2x128xi32, #tpu.memory_space<vmem>> -> memref<1x1x128xi32, #tpu.memory_space<vmem>>
        %dma_start3A_768 = tpu.memref_squeeze %dma_start3A_767 : memref<1x1x128xi32, #tpu.memory_space<vmem>> -> memref<128xi32, #tpu.memory_space<vmem>>
        %dma_start3A_769 = tpu.memref_slice %arg3[%select_n3A_743, %add3A_763] : memref<50x16384xi32, #tpu.memory_space<hbm>> -> memref<1x128xi32, #tpu.memory_space<hbm>>
        %dma_start3A_770 = tpu.memref_squeeze %dma_start3A_769 : memref<1x128xi32, #tpu.memory_space<hbm>> -> memref<128xi32, #tpu.memory_space<hbm>>
        %dma_start3A_771 = arith.constant 0 : i32
        %dma_start3A_772 = tpu.memref_slice %arg5[%dma_start3A_764, %dma_start3A_765, %dma_start3A_771] : memref<2x2x128xi32, #tpu.memory_space<vmem>> -> memref<1x1x128xi32, #tpu.memory_space<vmem>>
        %dma_start3A_773 = tpu.memref_squeeze %dma_start3A_772 : memref<1x1x128xi32, #tpu.memory_space<vmem>> -> memref<128xi32, #tpu.memory_space<vmem>>
        %dma_start3A_774 = tpu.memref_slice %arg3[%select_n3A_743, %add3A_763] : memref<50x16384xi32, #tpu.memory_space<hbm>> -> memref<1x128xi32, #tpu.memory_space<hbm>>
        %dma_start3A_775 = tpu.memref_squeeze %dma_start3A_774 : memref<1x128xi32, #tpu.memory_space<hbm>> -> memref<128xi32, #tpu.memory_space<hbm>>
        tpu.enqueue_dma source(%dma_start3A_775 : memref<128xi32, #tpu.memory_space<hbm>>) target(%dma_start3A_773 : memref<128xi32, #tpu.memory_space<vmem>>) target_semaphore(%arg8 : memref<!tpu.dma_semaphore, #tpu.memory_space<semaphore_mem>>)
        %add3A_776 = arith.constant 128 : i32
        %add3A_777 = arith.addi %mul3A_761, %add3A_776 : i32
        %dma_start3A_778 = arith.constant 1 : i32
        %dma_start3A_779 = arith.constant 1 : i32
        %dma_start3A_780 = arith.constant 0 : i32
        %dma_start3A_781 = tpu.memref_slice %arg5[%dma_start3A_778, %dma_start3A_779, %dma_start3A_780] : memref<2x2x128xi32, #tpu.memory_space<vmem>> -> memref<1x1x128xi32, #tpu.memory_space<vmem>>
        %dma_start3A_782 = tpu.memref_squeeze %dma_start3A_781 : memref<1x1x128xi32, #tpu.memory_space<vmem>> -> memref<128xi32, #tpu.memory_space<vmem>>
        %dma_start3A_783 = tpu.memref_slice %arg3[%select_n3A_743, %add3A_777] : memref<50x16384xi32, #tpu.memory_space<hbm>> -> memref<1x128xi32, #tpu.memory_space<hbm>>
        %dma_start3A_784 = tpu.memref_squeeze %dma_start3A_783 : memref<1x128xi32, #tpu.memory_space<hbm>> -> memref<128xi32, #tpu.memory_space<hbm>>
        %dma_start3A_785 = arith.constant 0 : i32
        %dma_start3A_786 = tpu.memref_slice %arg5[%dma_start3A_778, %dma_start3A_779, %dma_start3A_785] : memref<2x2x128xi32, #tpu.memory_space<vmem>> -> memref<1x1x128xi32, #tpu.memory_space<vmem>>
        %dma_start3A_787 = tpu.memref_squeeze %dma_start3A_786 : memref<1x1x128xi32, #tpu.memory_space<vmem>> -> memref<128xi32, #tpu.memory_space<vmem>>
        %dma_start3A_788 = tpu.memref_slice %arg3[%select_n3A_743, %add3A_777] : memref<50x16384xi32, #tpu.memory_space<hbm>> -> memref<1x128xi32, #tpu.memory_space<hbm>>
        %dma_start3A_789 = tpu.memref_squeeze %dma_start3A_788 : memref<1x128xi32, #tpu.memory_space<hbm>> -> memref<128xi32, #tpu.memory_space<hbm>>
        tpu.enqueue_dma source(%dma_start3A_789 : memref<128xi32, #tpu.memory_space<hbm>>) target(%dma_start3A_787 : memref<128xi32, #tpu.memory_space<vmem>>) target_semaphore(%arg8 : memref<!tpu.dma_semaphore, #tpu.memory_space<semaphore_mem>>)
      } else {
      }
      %parallel_loop3A_549 = arith.constant 0 : i32
      %parallel_loop3A_550 = arith.constant 64 : i32
      %parallel_loop3A_551 = arith.constant 1 : i32
      %parallel_loop3A_552 = arith.constant 1 : i32
      %parallel_loop3A_553 = arith.constant 1 : i32
      scf.for %parallel_loop3A_717 = %parallel_loop3A_549 to %parallel_loop3A_550 step %parallel_loop3A_551  : i32 {
        %parallel_loop3A_718 = vector.broadcast %parallel_loop3A_717 : i32 to vector<16xi32>
        %parallel_loop3A_719 = arith.constant 0 : i32
        %parallel_loop3A_720 = arith.constant 0 : i32
        %parallel_loop3A_721 = tpu.memref_slice %arg6[%parallel_loop3A_552, %parallel_loop3A_719, %parallel_loop3A_720] : memref<2x256x128xf32, #tpu.memory_space<vmem>> -> memref<1x256x128xf32, #tpu.memory_space<vmem>>
        %parallel_loop3A_722 = tpu.memref_squeeze %parallel_loop3A_721 : memref<1x256x128xf32, #tpu.memory_space<vmem>> -> memref<256x128xf32, #tpu.memory_space<vmem>>
        %parallel_loop3A_723 = tpu.vector_load_idx %parallel_loop3A_722[%add3A_5, %parallel_loop3A_718] : memref<256x128xf32, #tpu.memory_space<vmem>>[vector<16xi32>, vector<16xi32>], vector<16xf32>,
        %parallel_loop3A_724 = arith.constant 0 : i32
        %parallel_loop3A_725 = arith.constant 0 : i32
        %parallel_loop3A_726 = tpu.memref_slice %arg7[%parallel_loop3A_553, %parallel_loop3A_724, %parallel_loop3A_725] : memref<2x64x256xf32, #tpu.memory_space<vmem>> -> memref<1x64x256xf32, #tpu.memory_space<vmem>>
        %parallel_loop3A_727 = tpu.memref_squeeze %parallel_loop3A_726 : memref<1x64x256xf32, #tpu.memory_space<vmem>> -> memref<64x256xf32, #tpu.memory_space<vmem>>
        %parallel_loop3A_728 = arith.index_cast %parallel_loop3A_717 : i32 to index
        %parallel_loop3A_729 = arith.constant 0 : index
        %parallel_loop3A_730 = tpu.vector_load %parallel_loop3A_727[%parallel_loop3A_728, %parallel_loop3A_729] {strides = array<i32>} : memref<64x256xf32, #tpu.memory_space<vmem>>, vector<16xf32>,
        tpu.vector_store %parallel_loop3A_727[%parallel_loop3A_728, %parallel_loop3A_729], %parallel_loop3A_723 {strides = array<i32>} : memref<64x256xf32, #tpu.memory_space<vmem>>, vector<16xf32>,
        %parallel_loop3A_731 = arith.constant 0 : i32
        %parallel_loop3A_732 = arith.constant 0 : i32
        %parallel_loop3A_733 = tpu.memref_slice %arg6[%parallel_loop3A_552, %parallel_loop3A_731, %parallel_loop3A_732] : memref<2x256x128xf32, #tpu.memory_space<vmem>> -> memref<1x256x128xf32, #tpu.memory_space<vmem>>
        %parallel_loop3A_734 = tpu.memref_squeeze %parallel_loop3A_733 : memref<1x256x128xf32, #tpu.memory_space<vmem>> -> memref<256x128xf32, #tpu.memory_space<vmem>>
        %parallel_loop3A_735 = tpu.vector_load_idx %parallel_loop3A_734[%add3A_9, %parallel_loop3A_718] : memref<256x128xf32, #tpu.memory_space<vmem>>[vector<16xi32>, vector<16xi32>], vector<16xf32>,
        %parallel_loop3A_736 = arith.constant 0 : i32
        %parallel_loop3A_737 = arith.constant 0 : i32
        %parallel_loop3A_738 = tpu.memref_slice %arg7[%parallel_loop3A_553, %parallel_loop3A_736, %parallel_loop3A_737] : memref<2x64x256xf32, #tpu.memory_space<vmem>> -> memref<1x64x256xf32, #tpu.memory_space<vmem>>
        %parallel_loop3A_739 = tpu.memref_squeeze %parallel_loop3A_738 : memref<1x64x256xf32, #tpu.memory_space<vmem>> -> memref<64x256xf32, #tpu.memory_space<vmem>>
        %parallel_loop3A_740 = arith.index_cast %parallel_loop3A_717 : i32 to index
        %parallel_loop3A_741 = arith.constant 16 : index
        %parallel_loop3A_742 = tpu.vector_load %parallel_loop3A_739[%parallel_loop3A_740, %parallel_loop3A_741] {strides = array<i32>} : memref<64x256xf32, #tpu.memory_space<vmem>>, vector<16xf32>,
        tpu.vector_store %parallel_loop3A_739[%parallel_loop3A_740, %parallel_loop3A_741], %parallel_loop3A_735 {strides = array<i32>} : memref<64x256xf32, #tpu.memory_space<vmem>>, vector<16xf32>,
        %parallel_loop3A_743 = arith.constant 0 : i32
        %parallel_loop3A_744 = arith.constant 0 : i32
        %parallel_loop3A_745 = tpu.memref_slice %arg6[%parallel_loop3A_552, %parallel_loop3A_743, %parallel_loop3A_744] : memref<2x256x128xf32, #tpu.memory_space<vmem>> -> memref<1x256x128xf32, #tpu.memory_space<vmem>>
        %parallel_loop3A_746 = tpu.memref_squeeze %parallel_loop3A_745 : memref<1x256x128xf32, #tpu.memory_space<vmem>> -> memref<256x128xf32, #tpu.memory_space<vmem>>
        %parallel_loop3A_747 = tpu.vector_load_idx %parallel_loop3A_746[%add3A_13, %parallel_loop3A_718] : memref<256x128xf32, #tpu.memory_space<vmem>>[vector<16xi32>, vector<16xi32>], vector<16xf32>,
        %parallel_loop3A_748 = arith.constant 0 : i32
        %parallel_loop3A_749 = arith.constant 0 : i32
        %parallel_loop3A_750 = tpu.memref_slice %arg7[%parallel_loop3A_553, %parallel_loop3A_748, %parallel_loop3A_749] : memref<2x64x256xf32, #tpu.memory_space<vmem>> -> memref<1x64x256xf32, #tpu.memory_space<vmem>>
        %parallel_loop3A_751 = tpu.memref_squeeze %parallel_loop3A_750 : memref<1x64x256xf32, #tpu.memory_space<vmem>> -> memref<64x256xf32, #tpu.memory_space<vmem>>
        %parallel_loop3A_752 = arith.index_cast %parallel_loop3A_717 : i32 to index
        %parallel_loop3A_753 = arith.constant 32 : index
        %parallel_loop3A_754 = tpu.vector_load %parallel_loop3A_751[%parallel_loop3A_752, %parallel_loop3A_753] {strides = array<i32>} : memref<64x256xf32, #tpu.memory_space<vmem>>, vector<16xf32>,
        tpu.vector_store %parallel_loop3A_751[%parallel_loop3A_752, %parallel_loop3A_753], %parallel_loop3A_747 {strides = array<i32>} : memref<64x256xf32, #tpu.memory_space<vmem>>, vector<16xf32>,
        %parallel_loop3A_755 = arith.constant 0 : i32
        %parallel_loop3A_756 = arith.constant 0 : i32
        %parallel_loop3A_757 = tpu.memref_slice %arg6[%parallel_loop3A_552, %parallel_loop3A_755, %parallel_loop3A_756] : memref<2x256x128xf32, #tpu.memory_space<vmem>> -> memref<1x256x128xf32, #tpu.memory_space<vmem>>
        %parallel_loop3A_758 = tpu.memref_squeeze %parallel_loop3A_757 : memref<1x256x128xf32, #tpu.memory_space<vmem>> -> memref<256x128xf32, #tpu.memory_space<vmem>>
        %parallel_loop3A_759 = tpu.vector_load_idx %parallel_loop3A_758[%add3A_17, %parallel_loop3A_718] : memref<256x128xf32, #tpu.memory_space<vmem>>[vector<16xi32>, vector<16xi32>], vector<16xf32>,
        %parallel_loop3A_760 = arith.constant 0 : i32
        %parallel_loop3A_761 = arith.constant 0 : i32
        %parallel_loop3A_762 = tpu.memref_slice %arg7[%parallel_loop3A_553, %parallel_loop3A_760, %parallel_loop3A_761] : memref<2x64x256xf32, #tpu.memory_space<vmem>> -> memref<1x64x256xf32, #tpu.memory_space<vmem>>
        %parallel_loop3A_763 = tpu.memref_squeeze %parallel_loop3A_762 : memref<1x64x256xf32, #tpu.memory_space<vmem>> -> memref<64x256xf32, #tpu.memory_space<vmem>>
        %parallel_loop3A_764 = arith.index_cast %parallel_loop3A_717 : i32 to index
        %parallel_loop3A_765 = arith.constant 48 : index
        %parallel_loop3A_766 = tpu.vector_load %parallel_loop3A_763[%parallel_loop3A_764, %parallel_loop3A_765] {strides = array<i32>} : memref<64x256xf32, #tpu.memory_space<vmem>>, vector<16xf32>,
        tpu.vector_store %parallel_loop3A_763[%parallel_loop3A_764, %parallel_loop3A_765], %parallel_loop3A_759 {strides = array<i32>} : memref<64x256xf32, #tpu.memory_space<vmem>>, vector<16xf32>,
        %parallel_loop3A_767 = arith.constant 0 : i32
        %parallel_loop3A_768 = arith.constant 0 : i32
        %parallel_loop3A_769 = tpu.memref_slice %arg6[%parallel_loop3A_552, %parallel_loop3A_767, %parallel_loop3A_768] : memref<2x256x128xf32, #tpu.memory_space<vmem>> -> memref<1x256x128xf32, #tpu.memory_space<vmem>>
        %parallel_loop3A_770 = tpu.memref_squeeze %parallel_loop3A_769 : memref<1x256x128xf32, #tpu.memory_space<vmem>> -> memref<256x128xf32, #tpu.memory_space<vmem>>
        %parallel_loop3A_771 = tpu.vector_load_idx %parallel_loop3A_770[%add3A_21, %parallel_loop3A_718] : memref<256x128xf32, #tpu.memory_space<vmem>>[vector<16xi32>, vector<16xi32>], vector<16xf32>,
        %parallel_loop3A_772 = arith.constant 0 : i32
        %parallel_loop3A_773 = arith.constant 0 : i32
        %parallel_loop3A_774 = tpu.memref_slice %arg7[%parallel_loop3A_553, %parallel_loop3A_772, %parallel_loop3A_773] : memref<2x64x256xf32, #tpu.memory_space<vmem>> -> memref<1x64x256xf32, #tpu.memory_space<vmem>>
        %parallel_loop3A_775 = tpu.memref_squeeze %parallel_loop3A_774 : memref<1x64x256xf32, #tpu.memory_space<vmem>> -> memref<64x256xf32, #tpu.memory_space<vmem>>
        %parallel_loop3A_776 = arith.index_cast %parallel_loop3A_717 : i32 to index
        %parallel_loop3A_777 = arith.constant 64 : index
        %parallel_loop3A_778 = tpu.vector_load %parallel_loop3A_775[%parallel_loop3A_776, %parallel_loop3A_777] {strides = array<i32>} : memref<64x256xf32, #tpu.memory_space<vmem>>, vector<16xf32>,
        tpu.vector_store %parallel_loop3A_775[%parallel_loop3A_776, %parallel_loop3A_777], %parallel_loop3A_771 {strides = array<i32>} : memref<64x256xf32, #tpu.memory_space<vmem>>, vector<16xf32>,
        %parallel_loop3A_779 = arith.constant 0 : i32
        %parallel_loop3A_780 = arith.constant 0 : i32
        %parallel_loop3A_781 = tpu.memref_slice %arg6[%parallel_loop3A_552, %parallel_loop3A_779, %parallel_loop3A_780] : memref<2x256x128xf32, #tpu.memory_space<vmem>> -> memref<1x256x128xf32, #tpu.memory_space<vmem>>
        %parallel_loop3A_782 = tpu.memref_squeeze %parallel_loop3A_781 : memref<1x256x128xf32, #tpu.memory_space<vmem>> -> memref<256x128xf32, #tpu.memory_space<vmem>>
        %parallel_loop3A_783 = tpu.vector_load_idx %parallel_loop3A_782[%add3A_25, %parallel_loop3A_718] : memref<256x128xf32, #tpu.memory_space<vmem>>[vector<16xi32>, vector<16xi32>], vector<16xf32>,
        %parallel_loop3A_784 = arith.constant 0 : i32
        %parallel_loop3A_785 = arith.constant 0 : i32
        %parallel_loop3A_786 = tpu.memref_slice %arg7[%parallel_loop3A_553, %parallel_loop3A_784, %parallel_loop3A_785] : memref<2x64x256xf32, #tpu.memory_space<vmem>> -> memref<1x64x256xf32, #tpu.memory_space<vmem>>
        %parallel_loop3A_787 = tpu.memref_squeeze %parallel_loop3A_786 : memref<1x64x256xf32, #tpu.memory_space<vmem>> -> memref<64x256xf32, #tpu.memory_space<vmem>>
        %parallel_loop3A_788 = arith.index_cast %parallel_loop3A_717 : i32 to index
        %parallel_loop3A_789 = arith.constant 80 : index
        %parallel_loop3A_790 = tpu.vector_load %parallel_loop3A_787[%parallel_loop3A_788, %parallel_loop3A_789] {strides = array<i32>} : memref<64x256xf32, #tpu.memory_space<vmem>>, vector<16xf32>,
        tpu.vector_store %parallel_loop3A_787[%parallel_loop3A_788, %parallel_loop3A_789], %parallel_loop3A_783 {strides = array<i32>} : memref<64x256xf32, #tpu.memory_space<vmem>>, vector<16xf32>,
        %parallel_loop3A_791 = arith.constant 0 : i32
        %parallel_loop3A_792 = arith.constant 0 : i32
        %parallel_loop3A_793 = tpu.memref_slice %arg6[%parallel_loop3A_552, %parallel_loop3A_791, %parallel_loop3A_792] : memref<2x256x128xf32, #tpu.memory_space<vmem>> -> memref<1x256x128xf32, #tpu.memory_space<vmem>>
        %parallel_loop3A_794 = tpu.memref_squeeze %parallel_loop3A_793 : memref<1x256x128xf32, #tpu.memory_space<vmem>> -> memref<256x128xf32, #tpu.memory_space<vmem>>
        %parallel_loop3A_795 = tpu.vector_load_idx %parallel_loop3A_794[%add3A_29, %parallel_loop3A_718] : memref<256x128xf32, #tpu.memory_space<vmem>>[vector<16xi32>, vector<16xi32>], vector<16xf32>,
        %parallel_loop3A_796 = arith.constant 0 : i32
        %parallel_loop3A_797 = arith.constant 0 : i32
        %parallel_loop3A_798 = tpu.memref_slice %arg7[%parallel_loop3A_553, %parallel_loop3A_796, %parallel_loop3A_797] : memref<2x64x256xf32, #tpu.memory_space<vmem>> -> memref<1x64x256xf32, #tpu.memory_space<vmem>>
        %parallel_loop3A_799 = tpu.memref_squeeze %parallel_loop3A_798 : memref<1x64x256xf32, #tpu.memory_space<vmem>> -> memref<64x256xf32, #tpu.memory_space<vmem>>
        %parallel_loop3A_800 = arith.index_cast %parallel_loop3A_717 : i32 to index
        %parallel_loop3A_801 = arith.constant 96 : index
        %parallel_loop3A_802 = tpu.vector_load %parallel_loop3A_799[%parallel_loop3A_800, %parallel_loop3A_801] {strides = array<i32>} : memref<64x256xf32, #tpu.memory_space<vmem>>, vector<16xf32>,
        tpu.vector_store %parallel_loop3A_799[%parallel_loop3A_800, %parallel_loop3A_801], %parallel_loop3A_795 {strides = array<i32>} : memref<64x256xf32, #tpu.memory_space<vmem>>, vector<16xf32>,
        %parallel_loop3A_803 = arith.constant 0 : i32
        %parallel_loop3A_804 = arith.constant 0 : i32
        %parallel_loop3A_805 = tpu.memref_slice %arg6[%parallel_loop3A_552, %parallel_loop3A_803, %parallel_loop3A_804] : memref<2x256x128xf32, #tpu.memory_space<vmem>> -> memref<1x256x128xf32, #tpu.memory_space<vmem>>
        %parallel_loop3A_806 = tpu.memref_squeeze %parallel_loop3A_805 : memref<1x256x128xf32, #tpu.memory_space<vmem>> -> memref<256x128xf32, #tpu.memory_space<vmem>>
        %parallel_loop3A_807 = tpu.vector_load_idx %parallel_loop3A_806[%add3A_33, %parallel_loop3A_718] : memref<256x128xf32, #tpu.memory_space<vmem>>[vector<16xi32>, vector<16xi32>], vector<16xf32>,
        %parallel_loop3A_808 = arith.constant 0 : i32
        %parallel_loop3A_809 = arith.constant 0 : i32
        %parallel_loop3A_810 = tpu.memref_slice %arg7[%parallel_loop3A_553, %parallel_loop3A_808, %parallel_loop3A_809] : memref<2x64x256xf32, #tpu.memory_space<vmem>> -> memref<1x64x256xf32, #tpu.memory_space<vmem>>
        %parallel_loop3A_811 = tpu.memref_squeeze %parallel_loop3A_810 : memref<1x64x256xf32, #tpu.memory_space<vmem>> -> memref<64x256xf32, #tpu.memory_space<vmem>>
        %parallel_loop3A_812 = arith.index_cast %parallel_loop3A_717 : i32 to index
        %parallel_loop3A_813 = arith.constant 112 : index
        %parallel_loop3A_814 = tpu.vector_load %parallel_loop3A_811[%parallel_loop3A_812, %parallel_loop3A_813] {strides = array<i32>} : memref<64x256xf32, #tpu.memory_space<vmem>>, vector<16xf32>,
        tpu.vector_store %parallel_loop3A_811[%parallel_loop3A_812, %parallel_loop3A_813], %parallel_loop3A_807 {strides = array<i32>} : memref<64x256xf32, #tpu.memory_space<vmem>>, vector<16xf32>,
        %parallel_loop3A_815 = arith.constant 0 : i32
        %parallel_loop3A_816 = arith.constant 0 : i32
        %parallel_loop3A_817 = tpu.memref_slice %arg6[%parallel_loop3A_552, %parallel_loop3A_815, %parallel_loop3A_816] : memref<2x256x128xf32, #tpu.memory_space<vmem>> -> memref<1x256x128xf32, #tpu.memory_space<vmem>>
        %parallel_loop3A_818 = tpu.memref_squeeze %parallel_loop3A_817 : memref<1x256x128xf32, #tpu.memory_space<vmem>> -> memref<256x128xf32, #tpu.memory_space<vmem>>
        %parallel_loop3A_819 = tpu.vector_load_idx %parallel_loop3A_818[%add3A_37, %parallel_loop3A_718] : memref<256x128xf32, #tpu.memory_space<vmem>>[vector<16xi32>, vector<16xi32>], vector<16xf32>,
        %parallel_loop3A_820 = arith.constant 0 : i32
        %parallel_loop3A_821 = arith.constant 0 : i32
        %parallel_loop3A_822 = tpu.memref_slice %arg7[%parallel_loop3A_553, %parallel_loop3A_820, %parallel_loop3A_821] : memref<2x64x256xf32, #tpu.memory_space<vmem>> -> memref<1x64x256xf32, #tpu.memory_space<vmem>>
        %parallel_loop3A_823 = tpu.memref_squeeze %parallel_loop3A_822 : memref<1x64x256xf32, #tpu.memory_space<vmem>> -> memref<64x256xf32, #tpu.memory_space<vmem>>
        %parallel_loop3A_824 = arith.index_cast %parallel_loop3A_717 : i32 to index
        %parallel_loop3A_825 = arith.constant 128 : index
        %parallel_loop3A_826 = tpu.vector_load %parallel_loop3A_823[%parallel_loop3A_824, %parallel_loop3A_825] {strides = array<i32>} : memref<64x256xf32, #tpu.memory_space<vmem>>, vector<16xf32>,
        tpu.vector_store %parallel_loop3A_823[%parallel_loop3A_824, %parallel_loop3A_825], %parallel_loop3A_819 {strides = array<i32>} : memref<64x256xf32, #tpu.memory_space<vmem>>, vector<16xf32>,
        %parallel_loop3A_827 = arith.constant 0 : i32
        %parallel_loop3A_828 = arith.constant 0 : i32
        %parallel_loop3A_829 = tpu.memref_slice %arg6[%parallel_loop3A_552, %parallel_loop3A_827, %parallel_loop3A_828] : memref<2x256x128xf32, #tpu.memory_space<vmem>> -> memref<1x256x128xf32, #tpu.memory_space<vmem>>
        %parallel_loop3A_830 = tpu.memref_squeeze %parallel_loop3A_829 : memref<1x256x128xf32, #tpu.memory_space<vmem>> -> memref<256x128xf32, #tpu.memory_space<vmem>>
        %parallel_loop3A_831 = tpu.vector_load_idx %parallel_loop3A_830[%add3A_41, %parallel_loop3A_718] : memref<256x128xf32, #tpu.memory_space<vmem>>[vector<16xi32>, vector<16xi32>], vector<16xf32>,
        %parallel_loop3A_832 = arith.constant 0 : i32
        %parallel_loop3A_833 = arith.constant 0 : i32
        %parallel_loop3A_834 = tpu.memref_slice %arg7[%parallel_loop3A_553, %parallel_loop3A_832, %parallel_loop3A_833] : memref<2x64x256xf32, #tpu.memory_space<vmem>> -> memref<1x64x256xf32, #tpu.memory_space<vmem>>
        %parallel_loop3A_835 = tpu.memref_squeeze %parallel_loop3A_834 : memref<1x64x256xf32, #tpu.memory_space<vmem>> -> memref<64x256xf32, #tpu.memory_space<vmem>>
        %parallel_loop3A_836 = arith.index_cast %parallel_loop3A_717 : i32 to index
        %parallel_loop3A_837 = arith.constant 144 : index
        %parallel_loop3A_838 = tpu.vector_load %parallel_loop3A_835[%parallel_loop3A_836, %parallel_loop3A_837] {strides = array<i32>} : memref<64x256xf32, #tpu.memory_space<vmem>>, vector<16xf32>,
        tpu.vector_store %parallel_loop3A_835[%parallel_loop3A_836, %parallel_loop3A_837], %parallel_loop3A_831 {strides = array<i32>} : memref<64x256xf32, #tpu.memory_space<vmem>>, vector<16xf32>,
        %parallel_loop3A_839 = arith.constant 0 : i32
        %parallel_loop3A_840 = arith.constant 0 : i32
        %parallel_loop3A_841 = tpu.memref_slice %arg6[%parallel_loop3A_552, %parallel_loop3A_839, %parallel_loop3A_840] : memref<2x256x128xf32, #tpu.memory_space<vmem>> -> memref<1x256x128xf32, #tpu.memory_space<vmem>>
        %parallel_loop3A_842 = tpu.memref_squeeze %parallel_loop3A_841 : memref<1x256x128xf32, #tpu.memory_space<vmem>> -> memref<256x128xf32, #tpu.memory_space<vmem>>
        %parallel_loop3A_843 = tpu.vector_load_idx %parallel_loop3A_842[%add3A_45, %parallel_loop3A_718] : memref<256x128xf32, #tpu.memory_space<vmem>>[vector<16xi32>, vector<16xi32>], vector<16xf32>,
        %parallel_loop3A_844 = arith.constant 0 : i32
        %parallel_loop3A_845 = arith.constant 0 : i32
        %parallel_loop3A_846 = tpu.memref_slice %arg7[%parallel_loop3A_553, %parallel_loop3A_844, %parallel_loop3A_845] : memref<2x64x256xf32, #tpu.memory_space<vmem>> -> memref<1x64x256xf32, #tpu.memory_space<vmem>>
        %parallel_loop3A_847 = tpu.memref_squeeze %parallel_loop3A_846 : memref<1x64x256xf32, #tpu.memory_space<vmem>> -> memref<64x256xf32, #tpu.memory_space<vmem>>
        %parallel_loop3A_848 = arith.index_cast %parallel_loop3A_717 : i32 to index
        %parallel_loop3A_849 = arith.constant 160 : index
        %parallel_loop3A_850 = tpu.vector_load %parallel_loop3A_847[%parallel_loop3A_848, %parallel_loop3A_849] {strides = array<i32>} : memref<64x256xf32, #tpu.memory_space<vmem>>, vector<16xf32>,
        tpu.vector_store %parallel_loop3A_847[%parallel_loop3A_848, %parallel_loop3A_849], %parallel_loop3A_843 {strides = array<i32>} : memref<64x256xf32, #tpu.memory_space<vmem>>, vector<16xf32>,
        %parallel_loop3A_851 = arith.constant 0 : i32
        %parallel_loop3A_852 = arith.constant 0 : i32
        %parallel_loop3A_853 = tpu.memref_slice %arg6[%parallel_loop3A_552, %parallel_loop3A_851, %parallel_loop3A_852] : memref<2x256x128xf32, #tpu.memory_space<vmem>> -> memref<1x256x128xf32, #tpu.memory_space<vmem>>
        %parallel_loop3A_854 = tpu.memref_squeeze %parallel_loop3A_853 : memref<1x256x128xf32, #tpu.memory_space<vmem>> -> memref<256x128xf32, #tpu.memory_space<vmem>>
        %parallel_loop3A_855 = tpu.vector_load_idx %parallel_loop3A_854[%add3A_49, %parallel_loop3A_718] : memref<256x128xf32, #tpu.memory_space<vmem>>[vector<16xi32>, vector<16xi32>], vector<16xf32>,
        %parallel_loop3A_856 = arith.constant 0 : i32
        %parallel_loop3A_857 = arith.constant 0 : i32
        %parallel_loop3A_858 = tpu.memref_slice %arg7[%parallel_loop3A_553, %parallel_loop3A_856, %parallel_loop3A_857] : memref<2x64x256xf32, #tpu.memory_space<vmem>> -> memref<1x64x256xf32, #tpu.memory_space<vmem>>
        %parallel_loop3A_859 = tpu.memref_squeeze %parallel_loop3A_858 : memref<1x64x256xf32, #tpu.memory_space<vmem>> -> memref<64x256xf32, #tpu.memory_space<vmem>>
        %parallel_loop3A_860 = arith.index_cast %parallel_loop3A_717 : i32 to index
        %parallel_loop3A_861 = arith.constant 176 : index
        %parallel_loop3A_862 = tpu.vector_load %parallel_loop3A_859[%parallel_loop3A_860, %parallel_loop3A_861] {strides = array<i32>} : memref<64x256xf32, #tpu.memory_space<vmem>>, vector<16xf32>,
        tpu.vector_store %parallel_loop3A_859[%parallel_loop3A_860, %parallel_loop3A_861], %parallel_loop3A_855 {strides = array<i32>} : memref<64x256xf32, #tpu.memory_space<vmem>>, vector<16xf32>,
        %parallel_loop3A_863 = arith.constant 0 : i32
        %parallel_loop3A_864 = arith.constant 0 : i32
        %parallel_loop3A_865 = tpu.memref_slice %arg6[%parallel_loop3A_552, %parallel_loop3A_863, %parallel_loop3A_864] : memref<2x256x128xf32, #tpu.memory_space<vmem>> -> memref<1x256x128xf32, #tpu.memory_space<vmem>>
        %parallel_loop3A_866 = tpu.memref_squeeze %parallel_loop3A_865 : memref<1x256x128xf32, #tpu.memory_space<vmem>> -> memref<256x128xf32, #tpu.memory_space<vmem>>
        %parallel_loop3A_867 = tpu.vector_load_idx %parallel_loop3A_866[%add3A_53, %parallel_loop3A_718] : memref<256x128xf32, #tpu.memory_space<vmem>>[vector<16xi32>, vector<16xi32>], vector<16xf32>,
        %parallel_loop3A_868 = arith.constant 0 : i32
        %parallel_loop3A_869 = arith.constant 0 : i32
        %parallel_loop3A_870 = tpu.memref_slice %arg7[%parallel_loop3A_553, %parallel_loop3A_868, %parallel_loop3A_869] : memref<2x64x256xf32, #tpu.memory_space<vmem>> -> memref<1x64x256xf32, #tpu.memory_space<vmem>>
        %parallel_loop3A_871 = tpu.memref_squeeze %parallel_loop3A_870 : memref<1x64x256xf32, #tpu.memory_space<vmem>> -> memref<64x256xf32, #tpu.memory_space<vmem>>
        %parallel_loop3A_872 = arith.index_cast %parallel_loop3A_717 : i32 to index
        %parallel_loop3A_873 = arith.constant 192 : index
        %parallel_loop3A_874 = tpu.vector_load %parallel_loop3A_871[%parallel_loop3A_872, %parallel_loop3A_873] {strides = array<i32>} : memref<64x256xf32, #tpu.memory_space<vmem>>, vector<16xf32>,
        tpu.vector_store %parallel_loop3A_871[%parallel_loop3A_872, %parallel_loop3A_873], %parallel_loop3A_867 {strides = array<i32>} : memref<64x256xf32, #tpu.memory_space<vmem>>, vector<16xf32>,
        %parallel_loop3A_875 = arith.constant 0 : i32
        %parallel_loop3A_876 = arith.constant 0 : i32
        %parallel_loop3A_877 = tpu.memref_slice %arg6[%parallel_loop3A_552, %parallel_loop3A_875, %parallel_loop3A_876] : memref<2x256x128xf32, #tpu.memory_space<vmem>> -> memref<1x256x128xf32, #tpu.memory_space<vmem>>
        %parallel_loop3A_878 = tpu.memref_squeeze %parallel_loop3A_877 : memref<1x256x128xf32, #tpu.memory_space<vmem>> -> memref<256x128xf32, #tpu.memory_space<vmem>>
        %parallel_loop3A_879 = tpu.vector_load_idx %parallel_loop3A_878[%add3A_57, %parallel_loop3A_718] : memref<256x128xf32, #tpu.memory_space<vmem>>[vector<16xi32>, vector<16xi32>], vector<16xf32>,
        %parallel_loop3A_880 = arith.constant 0 : i32
        %parallel_loop3A_881 = arith.constant 0 : i32
        %parallel_loop3A_882 = tpu.memref_slice %arg7[%parallel_loop3A_553, %parallel_loop3A_880, %parallel_loop3A_881] : memref<2x64x256xf32, #tpu.memory_space<vmem>> -> memref<1x64x256xf32, #tpu.memory_space<vmem>>
        %parallel_loop3A_883 = tpu.memref_squeeze %parallel_loop3A_882 : memref<1x64x256xf32, #tpu.memory_space<vmem>> -> memref<64x256xf32, #tpu.memory_space<vmem>>
        %parallel_loop3A_884 = arith.index_cast %parallel_loop3A_717 : i32 to index
        %parallel_loop3A_885 = arith.constant 208 : index
        %parallel_loop3A_886 = tpu.vector_load %parallel_loop3A_883[%parallel_loop3A_884, %parallel_loop3A_885] {strides = array<i32>} : memref<64x256xf32, #tpu.memory_space<vmem>>, vector<16xf32>,
        tpu.vector_store %parallel_loop3A_883[%parallel_loop3A_884, %parallel_loop3A_885], %parallel_loop3A_879 {strides = array<i32>} : memref<64x256xf32, #tpu.memory_space<vmem>>, vector<16xf32>,
        %parallel_loop3A_887 = arith.constant 0 : i32
        %parallel_loop3A_888 = arith.constant 0 : i32
        %parallel_loop3A_889 = tpu.memref_slice %arg6[%parallel_loop3A_552, %parallel_loop3A_887, %parallel_loop3A_888] : memref<2x256x128xf32, #tpu.memory_space<vmem>> -> memref<1x256x128xf32, #tpu.memory_space<vmem>>
        %parallel_loop3A_890 = tpu.memref_squeeze %parallel_loop3A_889 : memref<1x256x128xf32, #tpu.memory_space<vmem>> -> memref<256x128xf32, #tpu.memory_space<vmem>>
        %parallel_loop3A_891 = tpu.vector_load_idx %parallel_loop3A_890[%add3A_61, %parallel_loop3A_718] : memref<256x128xf32, #tpu.memory_space<vmem>>[vector<16xi32>, vector<16xi32>], vector<16xf32>,
        %parallel_loop3A_892 = arith.constant 0 : i32
        %parallel_loop3A_893 = arith.constant 0 : i32
        %parallel_loop3A_894 = tpu.memref_slice %arg7[%parallel_loop3A_553, %parallel_loop3A_892, %parallel_loop3A_893] : memref<2x64x256xf32, #tpu.memory_space<vmem>> -> memref<1x64x256xf32, #tpu.memory_space<vmem>>
        %parallel_loop3A_895 = tpu.memref_squeeze %parallel_loop3A_894 : memref<1x64x256xf32, #tpu.memory_space<vmem>> -> memref<64x256xf32, #tpu.memory_space<vmem>>
        %parallel_loop3A_896 = arith.index_cast %parallel_loop3A_717 : i32 to index
        %parallel_loop3A_897 = arith.constant 224 : index
        %parallel_loop3A_898 = tpu.vector_load %parallel_loop3A_895[%parallel_loop3A_896, %parallel_loop3A_897] {strides = array<i32>} : memref<64x256xf32, #tpu.memory_space<vmem>>, vector<16xf32>,
        tpu.vector_store %parallel_loop3A_895[%parallel_loop3A_896, %parallel_loop3A_897], %parallel_loop3A_891 {strides = array<i32>} : memref<64x256xf32, #tpu.memory_space<vmem>>, vector<16xf32>,
        %parallel_loop3A_899 = arith.constant 0 : i32
        %parallel_loop3A_900 = arith.constant 0 : i32
        %parallel_loop3A_901 = tpu.memref_slice %arg6[%parallel_loop3A_552, %parallel_loop3A_899, %parallel_loop3A_900] : memref<2x256x128xf32, #tpu.memory_space<vmem>> -> memref<1x256x128xf32, #tpu.memory_space<vmem>>
        %parallel_loop3A_902 = tpu.memref_squeeze %parallel_loop3A_901 : memref<1x256x128xf32, #tpu.memory_space<vmem>> -> memref<256x128xf32, #tpu.memory_space<vmem>>
        %parallel_loop3A_903 = tpu.vector_load_idx %parallel_loop3A_902[%add3A_65, %parallel_loop3A_718] : memref<256x128xf32, #tpu.memory_space<vmem>>[vector<16xi32>, vector<16xi32>], vector<16xf32>,
        %parallel_loop3A_904 = arith.constant 0 : i32
        %parallel_loop3A_905 = arith.constant 0 : i32
        %parallel_loop3A_906 = tpu.memref_slice %arg7[%parallel_loop3A_553, %parallel_loop3A_904, %parallel_loop3A_905] : memref<2x64x256xf32, #tpu.memory_space<vmem>> -> memref<1x64x256xf32, #tpu.memory_space<vmem>>
        %parallel_loop3A_907 = tpu.memref_squeeze %parallel_loop3A_906 : memref<1x64x256xf32, #tpu.memory_space<vmem>> -> memref<64x256xf32, #tpu.memory_space<vmem>>
        %parallel_loop3A_908 = arith.index_cast %parallel_loop3A_717 : i32 to index
        %parallel_loop3A_909 = arith.constant 240 : index
        %parallel_loop3A_910 = tpu.vector_load %parallel_loop3A_907[%parallel_loop3A_908, %parallel_loop3A_909] {strides = array<i32>} : memref<64x256xf32, #tpu.memory_space<vmem>>, vector<16xf32>,
        tpu.vector_store %parallel_loop3A_907[%parallel_loop3A_908, %parallel_loop3A_909], %parallel_loop3A_903 {strides = array<i32>} : memref<64x256xf32, #tpu.memory_space<vmem>>, vector<16xf32>,
      } {sc.loop_unroll_factor = 8 : i64, sc.parallel_access}
      %add3A_554 = arith.addi %mul3A_2, %add3A_518 : i32
      %jit3A_555 = arith.constant 64 : i32
      %div3A_556 = arith.divsi %add3A_554, %jit3A_555 : i32
      %sign3A_557 = arith.constant 0 : i32
      %sign3A_558 = arith.cmpi sgt, %add3A_554, %sign3A_557 : i32
      %sign3A_559 = arith.extui %sign3A_558 : i1 to i32
      %sign3A_560 = arith.constant 0 : i32
      %sign3A_561 = arith.cmpi slt, %add3A_554, %sign3A_560 : i32
      %sign3A_562 = arith.extui %sign3A_561 : i1 to i32
      %sign3A_563 = arith.subi %sign3A_559, %sign3A_562 : i32
      %sign3A_564 = arith.constant 0 : i32
      %sign3A_565 = arith.cmpi sgt, %jit3A_555, %sign3A_564 : i32
      %sign3A_566 = arith.extui %sign3A_565 : i1 to i32
      %sign3A_567 = arith.constant 0 : i32
      %sign3A_568 = arith.cmpi slt, %jit3A_555, %sign3A_567 : i32
      %sign3A_569 = arith.extui %sign3A_568 : i1 to i32
      %sign3A_570 = arith.subi %sign3A_566, %sign3A_569 : i32
      %ne3A_571 = arith.cmpi ne, %sign3A_563, %sign3A_570 : i32
      %rem3A_572 = arith.remsi %add3A_554, %jit3A_555 : i32
      %ne3A_573 = arith.constant 0 : i32
      %ne3A_574 = arith.cmpi ne, %rem3A_572, %ne3A_573 : i32
      %and3A_575 = arith.andi %ne3A_571, %ne3A_574 : i1
      %sub3A_576 = arith.constant 1 : i32
      %sub3A_577 = arith.subi %div3A_556, %sub3A_576 : i32
      %select_n3A_578 = arith.select %and3A_575, %sub3A_577, %div3A_556 : i32
      %jit3A_579 = arith.constant 64 : i32
      %eq3A_580 = arith.constant 0 : i32
      %eq3A_581 = arith.cmpi eq, %jit3A_579, %eq3A_580 : i32
      %jit3A_582 = arith.constant 1 : i32
      %select_n3A_583 = arith.select %eq3A_581, %jit3A_582, %jit3A_579 : i32
      %rem3A_584 = arith.remsi %add3A_554, %select_n3A_583 : i32
      %ne3A_585 = arith.constant 0 : i32
      %ne3A_586 = arith.cmpi ne, %rem3A_584, %ne3A_585 : i32
      %lt3A_587 = arith.constant 0 : i32
      %lt3A_588 = arith.cmpi slt, %rem3A_584, %lt3A_587 : i32
      %lt3A_589 = arith.constant 0 : i32
      %lt3A_590 = arith.cmpi slt, %select_n3A_583, %lt3A_589 : i32
      %ne3A_591 = arith.xori %lt3A_588, %lt3A_590 : i1
      %and3A_592 = arith.andi %ne3A_591, %ne3A_586 : i1
      %add3A_593 = arith.addi %rem3A_584, %select_n3A_583 : i32
      %select_n3A_594 = arith.select %and3A_592, %add3A_593, %rem3A_584 : i32
      %mul3A_595 = arith.constant 256 : i32
      %mul3A_596 = arith.muli %select_n3A_594, %mul3A_595 : i32
      %dma_start3A_597 = arith.constant 1 : i32
      %dma_start3A_598 = arith.constant 0 : i32
      %dma_start3A_599 = arith.constant 0 : i32
      %dma_start3A_600 = tpu.memref_slice %arg7[%dma_start3A_597, %dma_start3A_598, %dma_start3A_599] : memref<2x64x256xf32, #tpu.memory_space<vmem>> -> memref<1x8x256xf32, #tpu.memory_space<vmem>>
      %dma_start3A_601 = tpu.memref_squeeze %dma_start3A_600 : memref<1x8x256xf32, #tpu.memory_space<vmem>> -> memref<8x256xf32, #tpu.memory_space<vmem>>
      %dma_start3A_602 = arith.constant 0 : i32
      %dma_start3A_603 = tpu.memref_slice %arg4[%select_n3A_578, %dma_start3A_602, %mul3A_596] : memref<50x64x16384xf32, #tpu.memory_space<hbm>> -> memref<1x8x256xf32, #tpu.memory_space<hbm>>
      %dma_start3A_604 = tpu.memref_squeeze %dma_start3A_603 : memref<1x8x256xf32, #tpu.memory_space<hbm>> -> memref<8x256xf32, #tpu.memory_space<hbm>>
      %dma_start3A_605 = arith.constant 0 : i32
      %dma_start3A_606 = tpu.memref_slice %arg4[%select_n3A_578, %dma_start3A_605, %mul3A_596] : memref<50x64x16384xf32, #tpu.memory_space<hbm>> -> memref<1x8x256xf32, #tpu.memory_space<hbm>>
      %dma_start3A_607 = tpu.memref_squeeze %dma_start3A_606 : memref<1x8x256xf32, #tpu.memory_space<hbm>> -> memref<8x256xf32, #tpu.memory_space<hbm>>
      %dma_start3A_608 = arith.constant 0 : i32
      %dma_start3A_609 = arith.constant 0 : i32
      %dma_start3A_610 = tpu.memref_slice %arg7[%dma_start3A_597, %dma_start3A_608, %dma_start3A_609] : memref<2x64x256xf32, #tpu.memory_space<vmem>> -> memref<1x8x256xf32, #tpu.memory_space<vmem>>
      %dma_start3A_611 = tpu.memref_squeeze %dma_start3A_610 : memref<1x8x256xf32, #tpu.memory_space<vmem>> -> memref<8x256xf32, #tpu.memory_space<vmem>>
      tpu.enqueue_dma source(%dma_start3A_611 : memref<8x256xf32, #tpu.memory_space<vmem>>) target(%dma_start3A_607 : memref<8x256xf32, #tpu.memory_space<hbm>>) target_semaphore(%arg10 : memref<!tpu.dma_semaphore, #tpu.memory_space<semaphore_mem>>)
      %dma_start3A_612 = arith.constant 1 : i32
      %dma_start3A_613 = arith.constant 8 : i32
      %dma_start3A_614 = arith.constant 0 : i32
      %dma_start3A_615 = tpu.memref_slice %arg7[%dma_start3A_612, %dma_start3A_613, %dma_start3A_614] : memref<2x64x256xf32, #tpu.memory_space<vmem>> -> memref<1x8x256xf32, #tpu.memory_space<vmem>>
      %dma_start3A_616 = tpu.memref_squeeze %dma_start3A_615 : memref<1x8x256xf32, #tpu.memory_space<vmem>> -> memref<8x256xf32, #tpu.memory_space<vmem>>
      %dma_start3A_617 = arith.constant 8 : i32
      %dma_start3A_618 = tpu.memref_slice %arg4[%select_n3A_578, %dma_start3A_617, %mul3A_596] : memref<50x64x16384xf32, #tpu.memory_space<hbm>> -> memref<1x8x256xf32, #tpu.memory_space<hbm>>
      %dma_start3A_619 = tpu.memref_squeeze %dma_start3A_618 : memref<1x8x256xf32, #tpu.memory_space<hbm>> -> memref<8x256xf32, #tpu.memory_space<hbm>>
      %dma_start3A_620 = arith.constant 8 : i32
      %dma_start3A_621 = tpu.memref_slice %arg4[%select_n3A_578, %dma_start3A_620, %mul3A_596] : memref<50x64x16384xf32, #tpu.memory_space<hbm>> -> memref<1x8x256xf32, #tpu.memory_space<hbm>>
      %dma_start3A_622 = tpu.memref_squeeze %dma_start3A_621 : memref<1x8x256xf32, #tpu.memory_space<hbm>> -> memref<8x256xf32, #tpu.memory_space<hbm>>
      %dma_start3A_623 = arith.constant 8 : i32
      %dma_start3A_624 = arith.constant 0 : i32
      %dma_start3A_625 = tpu.memref_slice %arg7[%dma_start3A_612, %dma_start3A_623, %dma_start3A_624] : memref<2x64x256xf32, #tpu.memory_space<vmem>> -> memref<1x8x256xf32, #tpu.memory_space<vmem>>
      %dma_start3A_626 = tpu.memref_squeeze %dma_start3A_625 : memref<1x8x256xf32, #tpu.memory_space<vmem>> -> memref<8x256xf32, #tpu.memory_space<vmem>>
      tpu.enqueue_dma source(%dma_start3A_626 : memref<8x256xf32, #tpu.memory_space<vmem>>) target(%dma_start3A_622 : memref<8x256xf32, #tpu.memory_space<hbm>>) target_semaphore(%arg10 : memref<!tpu.dma_semaphore, #tpu.memory_space<semaphore_mem>>)
      %dma_start3A_627 = arith.constant 1 : i32
      %dma_start3A_628 = arith.constant 16 : i32
      %dma_start3A_629 = arith.constant 0 : i32
      %dma_start3A_630 = tpu.memref_slice %arg7[%dma_start3A_627, %dma_start3A_628, %dma_start3A_629] : memref<2x64x256xf32, #tpu.memory_space<vmem>> -> memref<1x8x256xf32, #tpu.memory_space<vmem>>
      %dma_start3A_631 = tpu.memref_squeeze %dma_start3A_630 : memref<1x8x256xf32, #tpu.memory_space<vmem>> -> memref<8x256xf32, #tpu.memory_space<vmem>>
      %dma_start3A_632 = arith.constant 16 : i32
      %dma_start3A_633 = tpu.memref_slice %arg4[%select_n3A_578, %dma_start3A_632, %mul3A_596] : memref<50x64x16384xf32, #tpu.memory_space<hbm>> -> memref<1x8x256xf32, #tpu.memory_space<hbm>>
      %dma_start3A_634 = tpu.memref_squeeze %dma_start3A_633 : memref<1x8x256xf32, #tpu.memory_space<hbm>> -> memref<8x256xf32, #tpu.memory_space<hbm>>
      %dma_start3A_635 = arith.constant 16 : i32
      %dma_start3A_636 = tpu.memref_slice %arg4[%select_n3A_578, %dma_start3A_635, %mul3A_596] : memref<50x64x16384xf32, #tpu.memory_space<hbm>> -> memref<1x8x256xf32, #tpu.memory_space<hbm>>
      %dma_start3A_637 = tpu.memref_squeeze %dma_start3A_636 : memref<1x8x256xf32, #tpu.memory_space<hbm>> -> memref<8x256xf32, #tpu.memory_space<hbm>>
      %dma_start3A_638 = arith.constant 16 : i32
      %dma_start3A_639 = arith.constant 0 : i32
      %dma_start3A_640 = tpu.memref_slice %arg7[%dma_start3A_627, %dma_start3A_638, %dma_start3A_639] : memref<2x64x256xf32, #tpu.memory_space<vmem>> -> memref<1x8x256xf32, #tpu.memory_space<vmem>>
      %dma_start3A_641 = tpu.memref_squeeze %dma_start3A_640 : memref<1x8x256xf32, #tpu.memory_space<vmem>> -> memref<8x256xf32, #tpu.memory_space<vmem>>
      tpu.enqueue_dma source(%dma_start3A_641 : memref<8x256xf32, #tpu.memory_space<vmem>>) target(%dma_start3A_637 : memref<8x256xf32, #tpu.memory_space<hbm>>) target_semaphore(%arg10 : memref<!tpu.dma_semaphore, #tpu.memory_space<semaphore_mem>>)
      %dma_start3A_642 = arith.constant 1 : i32
      %dma_start3A_643 = arith.constant 24 : i32
      %dma_start3A_644 = arith.constant 0 : i32
      %dma_start3A_645 = tpu.memref_slice %arg7[%dma_start3A_642, %dma_start3A_643, %dma_start3A_644] : memref<2x64x256xf32, #tpu.memory_space<vmem>> -> memref<1x8x256xf32, #tpu.memory_space<vmem>>
      %dma_start3A_646 = tpu.memref_squeeze %dma_start3A_645 : memref<1x8x256xf32, #tpu.memory_space<vmem>> -> memref<8x256xf32, #tpu.memory_space<vmem>>
      %dma_start3A_647 = arith.constant 24 : i32
      %dma_start3A_648 = tpu.memref_slice %arg4[%select_n3A_578, %dma_start3A_647, %mul3A_596] : memref<50x64x16384xf32, #tpu.memory_space<hbm>> -> memref<1x8x256xf32, #tpu.memory_space<hbm>>
      %dma_start3A_649 = tpu.memref_squeeze %dma_start3A_648 : memref<1x8x256xf32, #tpu.memory_space<hbm>> -> memref<8x256xf32, #tpu.memory_space<hbm>>
      %dma_start3A_650 = arith.constant 24 : i32
      %dma_start3A_651 = tpu.memref_slice %arg4[%select_n3A_578, %dma_start3A_650, %mul3A_596] : memref<50x64x16384xf32, #tpu.memory_space<hbm>> -> memref<1x8x256xf32, #tpu.memory_space<hbm>>
      %dma_start3A_652 = tpu.memref_squeeze %dma_start3A_651 : memref<1x8x256xf32, #tpu.memory_space<hbm>> -> memref<8x256xf32, #tpu.memory_space<hbm>>
      %dma_start3A_653 = arith.constant 24 : i32
      %dma_start3A_654 = arith.constant 0 : i32
      %dma_start3A_655 = tpu.memref_slice %arg7[%dma_start3A_642, %dma_start3A_653, %dma_start3A_654] : memref<2x64x256xf32, #tpu.memory_space<vmem>> -> memref<1x8x256xf32, #tpu.memory_space<vmem>>
      %dma_start3A_656 = tpu.memref_squeeze %dma_start3A_655 : memref<1x8x256xf32, #tpu.memory_space<vmem>> -> memref<8x256xf32, #tpu.memory_space<vmem>>
      tpu.enqueue_dma source(%dma_start3A_656 : memref<8x256xf32, #tpu.memory_space<vmem>>) target(%dma_start3A_652 : memref<8x256xf32, #tpu.memory_space<hbm>>) target_semaphore(%arg10 : memref<!tpu.dma_semaphore, #tpu.memory_space<semaphore_mem>>)
      %dma_start3A_657 = arith.constant 1 : i32
      %dma_start3A_658 = arith.constant 32 : i32
      %dma_start3A_659 = arith.constant 0 : i32
      %dma_start3A_660 = tpu.memref_slice %arg7[%dma_start3A_657, %dma_start3A_658, %dma_start3A_659] : memref<2x64x256xf32, #tpu.memory_space<vmem>> -> memref<1x8x256xf32, #tpu.memory_space<vmem>>
      %dma_start3A_661 = tpu.memref_squeeze %dma_start3A_660 : memref<1x8x256xf32, #tpu.memory_space<vmem>> -> memref<8x256xf32, #tpu.memory_space<vmem>>
      %dma_start3A_662 = arith.constant 32 : i32
      %dma_start3A_663 = tpu.memref_slice %arg4[%select_n3A_578, %dma_start3A_662, %mul3A_596] : memref<50x64x16384xf32, #tpu.memory_space<hbm>> -> memref<1x8x256xf32, #tpu.memory_space<hbm>>
      %dma_start3A_664 = tpu.memref_squeeze %dma_start3A_663 : memref<1x8x256xf32, #tpu.memory_space<hbm>> -> memref<8x256xf32, #tpu.memory_space<hbm>>
      %dma_start3A_665 = arith.constant 32 : i32
      %dma_start3A_666 = tpu.memref_slice %arg4[%select_n3A_578, %dma_start3A_665, %mul3A_596] : memref<50x64x16384xf32, #tpu.memory_space<hbm>> -> memref<1x8x256xf32, #tpu.memory_space<hbm>>
      %dma_start3A_667 = tpu.memref_squeeze %dma_start3A_666 : memref<1x8x256xf32, #tpu.memory_space<hbm>> -> memref<8x256xf32, #tpu.memory_space<hbm>>
      %dma_start3A_668 = arith.constant 32 : i32
      %dma_start3A_669 = arith.constant 0 : i32
      %dma_start3A_670 = tpu.memref_slice %arg7[%dma_start3A_657, %dma_start3A_668, %dma_start3A_669] : memref<2x64x256xf32, #tpu.memory_space<vmem>> -> memref<1x8x256xf32, #tpu.memory_space<vmem>>
      %dma_start3A_671 = tpu.memref_squeeze %dma_start3A_670 : memref<1x8x256xf32, #tpu.memory_space<vmem>> -> memref<8x256xf32, #tpu.memory_space<vmem>>
      tpu.enqueue_dma source(%dma_start3A_671 : memref<8x256xf32, #tpu.memory_space<vmem>>) target(%dma_start3A_667 : memref<8x256xf32, #tpu.memory_space<hbm>>) target_semaphore(%arg10 : memref<!tpu.dma_semaphore, #tpu.memory_space<semaphore_mem>>)
      %dma_start3A_672 = arith.constant 1 : i32
      %dma_start3A_673 = arith.constant 40 : i32
      %dma_start3A_674 = arith.constant 0 : i32
      %dma_start3A_675 = tpu.memref_slice %arg7[%dma_start3A_672, %dma_start3A_673, %dma_start3A_674] : memref<2x64x256xf32, #tpu.memory_space<vmem>> -> memref<1x8x256xf32, #tpu.memory_space<vmem>>
      %dma_start3A_676 = tpu.memref_squeeze %dma_start3A_675 : memref<1x8x256xf32, #tpu.memory_space<vmem>> -> memref<8x256xf32, #tpu.memory_space<vmem>>
      %dma_start3A_677 = arith.constant 40 : i32
      %dma_start3A_678 = tpu.memref_slice %arg4[%select_n3A_578, %dma_start3A_677, %mul3A_596] : memref<50x64x16384xf32, #tpu.memory_space<hbm>> -> memref<1x8x256xf32, #tpu.memory_space<hbm>>
      %dma_start3A_679 = tpu.memref_squeeze %dma_start3A_678 : memref<1x8x256xf32, #tpu.memory_space<hbm>> -> memref<8x256xf32, #tpu.memory_space<hbm>>
      %dma_start3A_680 = arith.constant 40 : i32
      %dma_start3A_681 = tpu.memref_slice %arg4[%select_n3A_578, %dma_start3A_680, %mul3A_596] : memref<50x64x16384xf32, #tpu.memory_space<hbm>> -> memref<1x8x256xf32, #tpu.memory_space<hbm>>
      %dma_start3A_682 = tpu.memref_squeeze %dma_start3A_681 : memref<1x8x256xf32, #tpu.memory_space<hbm>> -> memref<8x256xf32, #tpu.memory_space<hbm>>
      %dma_start3A_683 = arith.constant 40 : i32
      %dma_start3A_684 = arith.constant 0 : i32
      %dma_start3A_685 = tpu.memref_slice %arg7[%dma_start3A_672, %dma_start3A_683, %dma_start3A_684] : memref<2x64x256xf32, #tpu.memory_space<vmem>> -> memref<1x8x256xf32, #tpu.memory_space<vmem>>
      %dma_start3A_686 = tpu.memref_squeeze %dma_start3A_685 : memref<1x8x256xf32, #tpu.memory_space<vmem>> -> memref<8x256xf32, #tpu.memory_space<vmem>>
      tpu.enqueue_dma source(%dma_start3A_686 : memref<8x256xf32, #tpu.memory_space<vmem>>) target(%dma_start3A_682 : memref<8x256xf32, #tpu.memory_space<hbm>>) target_semaphore(%arg10 : memref<!tpu.dma_semaphore, #tpu.memory_space<semaphore_mem>>)
      %dma_start3A_687 = arith.constant 1 : i32
      %dma_start3A_688 = arith.constant 48 : i32
      %dma_start3A_689 = arith.constant 0 : i32
      %dma_start3A_690 = tpu.memref_slice %arg7[%dma_start3A_687, %dma_start3A_688, %dma_start3A_689] : memref<2x64x256xf32, #tpu.memory_space<vmem>> -> memref<1x8x256xf32, #tpu.memory_space<vmem>>
      %dma_start3A_691 = tpu.memref_squeeze %dma_start3A_690 : memref<1x8x256xf32, #tpu.memory_space<vmem>> -> memref<8x256xf32, #tpu.memory_space<vmem>>
      %dma_start3A_692 = arith.constant 48 : i32
      %dma_start3A_693 = tpu.memref_slice %arg4[%select_n3A_578, %dma_start3A_692, %mul3A_596] : memref<50x64x16384xf32, #tpu.memory_space<hbm>> -> memref<1x8x256xf32, #tpu.memory_space<hbm>>
      %dma_start3A_694 = tpu.memref_squeeze %dma_start3A_693 : memref<1x8x256xf32, #tpu.memory_space<hbm>> -> memref<8x256xf32, #tpu.memory_space<hbm>>
      %dma_start3A_695 = arith.constant 48 : i32
      %dma_start3A_696 = tpu.memref_slice %arg4[%select_n3A_578, %dma_start3A_695, %mul3A_596] : memref<50x64x16384xf32, #tpu.memory_space<hbm>> -> memref<1x8x256xf32, #tpu.memory_space<hbm>>
      %dma_start3A_697 = tpu.memref_squeeze %dma_start3A_696 : memref<1x8x256xf32, #tpu.memory_space<hbm>> -> memref<8x256xf32, #tpu.memory_space<hbm>>
      %dma_start3A_698 = arith.constant 48 : i32
      %dma_start3A_699 = arith.constant 0 : i32
      %dma_start3A_700 = tpu.memref_slice %arg7[%dma_start3A_687, %dma_start3A_698, %dma_start3A_699] : memref<2x64x256xf32, #tpu.memory_space<vmem>> -> memref<1x8x256xf32, #tpu.memory_space<vmem>>
      %dma_start3A_701 = tpu.memref_squeeze %dma_start3A_700 : memref<1x8x256xf32, #tpu.memory_space<vmem>> -> memref<8x256xf32, #tpu.memory_space<vmem>>
      tpu.enqueue_dma source(%dma_start3A_701 : memref<8x256xf32, #tpu.memory_space<vmem>>) target(%dma_start3A_697 : memref<8x256xf32, #tpu.memory_space<hbm>>) target_semaphore(%arg10 : memref<!tpu.dma_semaphore, #tpu.memory_space<semaphore_mem>>)
      %dma_start3A_702 = arith.constant 1 : i32
      %dma_start3A_703 = arith.constant 56 : i32
      %dma_start3A_704 = arith.constant 0 : i32
      %dma_start3A_705 = tpu.memref_slice %arg7[%dma_start3A_702, %dma_start3A_703, %dma_start3A_704] : memref<2x64x256xf32, #tpu.memory_space<vmem>> -> memref<1x8x256xf32, #tpu.memory_space<vmem>>
      %dma_start3A_706 = tpu.memref_squeeze %dma_start3A_705 : memref<1x8x256xf32, #tpu.memory_space<vmem>> -> memref<8x256xf32, #tpu.memory_space<vmem>>
      %dma_start3A_707 = arith.constant 56 : i32
      %dma_start3A_708 = tpu.memref_slice %arg4[%select_n3A_578, %dma_start3A_707, %mul3A_596] : memref<50x64x16384xf32, #tpu.memory_space<hbm>> -> memref<1x8x256xf32, #tpu.memory_space<hbm>>
      %dma_start3A_709 = tpu.memref_squeeze %dma_start3A_708 : memref<1x8x256xf32, #tpu.memory_space<hbm>> -> memref<8x256xf32, #tpu.memory_space<hbm>>
      %dma_start3A_710 = arith.constant 56 : i32
      %dma_start3A_711 = tpu.memref_slice %arg4[%select_n3A_578, %dma_start3A_710, %mul3A_596] : memref<50x64x16384xf32, #tpu.memory_space<hbm>> -> memref<1x8x256xf32, #tpu.memory_space<hbm>>
      %dma_start3A_712 = tpu.memref_squeeze %dma_start3A_711 : memref<1x8x256xf32, #tpu.memory_space<hbm>> -> memref<8x256xf32, #tpu.memory_space<hbm>>
      %dma_start3A_713 = arith.constant 56 : i32
      %dma_start3A_714 = arith.constant 0 : i32
      %dma_start3A_715 = tpu.memref_slice %arg7[%dma_start3A_702, %dma_start3A_713, %dma_start3A_714] : memref<2x64x256xf32, #tpu.memory_space<vmem>> -> memref<1x8x256xf32, #tpu.memory_space<vmem>>
      %dma_start3A_716 = tpu.memref_squeeze %dma_start3A_715 : memref<1x8x256xf32, #tpu.memory_space<vmem>> -> memref<8x256xf32, #tpu.memory_space<vmem>>
      tpu.enqueue_dma source(%dma_start3A_716 : memref<8x256xf32, #tpu.memory_space<vmem>>) target(%dma_start3A_712 : memref<8x256xf32, #tpu.memory_space<hbm>>) target_semaphore(%arg10 : memref<!tpu.dma_semaphore, #tpu.memory_space<semaphore_mem>>)
    }
    %scan3A_243 = arith.constant 50 : i32
    %dma_wait3A_244 = arith.constant 0 : i32
    %dma_wait3A_245 = arith.constant 0 : i32
    %dma_wait3A_246 = arith.constant 0 : i32
    %dma_wait3A_247 = arith.constant 0 : i32
    %dma_wait3A_248 = tpu.memref_slice %arg7[%dma_wait3A_244, %dma_wait3A_246, %dma_wait3A_247] : memref<2x64x256xf32, #tpu.memory_space<vmem>> -> memref<1x64x256xf32, #tpu.memory_space<vmem>>
    %dma_wait3A_249 = tpu.memref_squeeze %dma_wait3A_248 : memref<1x64x256xf32, #tpu.memory_space<vmem>> -> memref<64x256xf32, #tpu.memory_space<vmem>>
    %dma_wait3A_250 = arith.constant 0 : i32
    %dma_wait3A_251 = arith.constant 0 : i32
    %dma_wait3A_252 = tpu.memref_slice %arg4[%dma_wait3A_245, %dma_wait3A_250, %dma_wait3A_251] : memref<50x64x16384xf32, #tpu.memory_space<hbm>> -> memref<1x64x256xf32, #tpu.memory_space<hbm>>
    %dma_wait3A_253 = tpu.memref_squeeze %dma_wait3A_252 : memref<1x64x256xf32, #tpu.memory_space<hbm>> -> memref<64x256xf32, #tpu.memory_space<hbm>>
    %dma_wait3A_254 = arith.constant 0 : i32
    %dma_wait3A_255 = arith.constant 0 : i32
    %dma_wait3A_256 = tpu.memref_slice %arg4[%dma_wait3A_245, %dma_wait3A_254, %dma_wait3A_255] : memref<50x64x16384xf32, #tpu.memory_space<hbm>> -> memref<1x64x256xf32, #tpu.memory_space<hbm>>
    %dma_wait3A_257 = tpu.memref_squeeze %dma_wait3A_256 : memref<1x64x256xf32, #tpu.memory_space<hbm>> -> memref<64x256xf32, #tpu.memory_space<hbm>>
    %dma_wait3A_258 = arith.constant 0 : i32
    %dma_wait3A_259 = arith.constant 0 : i32
    %dma_wait3A_260 = tpu.memref_slice %arg7[%dma_wait3A_244, %dma_wait3A_258, %dma_wait3A_259] : memref<2x64x256xf32, #tpu.memory_space<vmem>> -> memref<1x64x256xf32, #tpu.memory_space<vmem>>
    %dma_wait3A_261 = tpu.memref_squeeze %dma_wait3A_260 : memref<1x64x256xf32, #tpu.memory_space<vmem>> -> memref<64x256xf32, #tpu.memory_space<vmem>>
    tpu.wait_dma2 semaphore(%arg10 : memref<!tpu.dma_semaphore, #tpu.memory_space<semaphore_mem>>) src(%dma_wait3A_261 : memref<64x256xf32, #tpu.memory_space<vmem>>) dst(%dma_wait3A_257 : memref<64x256xf32, #tpu.memory_space<hbm>>)
    %dma_wait3A_262 = arith.constant 0 : i32
    %dma_wait3A_263 = arith.constant 0 : i32
    %dma_wait3A_264 = arith.constant 0 : i32
    %dma_wait3A_265 = arith.constant 0 : i32
    %dma_wait3A_266 = tpu.memref_slice %arg7[%dma_wait3A_262, %dma_wait3A_264, %dma_wait3A_265] : memref<2x64x256xf32, #tpu.memory_space<vmem>> -> memref<1x64x256xf32, #tpu.memory_space<vmem>>
    %dma_wait3A_267 = tpu.memref_squeeze %dma_wait3A_266 : memref<1x64x256xf32, #tpu.memory_space<vmem>> -> memref<64x256xf32, #tpu.memory_space<vmem>>
    %dma_wait3A_268 = arith.constant 0 : i32
    %dma_wait3A_269 = arith.constant 0 : i32
    %dma_wait3A_270 = tpu.memref_slice %arg4[%dma_wait3A_263, %dma_wait3A_268, %dma_wait3A_269] : memref<50x64x16384xf32, #tpu.memory_space<hbm>> -> memref<1x64x256xf32, #tpu.memory_space<hbm>>
    %dma_wait3A_271 = tpu.memref_squeeze %dma_wait3A_270 : memref<1x64x256xf32, #tpu.memory_space<hbm>> -> memref<64x256xf32, #tpu.memory_space<hbm>>
    %dma_wait3A_272 = arith.constant 0 : i32
    %dma_wait3A_273 = arith.constant 0 : i32
    %dma_wait3A_274 = tpu.memref_slice %arg4[%dma_wait3A_263, %dma_wait3A_272, %dma_wait3A_273] : memref<50x64x16384xf32, #tpu.memory_space<hbm>> -> memref<1x64x256xf32, #tpu.memory_space<hbm>>
    %dma_wait3A_275 = tpu.memref_squeeze %dma_wait3A_274 : memref<1x64x256xf32, #tpu.memory_space<hbm>> -> memref<64x256xf32, #tpu.memory_space<hbm>>
    %dma_wait3A_276 = arith.constant 0 : i32
    %dma_wait3A_277 = arith.constant 0 : i32
    %dma_wait3A_278 = tpu.memref_slice %arg7[%dma_wait3A_262, %dma_wait3A_276, %dma_wait3A_277] : memref<2x64x256xf32, #tpu.memory_space<vmem>> -> memref<1x64x256xf32, #tpu.memory_space<vmem>>
    %dma_wait3A_279 = tpu.memref_squeeze %dma_wait3A_278 : memref<1x64x256xf32, #tpu.memory_space<vmem>> -> memref<64x256xf32, #tpu.memory_space<vmem>>
    tpu.wait_dma2 semaphore(%arg10 : memref<!tpu.dma_semaphore, #tpu.memory_space<semaphore_mem>>) src(%dma_wait3A_279 : memref<64x256xf32, #tpu.memory_space<vmem>>) dst(%dma_wait3A_275 : memref<64x256xf32, #tpu.memory_space<hbm>>)
    return
  }
}

module attributes {stable_mosaic.version = 14 : i64} {
  func.func @body(%arg0: i32, %arg1: memref<64x4096xf32, #tpu.memory_space<vmem>>, %arg2: memref<4096x128xf32, #tpu.memory_space<vmem>>) attributes {dimension_semantics = [#tpu.dimension_semantics<arbitrary>], iteration_bounds = array<i64: 245>, scalar_prefetch = 0 : i64, scratch_operands = 0 : i64, tpu.core_type = #tpu.core_type<tc>, window_params = [{transform_indices = @transform_0, window_bounds = array<i64: 64, 4096>}, {transform_indices = @transform_1, window_bounds = array<i64: 4096, 128>}]} {
    %get3A = arith.constant 0 : index
    %get3A_0 = arith.constant 0 : index
    %get3A_1 = vector.load %arg1[%get3A, %get3A_0] : memref<64x4096xf32, #tpu.memory_space<vmem>>, vector<64x4096xf32>
    %transpose3A = tpu.transpose %get3A_1, [1, 0] : vector<64x4096xf32> -> vector<4096x64xf32>
    %swap3A = arith.constant 0 : index
    %swap3A_2 = arith.constant 0 : index
    %swap3A_3 = vector.load %arg2[%swap3A, %swap3A_2] : memref<4096x128xf32, #tpu.memory_space<vmem>>, vector<4096x64xf32>
    tpu.vector_store %arg2[%swap3A, %swap3A_2], %transpose3A {strides = array<i32>} : memref<4096x128xf32, #tpu.memory_space<vmem>>, vector<4096x64xf32>,
    return
  }
  func.func @transform_0(%arg0: i32) -> (i32, i32) {
    %c0_i32 = arith.constant 0 : i32
    %c0_i32_0 = arith.constant 0 : i32
    return %c0_i32, %arg0 : i32, i32
  }
  func.func @transform_1(%arg0: i32) -> (i32, i32) {
    %c0_i32 = arith.constant 0 : i32
    %c0_i32_0 = arith.constant 0 : i32
    return %arg0, %c0_i32 : i32, i32
  }
}

</mosaic_0001>

<sc_bundles>
// kernel: kernel.4.cloned.1.call-start
scs
__scs_entry_jumppad:
0x0: {  	(pc) =	sbr.rel $0x88, $3  }
0x1: {  	(tag) =	ssettag $0x0;
	lr =	simm.s32 $0x1  }
0x2: {  	[smem:$0x3F9F] =	sst lr;
	_ =	strace $0xD0000000  }
0x3: {  	_ = 	snop  }
0x4: {  	_ = 	snop  }
0x5: {  	_ = 	snop  }
0x6: {  	_ = 	snop  }
0x7: {  	_ = 	snop  }
__scs_overlays_trampoline_lowered:
0x8: {  	[smem:$0x3FAE] =	sst s0  }
0x9: {  	[smem:$0x3FAF] =	sst s1  }
0xa: {  	[smem:$0x3FB0] =	sst s2  }
0xb: {  	[smem:$0x3FB1] =	sst s3  }
0xc: {  	[smem:$0x3FB2] =	sst s4  }
0xd: {  	[smem:$0x3FB3] =	sst s5  }
0xe: {  	[smem:$0x3FB4] =	sst s6  }
0xf: {  	[smem:$0x3FB5] =	sst s7  }
0x10: {  	[smem:$0x3FB6] =	sst s8  }
0x11: {  	[smem:$0x3FB7] =	sst s9;
	s0 =	simm.s32 @!p0 $0x0  }
0x12: {  	s1 =	sld [smem:$0x3F9D];
	s0 =	simm.s32 @p0 $0x1  }
0x13: {  	[smem:$0x3FB8] =	sst s0;
	s0 =	simm.s32 @!p1 $0x0  }
0x14: {  	s2 =	sld [smem:$0x3F9C];
	s0 =	simm.s32 @p1 $0x1  }
0x15: {  	[smem:$0x3FB9] =	sst s0;
	s0 =	simm.s32 @!p2 $0x0  }
0x16: {  	s3 =	sld [smem:$0x3FDB];
	s0 =	simm.s32 @p2 $0x1  }
0x17: {  	s4 =	simm.s32 $0x1BF5;
	[smem:$0x3FBB] =	sst s0  }
0x18: {  	s0 =	sld [smem:$0x3F9E];
	_ =	swait.ge [sflag:s4], $0x0  }
0x19: {  	s7 =	sld [smem:$0x3F9F]  }
0x1a: {  	s8 =	sadd.s32 $0xFFFFE003, lr  }
0x1b: {  	s9 =	sadd.s32 $0xFFFFFEF7, lr;
	s5 =	simm.s32 $0xFFFFFFFF;
	p2 =	slt.u32 s8, $0xFFFFF086  }
0x1c: {  	p1 =	slt.u32 s9, $0xF7A;
	s5 =	simm.s32 @!p2 $0x0  }
0x1d: {  	s5 =	simm.s32 @p1 $0x1;
	p0 =	seq.s32 s7, s2  }
0x1e: {  	s7 =	smul.u32 @!p0 $0xF7A, s2;
	p2 =	seq.s32 @!p0 s5, $0x0  }
0x1f: {  	s9 =	smul.u32 $0xF7A, s1;
	s8 =	simm.s32 @!p0 $0x1BF5;
	p2 =	por !p2, p0  }
0x20: {  	[sflag:s8] =	ssyncset.s32 @!p0 $0xFFFFF086;
	s6 =	sadd.s32 @!p0 s3, s7;
	s7 =	simm.s32 @!p0 $0x108  }
0x21: {  	s3 =	sadd.s32 s3, s9;
	s6 =	sadd.s32 @!p0 $0x88, s6;
	s7 =	simm.s32 @p2 $0x1082  }
0x22: {  	[simem:s7], [sflag:s8] =	dma.local @!p0 [hbm:s6], $0xF7A  }
0x23: {  	s9 =	sor.u32 $0xD0000000, s2;
	s6 =	simm.s32 $0x108;
	_ =	swait.ge @!p0 [sflag:s8], $0x0  }
0x24: {  	s3 =	sadd.s32 $0x88, s3;
	s6 =	simm.s32 @!p1 $0x1082;
	[sflag:s4] =	ssyncset.s32 $0xFFFFF086  }
0x25: {  	[simem:s6], [sflag:s4] =	dma.local [hbm:s3], $0xF7A  }
0x26: {  	[smem:$0x3F9F] =	sst s1;
	(tag) =	ssettag s2;
	_ =	strace s9  }
0x27: {  	s1 =	sld [smem:$0x3FAF]  }
0x28: {  	s2 =	sld [smem:$0x3FB0]  }
0x29: {  	s4 =	sld [smem:$0x3FB2]  }
0x2a: {  	p0 =	seq.s32 s5, $0x0;
	s5 =	sld [smem:$0x3FB3]  }
0x2b: {  	s6 =	sld [smem:$0x3FB4]  }
0x2c: {  	s7 =	sld [smem:$0x3FB5]  }
0x2d: {  	s3 =	simm.s32 $0x108;
	s8 =	sld [smem:$0x3FB6]  }
0x2e: {  	s3 =	simm.s32 @!p0 $0x1082;
	s9 =	sld [smem:$0x3FB7]  }
0x2f: {  	lr =	sadd.s32 s0, s3;
	s0 =	sld [smem:$0x3FAE]  }
0x30: {  	s3 =	sld [smem:$0x3FB1]  }
0x31: {  	[smem:$0x3FBA] =	sst s10  }
0x32: {  	s10 =	sld [smem:$0x3FB8];
	_ =	sdelay $0x3  }
0x33: {  	p0 =	seq.s32 s10, $0x1;
	s10 =	sld [smem:$0x3FBA];
	_ =	sdelay $0x3  }
0x34: {  	[smem:$0x3FBA] =	sst s10  }
0x35: {  	s10 =	sld [smem:$0x3FB9];
	_ =	sdelay $0x3  }
0x36: {  	p1 =	seq.s32 s10, $0x1;
	s10 =	sld [smem:$0x3FBA];
	_ =	sdelay $0x3  }
0x37: {  	[smem:$0x3FBA] =	sst s10  }
0x38: {  	s10 =	sld [smem:$0x3FBB]  }
0x39: {  	_ = 	snop;
	(pc) =	sbr.ind lr, $3  }
0x3a: {  	_ = 	snop  }
0x3b: {  	_ = 	snop  }
0x3c: {  	p2 =	seq.s32 s10, $0x1;
	s10 =	sld [smem:$0x3FBA]  }
0x3d: {  	_ =	shalt  }
0x3e: {  	_ =	shalt  }
0x3f: {  	_ =	shalt  }
0x40: {  	_ =	shalt  }
0x41: {  	_ =	shalt  }
0x42: {  	_ =	shalt  }
0x43: {  	_ =	shalt  }
0x44: {  	_ =	shalt  }
0x45: {  	_ =	shalt  }
0x46: {  	_ =	shalt  }
0x47: {  	_ =	shalt  }
0x48: {  	_ =	shalt  }
0x49: {  	_ =	shalt  }
0x4a: {  	_ =	shalt  }
0x4b: {  	_ =	shalt  }
0x4c: {  	_ =	shalt  }
0x4d: {  	_ =	shalt  }
0x4e: {  	_ =	shalt  }
0x4f: {  	_ =	shalt  }
0x50: {  	_ =	shalt  }
0x51: {  	_ =	shalt  }
0x52: {  	_ =	shalt  }
0x53: {  	_ =	shalt  }
0x54: {  	_ =	shalt  }
0x55: {  	_ =	shalt  }
0x56: {  	_ =	shalt  }
0x57: {  	_ =	shalt  }
0x58: {  	_ =	shalt  }
0x59: {  	_ =	shalt  }
0x5a: {  	_ =	shalt  }
0x5b: {  	_ =	shalt  }
0x5c: {  	_ =	shalt  }
0x5d: {  	_ =	shalt  }
0x5e: {  	_ =	shalt  }
0x5f: {  	_ =	shalt  }
0x60: {  	_ =	shalt  }
0x61: {  	_ =	shalt  }
0x62: {  	_ =	shalt  }
0x63: {  	_ =	shalt  }
0x64: {  	_ =	shalt  }
0x65: {  	_ =	shalt  }
0x66: {  	_ =	shalt  }
0x67: {  	_ =	shalt  }
0x68: {  	_ =	shalt  }
0x69: {  	_ =	shalt  }
0x6a: {  	_ =	shalt  }
0x6b: {  	_ =	shalt  }
0x6c: {  	_ =	shalt  }
0x6d: {  	_ =	shalt  }
0x6e: {  	_ =	shalt  }
0x6f: {  	_ =	shalt  }
0x70: {  	_ =	shalt  }
0x71: {  	_ =	shalt  }
0x72: {  	_ =	shalt  }
0x73: {  	_ =	shalt  }
0x74: {  	_ =	shalt  }
0x75: {  	_ =	shalt  }
0x76: {  	_ =	shalt  }
0x77: {  	_ =	shalt  }
0x78: {  	_ =	shalt  }
0x79: {  	_ =	shalt  }
0x7a: {  	_ =	shalt  }
0x7b: {  	_ =	shalt  }
0x7c: {  	_ =	shalt  }
0x7d: {  	_ =	shalt  }
0x7e: {  	_ =	shalt  }
0x7f: {  	_ =	shalt  }
0x80: {  	_ =	shalt  }
0x81: {  	_ =	shalt  }
0x82: {  	_ =	shalt  }
0x83: {  	_ =	shalt  }
0x84: {  	_ =	shalt  }
0x85: {  	_ =	shalt  }
0x86: {  	_ =	shalt  }
0x87: {  	_ =	shalt  }
.Lfunc_end0:
.L_simem_size_0:
called_computation_lowered:
.L_overlay_start_0:
0x88: {  	s2 =	sld [smem:$0x3FD9]  }
0x89: {  	s3 =	sld [smem:$0x3FFE];
	_ =	sdelay $0x1  }
0x8a: {  	s1 =	srdreg.scid  }
0x8b: {  	s0 =	sand.u32 $0x1, s1  }
0x8c: {  	s17 =	sshll.u32 s0, $0xA;
	s2 =	sadd.s32 s3, s2  }
0x8d: {  	s2 =	sadd.s32 s2, s17  }
0x8e: {  	[smem:$0x3FC6] =	sst s2  }
0x8f: {  	_ = 	snop  }
0x90: {  	s2 =	sld [smem:$0x3FC9]  }
0x91: {  	s18 =	sld [smem:$0x3FD0];
	(tm) =	ssettm $0x1  }
0x92: {  	s4 =	sld [smem:$0x3FFB];
	_ =	sdelay $0x3  }
0x93: {  	_ =	strace s4  }
0x94: {  	s4 =	sld [smem:$0x3FFC];
	_ =	sdelay $0x3  }
0x95: {  	_ =	strace s4  }
0x96: {  	s4 =	sld [smem:$0x3FFD];
	_ =	sdelay $0x3  }
0x97: {  	_ =	strace s4  }
0x98: {  	_ =	strace $0x8FFFFFFF  }
0x99: {  	s19 =	sld [smem:$0x3FDB];
	_ =	sdelay $0x1  }
0x9a: {  	s5 =	simm.s32 $_scs_section_size  }
0x9b: {  	s6 =	simm.s32 $_size__tile_overlayer_lowered;
	s7 =	simm.s32 $_tile_overlayer_lowered  }
0x9c: {  	s22 =	simm.s32 $0x1BFF;
	s21 =	sshll.u32 s7, $0x1;
	s4 =	sadd.s32 s5, s19  }
0x9d: {  	s8 =	simm.s32 $0x0;
	s20 =	sshll.u32 s6, $0x1;
	s6 =	sadd.s32 s21, s4  }
0x9e: {  	[timem:s8], [sflag:s22] =	dma.local [hbm:s6], s20  }
0x9f: {  	_ =	swait.ge [sflag:s22], s20  }
0xa0: {  	s5 =	ssub.s32 $0x0, s20;
	[sflag:s22] =	ssyncset.done $0x0  }
0xa1: {  	[sflag:s22] =	ssyncadd.s32 s5;
	_ =	sdelay $0x1  }
0xa2: {  	s23 =	simm.s32 $0x1B8B  }
0xa3: {  	_ =	swait.ge [sflag:s23], $0x1  }
0xa4: {  	[sflag:s23] =	ssyncset.done $0x0  }
0xa5: {  	s25 =	simm.s32 $0x1B8E;
	s24 =	sld [smem:$0x3FFE];
	[sflag:s23] =	ssyncadd.s32 $0xFFFFFFFF  }
0xa6: {  	s26 =	simm.s32 $execute0_lowered;
	[smem:$0x3FD2] =	sst s25  }
0xa7: {  	s6 =	sshll.u32 s26, $0x1;
	_ =	strace $0x80000046;
	[dreg:$0x1] =	wrdreg $0xFFFFFFFF  }
0xa8: {  	s28 =	simm.s32 $_size_execute0_lowered;
	s4 =	sadd.s32 s4, s6;
	[dreg:$0x0] =	wrdreg $0x0  }
0xa9: {  	s6 =	sshll.u32 s28, $0x1;
	[dreg:$0x2] =	wrdreg s4  }
0xaa: {  	[dreg:$0x3] =	wrdreg s6  }
0xab: {  	[dreg:$0x4] =	wrdreg $0xC0  }
0xac: {  	_ =	task [dreg:s8], $0x5FFFF  }
0xad: {  	[dreg:$0x1] =	wrdreg $0xFFFFFFFF  }
0xae: {  	[dreg:$0x0] =	wrdreg $0x60  }
0xaf: {  	[dreg:$0x2] =	wrdreg s24  }
0xb0: {  	[dreg:$0x3] =	wrdreg s2  }
0xb1: {  	[dreg:$0x4] =	wrdreg s18  }
0xb2: {  	[dreg:$0x5] =	wrdreg $0x9  }
0xb3: {  	_ =	task.clear_ibuf [dreg:s8], $0x6FFFF;
	_ =	strace $0x90000046  }
0xb4: {  	s29 =	simm.s32 $0x9;
	_ =	strace $0x80000048  }
0xb5: {  	_ =	swait.ge [sflag:s29], $0x1  }
0xb6: {  	[sflag:s29] =	ssyncadd.s32 $0xFFFFFFFF  }
0xb7: {  	_ =	strace $0x90000048  }
0xb8: {  	_ =	sfence  }
0xb9: {  	s30 =	sld [smem:$0x0];
	_ =	sdelay $0x2  }
0xba: {  	s31 =	sshll.u32 s1, $0xD;
	s1 =	sshrl.u32 s1, $0x2  }
0xbb: {  	s3 =	sand.u32 $0x4000, s31;
	s1 =	sadd.s32 s1, s30  }
0xbc: {  	s0 =	sor.u32 s3, s0;
	s1 =	sshll.u32 s1, $0x11  }
0xbd: {  	s0 =	sor.u32 s1, s0  }
0xbe: {  	s0 =	sadd.s32 $0x8F2B, s0  }
0xbf: {  	[sflag:s0] =	ssyncadd.remote.s32 $0x1  }
0xc0: {  	_ =	sfence.sel $0xFFFF  }
0xc1: {  	[dreg:$0x0] =	wrdreg $0xFFFFFFFF;
	(pc) =	sbr.abs _section_cstart, $3  }
0xc2: {  	[dreg:$0x1] =	wrdreg $0xFFFFFFFF  }
0xc3: {  	_ =	task.clear_ibuf [dreg:s8], $0x2FFFF;
	_ =	strace $0x9FFFFFFF  }
0xc4: {  	(tm) =	ssettm $0x7FFFFFFF  }
0xc5: {  	_ =	shalt  }
tec
execute0_lowered:
.L_overlay_start_1:
0x0: {  	(tag) =	ssettag $0x1  }
0x1: {  	s0 =	srdreg.scid;
	s6 =	rddreg [dreg:$0x0]  }
0x2: {  	s1 =	stileid.u32;
	s2 =	rddreg [dreg:$0x1]  }
0x3: {  	s4 =	rddreg [dreg:$0x2];
	s5 =	simm.s32 $0x0;
	s21 =	simm.s32 $0x80  }
0x4: {  	s22 =	simm.s32 $0x1;
	s23 =	simm.s32 $0x200;
	s25 =	simm.s32 $0x100  }
0x5: {  	s28 =	simm.s32 $0x8200;
	s30 =	simm.s32 $0x2;
	s0 =	sand.u32 $0x1, s0  }
0x6: {  	s1 =	sshll.u32 s1, $0x1;
	[smem:$0x7FF] =	sst s5;
	s6 =	sadd.s32 $0x400, s6  }
0x7: {  	s12 =	sadd.s32 $0x4000, s4;
	s13 =	sadd.s32 $0x8000, s4;
	s1 =	sor.u32 s0, s1  }
0x8: {  	s14 =	sadd.s32 $0xC000, s4;
	s15 =	sadd.s32 $0x10000, s4;
	s3 =	smul.u32 $0x64, s1  }
0x9: {  	s16 =	sadd.s32 $0x14000, s4;
	s17 =	sadd.s32 $0x18000, s4;
	s1 =	smul.u32 $0x2400, s1  }
0xa: {  	s18 =	sadd.s32 $0x1C000, s4;
	_ =	strace $0x80000047;
	s0 =	ssub.s32 $0x2, s0  }
0xb: {  	s7 =	sshll.u32 s3, $0x8;
	s1 =	sand.u32 $0x3C00, s1;
	s9 =	sshll.u32 s3, $0x1  }
0xc: {  	s7 =	sand.u32 $0xE0000, s7;
	s8 =	sshll.u32 s1, $0x3;
	s9 =	sand.u32 $0x380, s9  }
0xd: {  	v0 =	vlaneseq.u32;
	s26 =	sshrl.u32 s0, $0x1;
	s8 =	sor.u32 s8, s7;
	s7 =	sor.u32 s7, s9  }
0xe: {  	v0 =	vmul.u32 $0x80, v0;
	s0 =	ssub.s32 s0, s26;
	s8 =	sor.u32 s9, s8;
	s7 =	sshrl.u32 s7, $0x3  }
0xf: {  	s0 =	smax.u32 s0, $0x1;
	s8 =	sshrl.u32 s8, $0x3;
	s1 =	sor.u32 s1, s7  }
0x10: {  	v1 =	vor.u32 $0x800, v0;
	v2 =	vor.u32 $0x1000, v0;
	v3 =	vor.u32 $0x1800, v0;
	[dreg:$0x8] =	wrdreg s0;
	s29 =	sadd.s32 s8, s2;
	s1 =	sadd.s32 s2, s1  }
0x11: {  	v4 =	vor.u32 $0x2000, v0;
	v5 =	vor.u32 $0x2800, v0;
	v6 =	vor.u32 $0x3000, v0;
	s26 =	simm.s32 $0x180;
	s8 =	sadd.s32 $0x80, s29;
	[dreg:$0x4] =	wrdreg s1  }
0x12: {  	v7 =	vor.u32 $0x3800, v0;
	v8 =	vor.u32 $0x4000, v0;
	v9 =	vor.u32 $0x4800, v0;
	s11 =	sor.u32 $0x2, s3;
	s1 =	sadd.s32 $0x100, s1;
	[dreg:$0x5] =	wrdreg s8  }
0x13: {  	v10 =	vor.u32 $0x5000, v0;
	v11 =	vor.u32 $0x5800, v0;
	v12 =	vor.u32 $0x6000, v0;
	s19 =	sor.u32 $0x3, s3;
	s31 =	sadd.s32 $0x180, s29;
	[dreg:$0x6] =	wrdreg s1  }
0x14: {  	v13 =	vor.u32 $0x6800, v0;
	v14 =	vor.u32 $0x7000, v0;
	v15 =	vor.u32 $0x7800, v0;
	s9 =	simm.s32 $0x17A00;
	s7 =	simm.s32 $0x0;
	[dreg:$0x7] =	wrdreg s31  }
.LBB2_1:
0x15: {  	[dreg:$0x9] =	wrdreg s7  }
0x16: {  	s0 =	rddreg [dreg:$0x4]  }
0x17: {  	[tilespmem:s5], [sflag:$0x1] =	stream.linear.gather [hbm4b:s0+s5], $0x80, $0x38;
	[tilespmem:$0x18200] =	vst v63  }
0x18: {  	s20 =	rddreg [dreg:$0x5]  }
0x19: {  	[tilespmem:s21], [sflag:$0x1] =	stream.linear.gather [hbm4b:s20+s5], $0x80, $0x38;
	[tilespmem:$0x18200] =	vst v63  }
0x1a: {  	_ =	swait.ge [sflag:s22], $0x100  }
0x1b: {  	[sflag:s22] =	ssyncset.done $0x0  }
0x1c: {  	[sflag:s22] =	ssyncadd.s32 $0xFFFFFF00  }
0x1d: {  	[tilespmem:s23], [sflag:$0x2] =	stream.indirect.gather [hbm4b:s6+s21], $0x80, s5, s21, $0xb8;
	[tilespmem:$0x18200] =	vst v63  }
0x1e: {  	s24 =	simm.s32 $0x4200  }
0x1f: {  	[tilespmem:s24], [sflag:$0x2] =	stream.indirect.gather [hbm4b:s6+s21], $0x80, s21, s21, $0xb8;
	[tilespmem:$0x18200] =	vst v63  }
0x20: {  	s29 =	rddreg [dreg:$0x6]  }
0x21: {  	[tilespmem:s25], [sflag:$0x1] =	stream.linear.gather [hbm4b:s29+s5], $0x80, $0x38;
	[tilespmem:$0x18200] =	vst v63  }
0x22: {  	s10 =	simm.s32 $0x0;
	s31 =	rddreg [dreg:$0x7]  }
0x23: {  	[tilespmem:s26], [sflag:$0x1] =	stream.linear.gather [hbm4b:s31+s5], $0x80, $0x38;
	[tilespmem:$0x18200] =	vst v63  }
.LBB2_2:
0x24: {  	_ =	swait.ge [sflag:s22], $0x100  }
0x25: {  	[sflag:s22] =	ssyncset.done $0x0  }
0x26: {  	s0 =	simm.s32 $0xC200;
	p1 =	seq.s32 s10, $0x0;
	[sflag:s22] =	ssyncadd.s32 $0xFFFFFF00  }
0x27: {  	[tilespmem:s28], [sflag:$0x2] =	stream.indirect.gather [hbm4b:s6+s21], $0x80, s25, s21, $0xb8;
	[tilespmem:$0x18200] =	vst v63  }
0x28: {  	s20 =	sshll.u32 s10, $0x1;
	p0 =	seq.s32 s10, $0x31;
	s1 =	simm.s32 $0x0  }
0x29: {  	[tilespmem:s0], [sflag:$0x2] =	stream.indirect.gather [hbm4b:s6+s21], $0x80, s26, s21, $0xb8;
	[tilespmem:$0x18200] =	vst v63  }
0x2a: {  	s29 =	simm.s32 $0x1;
	s31 =	simm.s32 $0x2;
	s0 =	simm.s32 @!p1 $0x3  }
0x2b: {  	s24 =	simm.s32 $0x5;
	s7 =	sadd.s32 @!p0 s20, s11;
	_ =	swait.ge @!p1 [sflag:s0], $0x4000  }
0x2c: {  	v17 =	vmov s29;
	s29 =	simm.s32 $0x7;
	v18 =	vmov s31;
	s31 =	simm.s32 $0x3;
	[sflag:s0] =	ssyncset.done @!p1 $0x0  }
0x2d: {  	v16 =	vmov s1;
	v26 =	vmov s24;
	s1 =	sshll.u32 @!p0 s7, $0xB;
	[sflag:s0] =	ssyncadd.s32 @!p1 $0xFFFFC000;
	s0 =	sshll.u32 @!p0 s7, $0x8  }
0x2e: {  	v16 =	vand.u32 $0x78, v16;
	v19 =	vmov s29;
	v21 =	vmov s31;
	s1 =	sand.u32 @!p0 $0x1F000, s1;
	s7 =	sshll.u32 @!p0 s7, $0x1;
	s0 =	sand.u32 @!p0 $0x7FFE0000, s0  }
0x2f: {  	v17 =	vand.u32 $0x79, v17;
	v16 =	vbroadcast v16, $0x0;
	v19 =	vand.u32 $0x7F, v19;
	s0 =	sor.u32 @!p0 s1, s0;
	s1 =	sand.u32 @!p0 $0x380, s7  }
0x30: {  	s29 =	simm.s32 $0x4;
	v23 =	vbroadcast v17, $0x0;
	v17 =	vand.u32 $0x7A, v18;
	v20 =	vbroadcast v19, $0x0;
	_ =	swait.ge [sflag:s30], $0x8000;
	s0 =	sor.u32 @!p0 s1, s0  }
0x31: {  	v25 =	vmov s29;
	v22 =	vbroadcast v17, $0x0;
	v24 =	vor.u32 v0, v16;
	s7 =	simm.s32 $0x6;
	[sflag:s30] =	ssyncset.done $0x0;
	s0 =	sshrl.u32 @!p0 s0, $0x3  }
0x32: {  	v17 =	vand.u32 $0x7B, v21;
	v29 =	vor.u32 v0, v23;
	v28 =	vor.u32 v0, v20;
	[sflag:s30] =	ssyncadd.s32 $0xFFFF8000;
	s1 =	simm.s32 @!p0 $0x0;
	s0 =	sadd.s32 @!p0 s2, s0  }
0x33: {  	v21 =	vbroadcast v17, $0x0;
	v17 =	vand.u32 $0x7C, v25;
	v25 =	vor.u32 v0, v22;
	[tilespmem:s1], [sflag:$0x1] =	stream.linear.gather @!p0 [hbm4b:s0+s1], $0x80, $0x38;
	[tilespmem:$0x18200] =	vst v63  }
0x34: {  	v19 =	vbroadcast v17, $0x0;
	v17 =	vand.u32 $0x7D, v26;
	v27 =	vmov s7;
	s7 =	simm.s32 @!p0 $0x80;
	s0 =	sadd.s32 @!p0 $0x80, s0  }
0x35: {  	v26 =	vor.u32 v0, v21;
	v18 =	vbroadcast v17, $0x0;
	v17 =	vand.u32 $0x7E, v27;
	[tilespmem:s7], [sflag:$0x1] =	stream.linear.gather @!p0 [hbm4b:s0+s1], $0x80, $0x38;
	[tilespmem:$0x18200] =	vst v63  }
0x36: {  	v27 =	vor.u32 v0, v19;
	v17 =	vbroadcast v17, $0x0;
	v24 =	vld.idx.msk [tilespmem:v24+s23+$0x0], $0xffff  }
0x37: {  	v30 =	vor.u32 v0, v18;
	v28 =	vld.idx.msk [tilespmem:v28+s23+$0x0], $0xffff  }
0x38: {  	v31 =	vor.u32 v0, v17;
	v29 =	vld.idx.msk [tilespmem:v29+s23+$0x0], $0xffff  }
0x39: {  	v32 =	vor.u32 v1, v20;
	v25 =	vld.idx.msk [tilespmem:v25+s23+$0x0], $0xffff  }
0x3a: {  	v33 =	vor.u32 v1, v23;
	v26 =	vld.idx.msk [tilespmem:v26+s23+$0x0], $0xffff  }
0x3b: {  	v34 =	vor.u32 v1, v22;
	s7 =	simm.s32 $0x10600;
	v27 =	vld.idx.msk [tilespmem:v27+s23+$0x0], $0xffff  }
0x3c: {  	v35 =	vor.u32 v1, v21;
	v30 =	vld.idx.msk [tilespmem:v30+s23+$0x0], $0xffff;
	[tilespmem:s7+$0xFFFFFF80] =	vst v28  }
0x3d: {  	v36 =	vor.u32 v1, v19;
	v31 =	vld.idx.msk [tilespmem:v31+s23+$0x0], $0xffff;
	[tilespmem:s7+$0xFFFFFC80] =	vst v29  }
0x3e: {  	v28 =	vor.u32 v1, v18;
	[tilespmem:s7+$0xFFFFFD00] =	vst v25;
	v29 =	vld.idx.msk [tilespmem:v32+s23+$0x0], $0xffff  }
0x3f: {  	v25 =	vor.u32 v1, v17;
	[tilespmem:s7+$0xFFFFFD80] =	vst v26;
	v41 =	vld.idx.msk [tilespmem:v33+s23+$0x0], $0xffff  }
0x40: {  	v43 =	vor.u32 v1, v16;
	[tilespmem:s7+$0xFFFFFE00] =	vst v27;
	v42 =	vld.idx.msk [tilespmem:v34+s23+$0x0], $0xffff  }
0x41: {  	v26 =	vor.u32 v2, v20;
	[tilespmem:s7+$0xFFFFFE80] =	vst v30;
	v35 =	vld.idx.msk [tilespmem:v35+s23+$0x0], $0xffff  }
0x42: {  	v27 =	vor.u32 v2, v23;
	[tilespmem:s7+$0xFFFFFC00] =	vst v24;
	v36 =	vld.idx.msk [tilespmem:v36+s23+$0x0], $0xffff  }
0x43: {  	v30 =	vor.u32 v2, v22;
	[tilespmem:s7+$0xFFFFFF00] =	vst v31;
	v28 =	vld.idx.msk [tilespmem:v28+s23+$0x0], $0xffff  }
0x44: {  	v24 =	vor.u32 v2, v19;
	v25 =	vld.idx.msk [tilespmem:v25+s23+$0x0], $0xffff;
	[tilespmem:s7+$0xFFFFFF90] =	vst v29  }
0x45: {  	v31 =	vor.u32 v2, v21;
	v29 =	vld.idx.msk [tilespmem:v43+s23+$0x0], $0xffff;
	[tilespmem:s7+$0xFFFFFC90] =	vst v41  }
0x46: {  	v44 =	vor.u32 v2, v18;
	[tilespmem:s7+$0xFFFFFD10] =	vst v42;
	v26 =	vld.idx.msk [tilespmem:v26+s23+$0x0], $0xffff  }
0x47: {  	v46 =	vor.u32 v2, v17;
	[tilespmem:s7+$0xFFFFFD90] =	vst v35;
	v27 =	vld.idx.msk [tilespmem:v27+s23+$0x0], $0xffff  }
0x48: {  	v47 =	vor.u32 v2, v16;
	[tilespmem:s7+$0xFFFFFE10] =	vst v36;
	v30 =	vld.idx.msk [tilespmem:v30+s23+$0x0], $0xffff  }
0x49: {  	v45 =	vor.u32 v3, v20;
	v24 =	vld.idx.msk [tilespmem:v24+s23+$0x0], $0xffff;
	[tilespmem:s7+$0xFFFFFE90] =	vst v28  }
0x4a: {  	v48 =	vor.u32 v3, v23;
	v31 =	vld.idx.msk [tilespmem:v31+s23+$0x0], $0xffff;
	[tilespmem:s7+$0xFFFFFF10] =	vst v25  }
0x4b: {  	v28 =	vor.u32 v3, v22;
	v32 =	vld.idx.msk [tilespmem:v44+s23+$0x0], $0xffff;
	[tilespmem:s7+$0xFFFFFC10] =	vst v29  }
0x4c: {  	v29 =	vor.u32 v3, v19;
	v49 =	vld.idx.msk [tilespmem:v46+s23+$0x0], $0xffff;
	[tilespmem:s7+$0xFFFFFFA0] =	vst v26  }
0x4d: {  	v26 =	vor.u32 v3, v21;
	v50 =	vld.idx.msk [tilespmem:v47+s23+$0x0], $0xffff;
	[tilespmem:s7+$0xFFFFFCA0] =	vst v27  }
0x4e: {  	[tilespmem:s7+$0xFFFFFD20] =	vst v30;
	v30 =	vor.u32 v3, v18;
	v25 =	vld.idx.msk [tilespmem:v45+s23+$0x0], $0xffff  }
0x4f: {  	v52 =	vor.u32 v3, v16;
	[tilespmem:s7+$0xFFFFFE20] =	vst v24;
	v51 =	vld.idx.msk [tilespmem:v48+s23+$0x0], $0xffff  }
0x50: {  	v27 =	vor.u32 v4, v20;
	[tilespmem:s7+$0xFFFFFDA0] =	vst v31;
	v28 =	vld.idx.msk [tilespmem:v28+s23+$0x0], $0xffff  }
0x51: {  	v31 =	vor.u32 v3, v17;
	v29 =	vld.idx.msk [tilespmem:v29+s23+$0x0], $0xffff;
	[tilespmem:s7+$0xFFFFFEA0] =	vst v32  }
0x52: {  	v24 =	vor.u32 v4, v23;
	[tilespmem:s7+$0xFFFFFF20] =	vst v49;
	v26 =	vld.idx.msk [tilespmem:v26+s23+$0x0], $0xffff  }
0x53: {  	v55 =	vor.u32 v4, v19;
	v30 =	vld.idx.msk [tilespmem:v30+s23+$0x0], $0xffff;
	[tilespmem:s7+$0xFFFFFC20] =	vst v50  }
0x54: {  	[tilespmem:s7+$0xFFFFFFB0] =	vst v25;
	v25 =	vor.u32 v4, v22;
	v34 =	vld.idx.msk [tilespmem:v52+s23+$0x0], $0xffff  }
0x55: {  	v53 =	vor.u32 v4, v21;
	[tilespmem:s7+$0xFFFFFCB0] =	vst v51;
	v27 =	vld.idx.msk [tilespmem:v27+s23+$0x0], $0xffff  }
0x56: {  	v56 =	vor.u32 v4, v16;
	v31 =	vld.idx.msk [tilespmem:v31+s23+$0x0], $0xffff;
	[tilespmem:s7+$0xFFFFFD30] =	vst v28  }
0x57: {  	v54 =	vor.u32 v5, v20;
	v24 =	vld.idx.msk [tilespmem:v24+s23+$0x0], $0xffff;
	[tilespmem:s7+$0xFFFFFE30] =	vst v29  }
0x58: {  	v28 =	vor.u32 v4, v18;
	[tilespmem:s7+$0xFFFFFDB0] =	vst v26;
	v35 =	vld.idx.msk [tilespmem:v55+s23+$0x0], $0xffff  }
0x59: {  	v26 =	vor.u32 v4, v17;
	v25 =	vld.idx.msk [tilespmem:v25+s23+$0x0], $0xffff;
	[tilespmem:s7+$0xFFFFFC30] =	vst v34  }
0x5a: {  	v32 =	vld.idx.msk [tilespmem:v53+s23+$0x0], $0xffff;
	[tilespmem:s7+$0xFFFFFFC0] =	vst v27;
	v27 =	vor.u32 v5, v23  }
0x5b: {  	v57 =	vor.u32 v5, v22;
	[tilespmem:s7+$0xFFFFFEB0] =	vst v30;
	v34 =	vld.idx.msk [tilespmem:v56+s23+$0x0], $0xffff  }
0x5c: {  	[tilespmem:s7+$0xFFFFFF30] =	vst v31;
	v31 =	vor.u32 v5, v21;
	v29 =	vld.idx.msk [tilespmem:v54+s23+$0x0], $0xffff  }
0x5d: {  	[tilespmem:s7+$0xFFFFFCC0] =	vst v24;
	v24 =	vor.u32 v5, v19;
	v28 =	vld.idx.msk [tilespmem:v28+s23+$0x0], $0xffff  }
0x5e: {  	v30 =	vor.u32 v6, v20;
	v26 =	vld.idx.msk [tilespmem:v26+s23+$0x0], $0xffff;
	[tilespmem:s7+$0xFFFFFE40] =	vst v35  }
0x5f: {  	[tilespmem:s7+$0xFFFFFD40] =	vst v25;
	v25 =	vor.u32 v5, v18;
	v27 =	vld.idx.msk [tilespmem:v27+s23+$0x0], $0xffff  }
0x60: {  	v58 =	vor.u32 v5, v17;
	[tilespmem:s7+$0xFFFFFDC0] =	vst v32;
	v33 =	vld.idx.msk [tilespmem:v57+s23+$0x0], $0xffff  }
0x61: {  	v31 =	vld.idx.msk [tilespmem:v31+s23+$0x0], $0xffff;
	[tilespmem:s7+$0xFFFFFFD0] =	vst v29;
	v29 =	vor.u32 v5, v16  }
0x62: {  	v59 =	vor.u32 v6, v23;
	v24 =	vld.idx.msk [tilespmem:v24+s23+$0x0], $0xffff;
	[tilespmem:s7+$0xFFFFFC40] =	vst v34  }
0x63: {  	v60 =	vor.u32 v6, v22;
	[tilespmem:s7+$0xFFFFFEC0] =	vst v28;
	v30 =	vld.idx.msk [tilespmem:v30+s23+$0x0], $0xffff  }
0x64: {  	v28 =	vor.u32 v7, v20;
	[tilespmem:s7+$0xFFFFFF40] =	vst v26;
	v25 =	vld.idx.msk [tilespmem:v25+s23+$0x0], $0xffff  }
0x65: {  	v26 =	vor.u32 v6, v21;
	v61 =	vld.idx.msk [tilespmem:v58+s23+$0x0], $0xffff;
	[tilespmem:s7+$0xFFFFFCD0] =	vst v27  }
0x66: {  	v27 =	vor.u32 v6, v19;
	[tilespmem:s7+$0xFFFFFD50] =	vst v33;
	v29 =	vld.idx.msk [tilespmem:v29+s23+$0x0], $0xffff  }
0x67: {  	v62 =	vor.u32 v6, v18;
	[tilespmem:s7+$0xFFFFFDD0] =	vst v31;
	v32 =	vld.idx.msk [tilespmem:v59+s23+$0x0], $0xffff  }
0x68: {  	v35 =	vld.idx.msk [tilespmem:v60+s23+$0x0], $0xffff;
	[tilespmem:s7+$0xFFFFFFE0] =	vst v30;
	v30 =	vor.u32 v6, v17  }
0x69: {  	v63 =	vor.u32 v6, v16;
	[tilespmem:s7+$0xFFFFFE50] =	vst v24;
	v28 =	vld.idx.msk [tilespmem:v28+s23+$0x0], $0xffff  }
0x6a: {  	v31 =	vor.u32 v7, v23;
	v26 =	vld.idx.msk [tilespmem:v26+s23+$0x0], $0xffff;
	[tilespmem:s7+$0xFFFFFED0] =	vst v25  }
0x6b: {  	v24 =	vor.u32 v8, v20;
	[tilespmem:s7+$0xFFFFFF50] =	vst v61;
	v27 =	vld.idx.msk [tilespmem:v27+s23+$0x0], $0xffff  }
0x6c: {  	v25 =	vor.u32 v7, v22;
	v36 =	vld.idx.msk [tilespmem:v62+s23+$0x0], $0xffff;
	[tilespmem:s7+$0xFFFFFC50] =	vst v29  }
0x6d: {  	v29 =	vor.u32 v7, v21;
	[tilespmem:s7+$0xFFFFFCE0] =	vst v32;
	v30 =	vld.idx.msk [tilespmem:v30+s23+$0x0], $0xffff  }
0x6e: {  	v40 =	vor.u32 v7, v19;
	[tilespmem:s7+$0xFFFFFD60] =	vst v35;
	v33 =	vld.idx.msk [tilespmem:v63+s23+$0x0], $0xffff  }
0x6f: {  	v31 =	vld.idx.msk [tilespmem:v31+s23+$0x0], $0xffff;
	[tilespmem:s7+$0xFFFFFFF0] =	vst v28;
	v28 =	vor.u32 v7, v18  }
0x70: {  	v41 =	vor.u32 v7, v17;
	[tilespmem:s7+$0xFFFFFDE0] =	vst v26;
	v24 =	vld.idx.msk [tilespmem:v24+s23+$0x0], $0xffff  }
0x71: {  	v42 =	vor.u32 v7, v16;
	v25 =	vld.idx.msk [tilespmem:v25+s23+$0x0], $0xffff;
	[tilespmem:s7+$0xFFFFFE60] =	vst v27  }
0x72: {  	v26 =	vor.u32 v9, v20;
	[tilespmem:s7+$0xFFFFFEE0] =	vst v36;
	v29 =	vld.idx.msk [tilespmem:v29+s23+$0x0], $0xffff  }
0x73: {  	v27 =	vor.u32 v8, v23;
	v34 =	vld.idx.msk [tilespmem:v40+s23+$0x0], $0xffff;
	[tilespmem:s7+$0xFFFFFF60] =	vst v30  }
0x74: {  	v43 =	vor.u32 v8, v22;
	[tilespmem:s7+$0xFFFFFC60] =	vst v33;
	v28 =	vld.idx.msk [tilespmem:v28+s23+$0x0], $0xffff  }
0x75: {  	v30 =	vor.u32 v8, v21;
	[tilespmem:s7+$0xFFFFFCF0] =	vst v31;
	v32 =	vld.idx.msk [tilespmem:v41+s23+$0x0], $0xffff  }
0x76: {  	v33 =	vld.idx.msk [tilespmem:v42+s23+$0x0], $0xffff;
	[tilespmem:s7+$0x380] =	vst v24;
	v24 =	vor.u32 v8, v19  }
0x77: {  	v31 =	vor.u32 v8, v18;
	[tilespmem:s7+$0xFFFFFD70] =	vst v25;
	v26 =	vld.idx.msk [tilespmem:v26+s23+$0x0], $0xffff  }
0x78: {  	v45 =	vor.u32 v8, v16;
	v27 =	vld.idx.msk [tilespmem:v27+s23+$0x0], $0xffff;
	[tilespmem:s7+$0xFFFFFDF0] =	vst v29  }
0x79: {  	v25 =	vor.u32 v10, v20;
	v44 =	vld.idx.msk [tilespmem:v43+s23+$0x0], $0xffff;
	[tilespmem:s7+$0xFFFFFE70] =	vst v34  }
0x7a: {  	v29 =	vor.u32 v8, v17;
	v30 =	vld.idx.msk [tilespmem:v30+s23+$0x0], $0xffff;
	[tilespmem:s7+$0xFFFFFEF0] =	vst v28  }
0x7b: {  	v46 =	vor.u32 v9, v23;
	[tilespmem:s7+$0xFFFFFF70] =	vst v32;
	v24 =	vld.idx.msk [tilespmem:v24+s23+$0x0], $0xffff  }
0x7c: {  	v28 =	vor.u32 v9, v22;
	[tilespmem:s7+$0xFFFFFC70] =	vst v33;
	v31 =	vld.idx.msk [tilespmem:v31+s23+$0x0], $0xffff  }
0x7d: {  	v33 =	vld.idx.msk [tilespmem:v45+s23+$0x0], $0xffff;
	[tilespmem:s7+$0x390] =	vst v26;
	v26 =	vor.u32 v9, v21  }
0x7e: {  	v47 =	vor.u32 v9, v19;
	[tilespmem:s7+$0x80] =	vst v27;
	v25 =	vld.idx.msk [tilespmem:v25+s23+$0x0], $0xffff  }
0x7f: {  	v48 =	vor.u32 v9, v18;
	[tilespmem:s7+$0x100] =	vst v44;
	v29 =	vld.idx.msk [tilespmem:v29+s23+$0x0], $0xffff  }
0x80: {  	v49 =	vor.u32 v9, v16;
	v34 =	vld.idx.msk [tilespmem:v46+s23+$0x0], $0xffff;
	[tilespmem:s7+$0x180] =	vst v30  }
0x81: {  	v27 =	vor.u32 v11, v20;
	v28 =	vld.idx.msk [tilespmem:v28+s23+$0x0], $0xffff;
	[tilespmem:s7+$0x200] =	vst v24  }
0x82: {  	v30 =	vor.u32 v9, v17;
	[tilespmem:s7+$0x280] =	vst v31;
	v26 =	vld.idx.msk [tilespmem:v26+s23+$0x0], $0xffff  }
0x83: {  	v24 =	vor.u32 v10, v23;
	[tilespmem:s7+$0x0] =	vst v33;
	v32 =	vld.idx.msk [tilespmem:v47+s23+$0x0], $0xffff  }
0x84: {  	v35 =	vld.idx.msk [tilespmem:v48+s23+$0x0], $0xffff;
	[tilespmem:s7+$0x3A0] =	vst v25;
	v25 =	vor.u32 v10, v22  }
0x85: {  	v31 =	vor.u32 v10, v21;
	v33 =	vld.idx.msk [tilespmem:v49+s23+$0x0], $0xffff;
	[tilespmem:s7+$0x300] =	vst v29  }
0x86: {  	v50 =	vor.u32 v10, v19;
	[tilespmem:s7+$0x90] =	vst v34;
	v27 =	vld.idx.msk [tilespmem:v27+s23+$0x0], $0xffff  }
0x87: {  	v51 =	vor.u32 v10, v16;
	v29 =	vld.idx.msk [tilespmem:v30+s23+$0x0], $0xffff;
	[tilespmem:s7+$0x110] =	vst v28  }
0x88: {  	v30 =	vor.u32 v12, v20;
	v24 =	vld.idx.msk [tilespmem:v24+s23+$0x0], $0xffff;
	[tilespmem:s7+$0x190] =	vst v26  }
0x89: {  	v28 =	vor.u32 v10, v18;
	[tilespmem:s7+$0x210] =	vst v32;
	v25 =	vld.idx.msk [tilespmem:v25+s23+$0x0], $0xffff  }
0x8a: {  	v26 =	vor.u32 v10, v17;
	[tilespmem:s7+$0x10] =	vst v33;
	v31 =	vld.idx.msk [tilespmem:v31+s23+$0x0], $0xffff  }
0x8b: {  	v34 =	vld.idx.msk [tilespmem:v50+s23+$0x0], $0xffff;
	[tilespmem:s7+$0x3B0] =	vst v27;
	v27 =	vor.u32 v11, v23  }
0x8c: {  	v52 =	vor.u32 v11, v22;
	v54 =	vld.idx.msk [tilespmem:v51+s23+$0x0], $0xffff  }
0x8d: {  	v53 =	vor.u32 v11, v21;
	[tilespmem:s7+$0x290] =	vst v35;
	v30 =	vld.idx.msk [tilespmem:v30+s23+$0x0], $0xffff  }
0x8e: {  	[tilespmem:s7+$0x310] =	vst v29;
	v29 =	vor.u32 v13, v20;
	v28 =	vld.idx.msk [tilespmem:v28+s23+$0x0], $0xffff  }
0x8f: {  	[tilespmem:s7+$0xA0] =	vst v24;
	v24 =	vor.u32 v11, v19;
	v26 =	vld.idx.msk [tilespmem:v26+s23+$0x0], $0xffff  }
0x90: {  	[tilespmem:s7+$0x120] =	vst v25;
	v25 =	vor.u32 v11, v18;
	v27 =	vld.idx.msk [tilespmem:v27+s23+$0x0], $0xffff  }
0x91: {  	v55 =	vor.u32 v11, v17;
	[tilespmem:s7+$0x1A0] =	vst v31;
	v32 =	vld.idx.msk [tilespmem:v52+s23+$0x0], $0xffff  }
0x92: {  	v33 =	vld.idx.msk [tilespmem:v53+s23+$0x0], $0xffff;
	[tilespmem:s7+$0x3C0] =	vst v30;
	v30 =	vor.u32 v11, v16  }
0x93: {  	v31 =	vor.u32 v12, v23;
	[tilespmem:s7+$0x220] =	vst v34;
	v29 =	vld.idx.msk [tilespmem:v29+s23+$0x0], $0xffff  }
0x94: {  	v56 =	vor.u32 v12, v22;
	[tilespmem:s7+$0x2A0] =	vst v28;
	v24 =	vld.idx.msk [tilespmem:v24+s23+$0x0], $0xffff  }
0x95: {  	v28 =	vor.u32 v14, v20;
	[tilespmem:s7+$0x320] =	vst v26;
	v25 =	vld.idx.msk [tilespmem:v25+s23+$0x0], $0xffff  }
0x96: {  	[tilespmem:s7+$0x20] =	vst v54;
	v26 =	vor.u32 v12, v21;
	v57 =	vld.idx.msk [tilespmem:v55+s23+$0x0], $0xffff  }
0x97: {  	[tilespmem:s7+$0xB0] =	vst v27;
	v27 =	vor.u32 v12, v19;
	v30 =	vld.idx.msk [tilespmem:v30+s23+$0x0], $0xffff  }
0x98: {  	v58 =	vor.u32 v12, v18;
	[tilespmem:s7+$0x130] =	vst v32;
	v31 =	vld.idx.msk [tilespmem:v31+s23+$0x0], $0xffff  }
0x99: {  	v34 =	vld.idx.msk [tilespmem:v56+s23+$0x0], $0xffff;
	[tilespmem:s7+$0x3D0] =	vst v29;
	v29 =	vor.u32 v12, v17  }
0x9a: {  	v59 =	vor.u32 v12, v16;
	[tilespmem:s7+$0x1B0] =	vst v33;
	v28 =	vld.idx.msk [tilespmem:v28+s23+$0x0], $0xffff  }
0x9b: {  	s29 =	simm.s32 $0x8;
	v60 =	vor.u32 v13, v23;
	[tilespmem:s7+$0x230] =	vst v24;
	v26 =	vld.idx.msk [tilespmem:v26+s23+$0x0], $0xffff  }
0x9c: {  	v24 =	vor.u32 v15, v20;
	v20 =	vmov s29;
	[tilespmem:s7+$0x2B0] =	vst v25;
	v27 =	vld.idx.msk [tilespmem:v27+s23+$0x0], $0xffff  }
0x9d: {  	v20 =	vand.u32 $0x78, v20;
	v25 =	vor.u32 v13, v22;
	[tilespmem:s7+$0x330] =	vst v57;
	v36 =	vld.idx.msk [tilespmem:v58+s23+$0x0], $0xffff  }
0x9e: {  	v20 =	vbroadcast v20, $0x0;
	[tilespmem:s7+$0x30] =	vst v30;
	v30 =	vor.u32 v13, v21;
	v29 =	vld.idx.msk [tilespmem:v29+s23+$0x0], $0xffff  }
0x9f: {  	v61 =	vor.u32 v13, v19;
	[tilespmem:s7+$0xC0] =	vst v31;
	v32 =	vld.idx.msk [tilespmem:v59+s23+$0x0], $0xffff  }
0xa0: {  	v62 =	vor.u32 v0, v20;
	v33 =	vld.idx.msk [tilespmem:v60+s23+$0x0], $0xffff;
	[tilespmem:s7+$0x3E0] =	vst v28  }
0xa1: {  	[tilespmem:s7+$0x140] =	vst v34;
	v28 =	vor.u32 v13, v18;
	v24 =	vld.idx.msk [tilespmem:v24+s23+$0x0], $0xffff  }
0xa2: {  	v31 =	vor.u32 v13, v17;
	[tilespmem:s7+$0x1C0] =	vst v26;
	v37 =	vld.idx.msk [tilespmem:v25+s23+$0x0], $0xffff  }
0xa3: {  	v26 =	vor.u32 v13, v16;
	[tilespmem:s7+$0x240] =	vst v27;
	v30 =	vld.idx.msk [tilespmem:v30+s23+$0x0], $0xffff  }
0xa4: {  	v27 =	vor.u32 v14, v23;
	[tilespmem:s7+$0x2C0] =	vst v36;
	v38 =	vld.idx.msk [tilespmem:v61+s23+$0x0], $0xffff  }
0xa5: {  	v63 =	vor.u32 v14, v22;
	v25 =	vld.idx.msk [tilespmem:v62+s23+$0x0], $0xffff;
	[tilespmem:s7+$0x340] =	vst v29  }
0xa6: {  	[tilespmem:s7+$0x40] =	vst v32;
	v39 =	vld.idx.msk [tilespmem:v28+s23+$0x0], $0xffff;
	v28 =	vor.u32 v14, v21  }
0xa7: {  	v29 =	vor.u32 v14, v19;
	[tilespmem:s7+$0xD0] =	vst v33;
	v40 =	vld.idx.msk [tilespmem:v31+s23+$0x0], $0xffff  }
0xa8: {  	v41 =	vor.u32 v14, v18;
	v31 =	vld.idx.msk [tilespmem:v26+s23+$0x0], $0xffff;
	[tilespmem:s7+$0x3F0] =	vst v24  }
0xa9: {  	v36 =	vor.u32 v14, v17;
	[tilespmem:s7+$0x150] =	vst v37;
	v24 =	vld.idx.msk [tilespmem:v27+s23+$0x0], $0xffff  }
0xaa: {  	v35 =	vor.u32 v14, v16;
	v27 =	vld.idx.msk [tilespmem:v63+s23+$0x0], $0xffff;
	[tilespmem:s7+$0x1D0] =	vst v30  }
0xab: {  	s8 =	simm.s32 $0x9;
	s24 =	simm.s32 $0xA;
	v32 =	vor.u32 v15, v23;
	[tilespmem:s7+$0x250] =	vst v38;
	v26 =	vld.idx.msk [tilespmem:v28+s23+$0x0], $0xffff  }
0xac: {  	v22 =	vor.u32 v15, v22;
	v23 =	vmov s8;
	v33 =	vmov s24;
	s8 =	simm.s32 $0xB;
	s24 =	simm.s32 $0xC;
	v28 =	vld.idx.msk [tilespmem:v29+s23+$0x0], $0xffff;
	[tilespmem:s7+$0x2D0] =	vst v39  }
0xad: {  	s31 =	simm.s32 $0x10;
	s0 =	simm.s32 $0xD;
	s1 =	simm.s32 $0xF;
	v34 =	vmov s8;
	v21 =	vor.u32 v15, v21;
	v29 =	vmov s24;
	[tilespmem:s7+$0x350] =	vst v40;
	v30 =	vld.idx.msk [tilespmem:v41+s23+$0x0], $0xffff  }
.LBB2_3:
0xae: {  	p1 =	slt.u32 s31, $0x38;
	v37 =	vmov s0;
	s0 =	sadd.s32 $0x6, s29;
	v38 =	vmov s1;
	[tilespmem:s7+$0x50] =	vst v31;
	v19 =	vor.u32 v15, v19;
	v31 =	vld.idx.msk [tilespmem:v36+s23+$0x0], $0xffff;
	s29 =	smov.u32 s31  }
0xaf: {  	v18 =	vor.u32 v15, v18;
	v36 =	vmov s0;
	v38 =	vand.u32 $0x7F, v38;
	v35 =	vld.idx.msk [tilespmem:v35+s23+$0x0], $0xffff;
	[tilespmem:s7+$0xE0] =	vst v24  }
0xb0: {  	v23 =	vand.u32 $0x79, v23;
	v17 =	vor.u32 v15, v17;
	v24 =	vbroadcast v38, $0x0;
	v32 =	vld.idx.msk [tilespmem:v32+s23+$0x0], $0xffff;
	[tilespmem:s7+$0x160] =	vst v27  }
0xb1: {  	v23 =	vbroadcast v23, $0x0;
	v27 =	vand.u32 $0x7A, v33;
	v33 =	vor.u32 v15, v16;
	v16 =	vmovc v20;
	v38 =	vld.idx.msk [tilespmem:v22+s23+$0x0], $0xffff;
	[tilespmem:s7+$0x1E0] =	vst v26  }
0xb2: {  	v20 =	vand.u32 $0x7B, v34;
	v22 =	vbroadcast v27, $0x0;
	v26 =	vor.u32 v0, v24;
	v27 =	vld.idx.msk [tilespmem:v21+s23+$0x0], $0xffff;
	[tilespmem:s7+$0x260] =	vst v28  }
0xb3: {  	v28 =	vor.u32 v0, v23;
	v21 =	vbroadcast v20, $0x0;
	v20 =	vand.u32 $0x7C, v29;
	v29 =	vld.idx.msk [tilespmem:v19+s23+$0x0], $0xffff;
	[tilespmem:s7+$0x2E0] =	vst v30  }
0xb4: {  	v30 =	vor.u32 v0, v22;
	v19 =	vbroadcast v20, $0x0;
	v20 =	vand.u32 $0x7D, v37;
	v34 =	vld.idx.msk [tilespmem:v18+s23+$0x0], $0xffff;
	[tilespmem:s7+$0x360] =	vst v31  }
0xb5: {  	v31 =	vor.u32 v0, v21;
	v18 =	vbroadcast v20, $0x0;
	v20 =	vand.u32 $0x7E, v36;
	[tilespmem:s7+$0x60] =	vst v35;
	v35 =	vld.idx.msk [tilespmem:v17+s23+$0x0], $0xffff  }
0xb6: {  	v36 =	vor.u32 v0, v19;
	v17 =	vbroadcast v20, $0x0;
	v20 =	vld.idx.msk [tilespmem:v33+s23+$0x0], $0xffff;
	[tilespmem:s7+$0xF0] =	vst v32  }
0xb7: {  	v32 =	vor.u32 v0, v18;
	v26 =	vld.idx.msk [tilespmem:v26+s23+$0x0], $0xffff;
	[tilespmem:s7+$0x170] =	vst v38  }
0xb8: {  	v33 =	vor.u32 v0, v17;
	v28 =	vld.idx.msk [tilespmem:v28+s23+$0x0], $0xffff;
	[tilespmem:s7+$0x1F0] =	vst v27  }
0xb9: {  	v27 =	vld.idx.msk [tilespmem:v30+s23+$0x0], $0xffff;
	v30 =	vor.u32 v1, v24;
	[tilespmem:s7+$0x270] =	vst v29  }
0xba: {  	v29 =	vor.u32 v1, v23;
	v31 =	vld.idx.msk [tilespmem:v31+s23+$0x0], $0xffff;
	[tilespmem:s7+$0x2F0] =	vst v34  }
0xbb: {  	v34 =	vor.u32 v1, v22;
	v36 =	vld.idx.msk [tilespmem:v36+s23+$0x0], $0xffff;
	[tilespmem:s7+$0x370] =	vst v35  }
0xbc: {  	v35 =	vor.u32 v1, v21;
	v32 =	vld.idx.msk [tilespmem:v32+s23+$0x0], $0xffff;
	[tilespmem:s7+$0x70] =	vst v20;
	s7 =	sadd.s32 $0x800, s7  }
0xbd: {  	v20 =	vor.u32 v1, v19;
	v33 =	vld.idx.msk [tilespmem:v33+s23+$0x0], $0xffff;
	[tilespmem:s7+$0xFFFFFF80] =	vst v26  }
0xbe: {  	v26 =	vor.u32 v1, v18;
	[tilespmem:s7+$0xFFFFFC80] =	vst v28;
	v28 =	vld.idx.msk [tilespmem:v30+s23+$0x0], $0xffff  }
0xbf: {  	v29 =	vld.idx.msk [tilespmem:v29+s23+$0x0], $0xffff;
	[tilespmem:s7+$0xFFFFFD00] =	vst v27;
	v27 =	vor.u32 v1, v17  }
0xc0: {  	v30 =	vld.idx.msk [tilespmem:v34+s23+$0x0], $0xffff;
	[tilespmem:s7+$0xFFFFFD80] =	vst v31;
	v31 =	vor.u32 v2, v24  }
0xc1: {  	v34 =	vor.u32 v1, v16;
	v35 =	vld.idx.msk [tilespmem:v35+s23+$0x0], $0xffff;
	[tilespmem:s7+$0xFFFFFE00] =	vst v36  }
0xc2: {  	v36 =	vor.u32 v2, v23;
	v20 =	vld.idx.msk [tilespmem:v20+s23+$0x0], $0xffff;
	[tilespmem:s7+$0xFFFFFE80] =	vst v32  }
0xc3: {  	v32 =	vor.u32 v2, v22;
	v26 =	vld.idx.msk [tilespmem:v26+s23+$0x0], $0xffff;
	[tilespmem:s7+$0xFFFFFF00] =	vst v33  }
0xc4: {  	v33 =	vor.u32 v2, v21;
	v27 =	vld.idx.msk [tilespmem:v27+s23+$0x0], $0xffff;
	[tilespmem:s7+$0xFFFFFF90] =	vst v28  }
0xc5: {  	[tilespmem:s7+$0xFFFFFC00] =	vst v25;
	v25 =	vor.u32 v2, v19;
	v28 =	vld.idx.msk [tilespmem:v31+s23+$0x0], $0xffff  }
0xc6: {  	v31 =	vld.idx.msk [tilespmem:v34+s23+$0x0], $0xffff;
	[tilespmem:s7+$0xFFFFFC90] =	vst v29;
	v29 =	vor.u32 v2, v18  }
0xc7: {  	v34 =	vld.idx.msk [tilespmem:v36+s23+$0x0], $0xffff;
	[tilespmem:s7+$0xFFFFFD10] =	vst v30;
	v30 =	vor.u32 v3, v24  }
0xc8: {  	v32 =	vld.idx.msk [tilespmem:v32+s23+$0x0], $0xffff;
	[tilespmem:s7+$0xFFFFFD90] =	vst v35;
	v35 =	vor.u32 v2, v17  }
0xc9: {  	v36 =	vor.u32 v2, v16;
	v33 =	vld.idx.msk [tilespmem:v33+s23+$0x0], $0xffff;
	[tilespmem:s7+$0xFFFFFE10] =	vst v20  }
0xca: {  	v20 =	vor.u32 v3, v23;
	v25 =	vld.idx.msk [tilespmem:v25+s23+$0x0], $0xffff;
	[tilespmem:s7+$0xFFFFFE90] =	vst v26  }
0xcb: {  	v26 =	vor.u32 v3, v22;
	v29 =	vld.idx.msk [tilespmem:v29+s23+$0x0], $0xffff;
	[tilespmem:s7+$0xFFFFFFA0] =	vst v28  }
0xcc: {  	v28 =	vor.u32 v3, v21;
	[tilespmem:s7+$0xFFFFFF10] =	vst v27;
	v27 =	vld.idx.msk [tilespmem:v30+s23+$0x0], $0xffff  }
0xcd: {  	v30 =	vor.u32 v3, v19;
	[tilespmem:s7+$0xFFFFFC10] =	vst v31;
	v31 =	vld.idx.msk [tilespmem:v35+s23+$0x0], $0xffff  }
0xce: {  	v35 =	vld.idx.msk [tilespmem:v36+s23+$0x0], $0xffff;
	[tilespmem:s7+$0xFFFFFCA0] =	vst v34;
	v34 =	vor.u32 v4, v24  }
0xcf: {  	v20 =	vld.idx.msk [tilespmem:v20+s23+$0x0], $0xffff;
	[tilespmem:s7+$0xFFFFFD20] =	vst v32;
	v32 =	vor.u32 v3, v18  }
0xd0: {  	v26 =	vld.idx.msk [tilespmem:v26+s23+$0x0], $0xffff;
	[tilespmem:s7+$0xFFFFFDA0] =	vst v33;
	v33 =	vor.u32 v3, v17  }
0xd1: {  	v36 =	vor.u32 v3, v16;
	v28 =	vld.idx.msk [tilespmem:v28+s23+$0x0], $0xffff;
	[tilespmem:s7+$0xFFFFFE20] =	vst v25  }
0xd2: {  	v25 =	vor.u32 v4, v23;
	v30 =	vld.idx.msk [tilespmem:v30+s23+$0x0], $0xffff;
	[tilespmem:s7+$0xFFFFFFB0] =	vst v27  }
0xd3: {  	v27 =	vor.u32 v4, v22;
	[tilespmem:s7+$0xFFFFFEA0] =	vst v29;
	v29 =	vld.idx.msk [tilespmem:v34+s23+$0x0], $0xffff  }
0xd4: {  	v34 =	vor.u32 v4, v21;
	v32 =	vld.idx.msk [tilespmem:v32+s23+$0x0], $0xffff;
	[tilespmem:s7+$0xFFFFFF20] =	vst v31  }
0xd5: {  	[tilespmem:s7+$0xFFFFFC20] =	vst v35;
	v31 =	vld.idx.msk [tilespmem:v33+s23+$0x0], $0xffff;
	v33 =	vor.u32 v5, v24  }
0xd6: {  	v35 =	vld.idx.msk [tilespmem:v36+s23+$0x0], $0xffff;
	[tilespmem:s7+$0xFFFFFCB0] =	vst v20;
	v20 =	vor.u32 v4, v19  }
0xd7: {  	v25 =	vld.idx.msk [tilespmem:v25+s23+$0x0], $0xffff;
	[tilespmem:s7+$0xFFFFFD30] =	vst v26;
	v26 =	vor.u32 v4, v18  }
0xd8: {  	v27 =	vld.idx.msk [tilespmem:v27+s23+$0x0], $0xffff;
	[tilespmem:s7+$0xFFFFFDB0] =	vst v28;
	v28 =	vor.u32 v4, v17  }
0xd9: {  	v36 =	vor.u32 v4, v16;
	v34 =	vld.idx.msk [tilespmem:v34+s23+$0x0], $0xffff;
	[tilespmem:s7+$0xFFFFFFC0] =	vst v29  }
0xda: {  	v29 =	vor.u32 v5, v23;
	[tilespmem:s7+$0xFFFFFE30] =	vst v30;
	v30 =	vld.idx.msk [tilespmem:v33+s23+$0x0], $0xffff  }
0xdb: {  	v33 =	vor.u32 v5, v22;
	v20 =	vld.idx.msk [tilespmem:v20+s23+$0x0], $0xffff;
	[tilespmem:s7+$0xFFFFFEB0] =	vst v32  }
0xdc: {  	v26 =	vld.idx.msk [tilespmem:v26+s23+$0x0], $0xffff;
	[tilespmem:s7+$0xFFFFFF30] =	vst v31;
	v31 =	vor.u32 v6, v24  }
0xdd: {  	v32 =	vor.u32 v5, v21;
	[tilespmem:s7+$0xFFFFFC30] =	vst v35;
	v28 =	vld.idx.msk [tilespmem:v28+s23+$0x0], $0xffff  }
0xde: {  	v35 =	vld.idx.msk [tilespmem:v36+s23+$0x0], $0xffff;
	[tilespmem:s7+$0xFFFFFCC0] =	vst v25;
	v25 =	vor.u32 v5, v19  }
0xdf: {  	v29 =	vld.idx.msk [tilespmem:v29+s23+$0x0], $0xffff;
	[tilespmem:s7+$0xFFFFFD40] =	vst v27;
	v27 =	vor.u32 v5, v18  }
0xe0: {  	v36 =	vor.u32 v5, v17;
	v33 =	vld.idx.msk [tilespmem:v33+s23+$0x0], $0xffff;
	[tilespmem:s7+$0xFFFFFFD0] =	vst v30  }
0xe1: {  	v30 =	vor.u32 v5, v16;
	[tilespmem:s7+$0xFFFFFDC0] =	vst v34;
	v31 =	vld.idx.msk [tilespmem:v31+s23+$0x0], $0xffff  }
0xe2: {  	v34 =	vor.u32 v6, v23;
	v32 =	vld.idx.msk [tilespmem:v32+s23+$0x0], $0xffff;
	[tilespmem:s7+$0xFFFFFE40] =	vst v20  }
0xe3: {  	v20 =	vld.idx.msk [tilespmem:v25+s23+$0x0], $0xffff;
	[tilespmem:s7+$0xFFFFFEC0] =	vst v26;
	v25 =	vor.u32 v7, v24  }
0xe4: {  	v26 =	vor.u32 v6, v22;
	v27 =	vld.idx.msk [tilespmem:v27+s23+$0x0], $0xffff;
	[tilespmem:s7+$0xFFFFFF40] =	vst v28  }
0xe5: {  	v28 =	vor.u32 v6, v21;
	[tilespmem:s7+$0xFFFFFC40] =	vst v35;
	v35 =	vld.idx.msk [tilespmem:v36+s23+$0x0], $0xffff  }
0xe6: {  	v30 =	vld.idx.msk [tilespmem:v30+s23+$0x0], $0xffff;
	[tilespmem:s7+$0xFFFFFCD0] =	vst v29;
	v29 =	vor.u32 v6, v19  }
0xe7: {  	v36 =	vor.u32 v6, v18;
	v34 =	vld.idx.msk [tilespmem:v34+s23+$0x0], $0xffff;
	[tilespmem:s7+$0xFFFFFFE0] =	vst v31  }
0xe8: {  	v31 =	vor.u32 v6, v17;
	[tilespmem:s7+$0xFFFFFD50] =	vst v33;
	v25 =	vld.idx.msk [tilespmem:v25+s23+$0x0], $0xffff  }
0xe9: {  	v33 =	vor.u32 v6, v16;
	v26 =	vld.idx.msk [tilespmem:v26+s23+$0x0], $0xffff;
	[tilespmem:s7+$0xFFFFFDD0] =	vst v32  }
0xea: {  	v28 =	vld.idx.msk [tilespmem:v28+s23+$0x0], $0xffff;
	[tilespmem:s7+$0xFFFFFE50] =	vst v20;
	v20 =	vor.u32 v8, v24  }
0xeb: {  	v32 =	vor.u32 v7, v23;
	v29 =	vld.idx.msk [tilespmem:v29+s23+$0x0], $0xffff;
	[tilespmem:s7+$0xFFFFFED0] =	vst v27  }
0xec: {  	v27 =	vor.u32 v7, v22;
	v36 =	vld.idx.msk [tilespmem:v36+s23+$0x0], $0xffff;
	[tilespmem:s7+$0xFFFFFF50] =	vst v35  }
0xed: {  	[tilespmem:s7+$0xFFFFFC50] =	vst v30;
	v30 =	vor.u32 v7, v21;
	v31 =	vld.idx.msk [tilespmem:v31+s23+$0x0], $0xffff  }
0xee: {  	v35 =	vor.u32 v7, v19;
	v33 =	vld.idx.msk [tilespmem:v33+s23+$0x0], $0xffff;
	[tilespmem:s7+$0xFFFFFFF0] =	vst v25  }
0xef: {  	v25 =	vor.u32 v7, v18;
	[tilespmem:s7+$0xFFFFFCE0] =	vst v34;
	v20 =	vld.idx.msk [tilespmem:v20+s23+$0x0], $0xffff  }
0xf0: {  	v32 =	vld.idx.msk [tilespmem:v32+s23+$0x0], $0xffff;
	[tilespmem:s7+$0xFFFFFD60] =	vst v26;
	v26 =	vor.u32 v7, v17  }
0xf1: {  	v27 =	vld.idx.msk [tilespmem:v27+s23+$0x0], $0xffff;
	[tilespmem:s7+$0xFFFFFDE0] =	vst v28;
	v28 =	vor.u32 v9, v24  }
0xf2: {  	v34 =	vor.u32 v7, v16;
	v30 =	vld.idx.msk [tilespmem:v30+s23+$0x0], $0xffff;
	[tilespmem:s7+$0xFFFFFE60] =	vst v29  }
0xf3: {  	v29 =	vor.u32 v8, v23;
	v35 =	vld.idx.msk [tilespmem:v35+s23+$0x0], $0xffff;
	[tilespmem:s7+$0xFFFFFEE0] =	vst v36  }
0xf4: {  	v36 =	vor.u32 v8, v22;
	v25 =	vld.idx.msk [tilespmem:v25+s23+$0x0], $0xffff;
	[tilespmem:s7+$0xFFFFFF60] =	vst v31  }
0xf5: {  	v31 =	vor.u32 v8, v21;
	v26 =	vld.idx.msk [tilespmem:v26+s23+$0x0], $0xffff;
	[tilespmem:s7+$0x380] =	vst v20  }
0xf6: {  	v20 =	vor.u32 v8, v19;
	[tilespmem:s7+$0xFFFFFC60] =	vst v33;
	v28 =	vld.idx.msk [tilespmem:v28+s23+$0x0], $0xffff  }
0xf7: {  	v33 =	vld.idx.msk [tilespmem:v34+s23+$0x0], $0xffff;
	[tilespmem:s7+$0xFFFFFCF0] =	vst v32;
	v32 =	vor.u32 v8, v18  }
0xf8: {  	v29 =	vld.idx.msk [tilespmem:v29+s23+$0x0], $0xffff;
	[tilespmem:s7+$0xFFFFFD70] =	vst v27;
	v27 =	vor.u32 v10, v24  }
0xf9: {  	v34 =	vld.idx.msk [tilespmem:v36+s23+$0x0], $0xffff;
	[tilespmem:s7+$0xFFFFFDF0] =	vst v30;
	v30 =	vor.u32 v8, v17  }
0xfa: {  	v36 =	vor.u32 v8, v16;
	v31 =	vld.idx.msk [tilespmem:v31+s23+$0x0], $0xffff;
	[tilespmem:s7+$0xFFFFFE70] =	vst v35  }
0xfb: {  	v35 =	vor.u32 v9, v23;
	v20 =	vld.idx.msk [tilespmem:v20+s23+$0x0], $0xffff;
	[tilespmem:s7+$0xFFFFFEF0] =	vst v25  }
0xfc: {  	v25 =	vor.u32 v9, v22;
	v32 =	vld.idx.msk [tilespmem:v32+s23+$0x0], $0xffff;
	[tilespmem:s7+$0x390] =	vst v28  }
0xfd: {  	v28 =	vor.u32 v9, v21;
	[tilespmem:s7+$0xFFFFFF70] =	vst v26;
	v26 =	vld.idx.msk [tilespmem:v27+s23+$0x0], $0xffff  }
0xfe: {  	v27 =	vor.u32 v9, v19;
	[tilespmem:s7+$0xFFFFFC70] =	vst v33;
	v30 =	vld.idx.msk [tilespmem:v30+s23+$0x0], $0xffff  }
0xff: {  	v33 =	vld.idx.msk [tilespmem:v36+s23+$0x0], $0xffff;
	[tilespmem:s7+$0x80] =	vst v29;
	v29 =	vor.u32 v11, v24  }
0x100: {  	v35 =	vld.idx.msk [tilespmem:v35+s23+$0x0], $0xffff;
	[tilespmem:s7+$0x100] =	vst v34;
	v34 =	vor.u32 v9, v18  }
0x101: {  	v25 =	vld.idx.msk [tilespmem:v25+s23+$0x0], $0xffff;
	[tilespmem:s7+$0x180] =	vst v31;
	v31 =	vor.u32 v9, v17  }
0x102: {  	v36 =	vor.u32 v9, v16;
	v28 =	vld.idx.msk [tilespmem:v28+s23+$0x0], $0xffff;
	[tilespmem:s7+$0x200] =	vst v20  }
0x103: {  	v20 =	vor.u32 v10, v23;
	v27 =	vld.idx.msk [tilespmem:v27+s23+$0x0], $0xffff;
	[tilespmem:s7+$0x3A0] =	vst v26  }
0x104: {  	v26 =	vor.u32 v10, v22;
	[tilespmem:s7+$0x280] =	vst v32;
	v29 =	vld.idx.msk [tilespmem:v29+s23+$0x0], $0xffff  }
0x105: {  	v32 =	vor.u32 v10, v21;
	v34 =	vld.idx.msk [tilespmem:v34+s23+$0x0], $0xffff;
	[tilespmem:s7+$0x300] =	vst v30  }
0x106: {  	[tilespmem:s7+$0x0] =	vst v33;
	v30 =	vld.idx.msk [tilespmem:v31+s23+$0x0], $0xffff;
	v31 =	vor.u32 v12, v24  }
0x107: {  	v33 =	vld.idx.msk [tilespmem:v36+s23+$0x0], $0xffff;
	[tilespmem:s7+$0x90] =	vst v35;
	v35 =	vor.u32 v10, v19  }
0x108: {  	v20 =	vld.idx.msk [tilespmem:v20+s23+$0x0], $0xffff;
	[tilespmem:s7+$0x110] =	vst v25;
	v25 =	vor.u32 v10, v18  }
0x109: {  	v26 =	vld.idx.msk [tilespmem:v26+s23+$0x0], $0xffff;
	[tilespmem:s7+$0x190] =	vst v28;
	v28 =	vor.u32 v10, v17  }
0x10a: {  	v36 =	vor.u32 v10, v16;
	v32 =	vld.idx.msk [tilespmem:v32+s23+$0x0], $0xffff;
	[tilespmem:s7+$0x3B0] =	vst v29  }
0x10b: {  	v29 =	vor.u32 v11, v23;
	[tilespmem:s7+$0x210] =	vst v27;
	v27 =	vld.idx.msk [tilespmem:v31+s23+$0x0], $0xffff  }
0x10c: {  	v31 =	vor.u32 v11, v22;
	v35 =	vld.idx.msk [tilespmem:v35+s23+$0x0], $0xffff;
	[tilespmem:s7+$0x290] =	vst v34  }
0x10d: {  	v25 =	vld.idx.msk [tilespmem:v25+s23+$0x0], $0xffff;
	[tilespmem:s7+$0x310] =	vst v30;
	v30 =	vor.u32 v13, v24  }
0x10e: {  	[tilespmem:s7+$0x10] =	vst v33;
	v33 =	vor.u32 v11, v21;
	v28 =	vld.idx.msk [tilespmem:v28+s23+$0x0], $0xffff  }
0x10f: {  	v34 =	vld.idx.msk [tilespmem:v36+s23+$0x0], $0xffff;
	[tilespmem:s7+$0xA0] =	vst v20;
	v20 =	vor.u32 v11, v19  }
0x110: {  	v29 =	vld.idx.msk [tilespmem:v29+s23+$0x0], $0xffff;
	[tilespmem:s7+$0x120] =	vst v26;
	v26 =	vor.u32 v11, v18  }
0x111: {  	v36 =	vor.u32 v11, v17;
	v31 =	vld.idx.msk [tilespmem:v31+s23+$0x0], $0xffff;
	[tilespmem:s7+$0x3C0] =	vst v27  }
0x112: {  	v27 =	vor.u32 v11, v16;
	[tilespmem:s7+$0x1A0] =	vst v32;
	v30 =	vld.idx.msk [tilespmem:v30+s23+$0x0], $0xffff  }
0x113: {  	v32 =	vor.u32 v12, v23;
	v33 =	vld.idx.msk [tilespmem:v33+s23+$0x0], $0xffff;
	[tilespmem:s7+$0x220] =	vst v35  }
0x114: {  	v20 =	vld.idx.msk [tilespmem:v20+s23+$0x0], $0xffff;
	[tilespmem:s7+$0x2A0] =	vst v25;
	v25 =	vor.u32 v14, v24  }
0x115: {  	v35 =	vor.u32 v12, v22;
	v26 =	vld.idx.msk [tilespmem:v26+s23+$0x0], $0xffff;
	[tilespmem:s7+$0x320] =	vst v28  }
0x116: {  	v28 =	vor.u32 v12, v21;
	[tilespmem:s7+$0x20] =	vst v34;
	v34 =	vld.idx.msk [tilespmem:v36+s23+$0x0], $0xffff  }
0x117: {  	v27 =	vld.idx.msk [tilespmem:v27+s23+$0x0], $0xffff;
	[tilespmem:s7+$0xB0] =	vst v29;
	v29 =	vor.u32 v12, v19  }
0x118: {  	v36 =	vor.u32 v12, v18;
	v32 =	vld.idx.msk [tilespmem:v32+s23+$0x0], $0xffff;
	[tilespmem:s7+$0x3D0] =	vst v30  }
0x119: {  	v30 =	vor.u32 v12, v17;
	[tilespmem:s7+$0x130] =	vst v31;
	v25 =	vld.idx.msk [tilespmem:v25+s23+$0x0], $0xffff  }
0x11a: {  	v31 =	vor.u32 v12, v16;
	v35 =	vld.idx.msk [tilespmem:v35+s23+$0x0], $0xffff;
	[tilespmem:s7+$0x1B0] =	vst v33  }
0x11b: {  	v24 =	vor.u32 v15, v24;
	v28 =	vld.idx.msk [tilespmem:v28+s23+$0x0], $0xffff;
	[tilespmem:s7+$0x230] =	vst v20  }
0x11c: {  	v33 =	vor.u32 v13, v23;
	v29 =	vld.idx.msk [tilespmem:v29+s23+$0x0], $0xffff;
	[tilespmem:s7+$0x2B0] =	vst v26  }
0x11d: {  	v26 =	vor.u32 v13, v22;
	v36 =	vld.idx.msk [tilespmem:v36+s23+$0x0], $0xffff;
	[tilespmem:s7+$0x330] =	vst v34  }
0x11e: {  	v20 =	vmov s31;
	[tilespmem:s7+$0x30] =	vst v27;
	v27 =	vor.u32 v13, v21;
	v30 =	vld.idx.msk [tilespmem:v30+s23+$0x0], $0xffff  }
0x11f: {  	v20 =	vand.u32 $0x78, v20;
	v34 =	vor.u32 v13, v19;
	v31 =	vld.idx.msk [tilespmem:v31+s23+$0x0], $0xffff;
	[tilespmem:s7+$0x3E0] =	vst v25  }
0x120: {  	v20 =	vbroadcast v20, $0x0;
	v25 =	vor.u32 v13, v18;
	[tilespmem:s7+$0xC0] =	vst v32;
	v24 =	vld.idx.msk [tilespmem:v24+s23+$0x0], $0xffff  }
0x121: {  	v32 =	vld.idx.msk [tilespmem:v33+s23+$0x0], $0xffff;
	[tilespmem:s7+$0x140] =	vst v35;
	v33 =	vor.u32 v13, v17  }
0x122: {  	v35 =	vor.u32 v0, v20;
	v26 =	vld.idx.msk [tilespmem:v26+s23+$0x0], $0xffff;
	[tilespmem:s7+$0x1C0] =	vst v28  }
0x123: {  	v28 =	vor.u32 v13, v16;
	v37 =	vld.idx.msk [tilespmem:v27+s23+$0x0], $0xffff;
	[tilespmem:s7+$0x240] =	vst v29  }
0x124: {  	v27 =	vor.u32 v14, v23;
	v29 =	vld.idx.msk [tilespmem:v34+s23+$0x0], $0xffff;
	[tilespmem:s7+$0x2C0] =	vst v36  }
0x125: {  	v34 =	vor.u32 v14, v22;
	v38 =	vld.idx.msk [tilespmem:v25+s23+$0x0], $0xffff;
	[tilespmem:s7+$0x340] =	vst v30  }
0x126: {  	v30 =	vor.u32 v14, v21;
	v39 =	vld.idx.msk [tilespmem:v33+s23+$0x0], $0xffff;
	[tilespmem:s7+$0x3F0] =	vst v24  }
0x127: {  	v40 =	vor.u32 v14, v19;
	v25 =	vld.idx.msk [tilespmem:v35+s23+$0x0], $0xffff;
	[tilespmem:s7+$0x40] =	vst v31  }
0x128: {  	v41 =	vor.u32 v14, v18;
	v31 =	vld.idx.msk [tilespmem:v28+s23+$0x0], $0xffff;
	[tilespmem:s7+$0xD0] =	vst v32  }
.Ltmp0:
0x129: {  	v36 =	vor.u32 v14, v17;
	v24 =	vld.idx.msk [tilespmem:v27+s23+$0x0], $0xffff;
	[tilespmem:s7+$0x150] =	vst v26;
	(pc) =	sbr.rel @p1 .LBB2_3-.Ltmp0, $4  }
0x12a: {  	v35 =	vor.u32 v14, v16;
	v27 =	vld.idx.msk [tilespmem:v34+s23+$0x0], $0xffff;
	[tilespmem:s7+$0x1D0] =	vst v37  }
0x12b: {  	s1 =	sadd.s32 $0x2, s31;
	s0 =	sadd.s32 $0x1, s31;
	v32 =	vor.u32 v15, v23;
	v26 =	vld.idx.msk [tilespmem:v30+s23+$0x0], $0xffff;
	[tilespmem:s7+$0x250] =	vst v29  }
0x12c: {  	v22 =	vor.u32 v15, v22;
	v33 =	vmov s1;
	s1 =	sadd.s32 $0x4, s31;
	v23 =	vmov s0;
	s0 =	sadd.s32 $0x3, s31;
	v28 =	vld.idx.msk [tilespmem:v40+s23+$0x0], $0xffff;
	[tilespmem:s7+$0x2D0] =	vst v38  }
0x12d: {  	v21 =	vor.u32 v15, v21;
	s31 =	sadd.s32 $0x8, s31;
	v34 =	vmov s0;
	s0 =	sadd.s32 $0x5, s29;
	v29 =	vmov s1;
	s1 =	sadd.s32 $0x7, s29;
	v30 =	vld.idx.msk [tilespmem:v41+s23+$0x0], $0xffff;
	[tilespmem:s7+$0x350] =	vst v39  }
0x12e: {  	_ =	sdelay $0x2  }
0x12f: {  	[tilespmem:s7+$0x50] =	vst v31  }
0x130: {  	v38 =	vmov s1;
	v19 =	vor.u32 v15, v19;
	v31 =	vld.idx.msk [tilespmem:v36+s23+$0x0], $0xffff;
	[tilespmem:s7+$0xE0] =	vst v24;
	v24 =	vor.u32 v15, v18  }
0x131: {  	v18 =	vand.u32 $0x79, v23;
	v43 =	vor.u32 v15, v16;
	v38 =	vand.u32 $0x7F, v38;
	v35 =	vld.idx.msk [tilespmem:v35+s23+$0x0], $0xffff  }
0x132: {  	s8 =	sadd.s32 $0x6, s29;
	v32 =	vld.idx.msk [tilespmem:v32+s23+$0x0], $0xffff;
	[tilespmem:s7+$0x160] =	vst v27;
	v27 =	vor.u32 v15, v17;
	v17 =	vbroadcast v18, $0x0;
	v18 =	vand.u32 $0x7A, v33  }
0x133: {  	v42 =	vmov s8;
	v23 =	vbroadcast v38, $0x0;
	v44 =	vld.idx.msk [tilespmem:v22+s23+$0x0], $0xffff;
	[tilespmem:s7+$0x1E0] =	vst v26;
	v16 =	vbroadcast v18, $0x0  }
0x134: {  	v18 =	vand.u32 $0x7B, v34;
	v22 =	vand.u32 $0x7E, v42;
	v45 =	vld.idx.msk [tilespmem:v21+s23+$0x0], $0xffff;
	[tilespmem:s7+$0x260] =	vst v28;
	v28 =	vor.u32 v0, v17  }
0x135: {  	v18 =	vbroadcast v18, $0x0;
	v21 =	vand.u32 $0x7C, v29;
	v26 =	vor.u32 v0, v23;
	[tilespmem:s7+$0x2E0] =	vst v30;
	v29 =	vld.idx.msk [tilespmem:v19+s23+$0x0], $0xffff  }
0x136: {  	v37 =	vmov s0;
	v22 =	vbroadcast v22, $0x0;
	v30 =	vor.u32 v0, v16;
	v24 =	vld.idx.msk [tilespmem:v24+s23+$0x0], $0xffff;
	[tilespmem:s7+$0x360] =	vst v31  }
0x137: {  	v19 =	vbroadcast v21, $0x0;
	v21 =	vand.u32 $0x7D, v37;
	v31 =	vor.u32 v0, v18;
	[tilespmem:s7+$0x60] =	vst v35;
	v27 =	vld.idx.msk [tilespmem:v27+s23+$0x0], $0xffff  }
0x138: {  	v48 =	vor.u32 v0, v22;
	v21 =	vbroadcast v21, $0x0;
	[tilespmem:s7+$0xF0] =	vst v32;
	v33 =	vld.idx.msk [tilespmem:v43+s23+$0x0], $0xffff  }
0x139: {  	v46 =	vor.u32 v0, v19;
	[tilespmem:s7+$0x170] =	vst v44;
	v28 =	vld.idx.msk [tilespmem:v28+s23+$0x0], $0xffff  }
0x13a: {  	v47 =	vor.u32 v0, v21;
	[tilespmem:s7+$0x1F0] =	vst v45;
	v26 =	vld.idx.msk [tilespmem:v26+s23+$0x0], $0xffff  }
0x13b: {  	v49 =	vor.u32 v1, v23;
	v30 =	vld.idx.msk [tilespmem:v30+s23+$0x0], $0xffff;
	[tilespmem:s7+$0x270] =	vst v29  }
0x13c: {  	v29 =	vor.u32 v1, v17;
	v31 =	vld.idx.msk [tilespmem:v31+s23+$0x0], $0xffff;
	[tilespmem:s7+$0x2F0] =	vst v24  }
0x13d: {  	v50 =	vld.idx.msk [tilespmem:v48+s23+$0x0], $0xffff;
	[tilespmem:s7+$0x370] =	vst v27  }
0x13e: {  	s24 =	sadd.s32 $0x800, s7;
	v51 =	vor.u32 v1, v18;
	v24 =	vld.idx.msk [tilespmem:v46+s23+$0x0], $0xffff;
	[tilespmem:s7+$0x70] =	vst v33  }
0x13f: {  	v52 =	vor.u32 v1, v19;
	v27 =	vld.idx.msk [tilespmem:v47+s23+$0x0], $0xffff;
	[tilespmem:s24+$0xFFFFFF80] =	vst v26  }
0x140: {  	[tilespmem:s24+$0xFFFFFC80] =	vst v28;
	v26 =	vor.u32 v1, v16;
	v28 =	vld.idx.msk [tilespmem:v49+s23+$0x0], $0xffff  }
0x141: {  	v29 =	vld.idx.msk [tilespmem:v29+s23+$0x0], $0xffff;
	[tilespmem:s24+$0xFFFFFD00] =	vst v30;
	v30 =	vor.u32 v1, v21  }
0x142: {  	[tilespmem:s24+$0xFFFFFD80] =	vst v31;
	v31 =	vor.u32 v2, v23  }
0x143: {  	v53 =	vor.u32 v2, v17;
	v33 =	vld.idx.msk [tilespmem:v51+s23+$0x0], $0xffff;
	[tilespmem:s24+$0xFFFFFE00] =	vst v24  }
0x144: {  	[tilespmem:s24+$0xFFFFFC00] =	vst v25;
	v24 =	vor.u32 v1, v22;
	v34 =	vld.idx.msk [tilespmem:v52+s23+$0x0], $0xffff  }
0x145: {  	v25 =	vor.u32 v2, v18;
	[tilespmem:s24+$0xFFFFFE80] =	vst v27;
	v26 =	vld.idx.msk [tilespmem:v26+s23+$0x0], $0xffff  }
0x146: {  	v27 =	vor.u32 v1, v20;
	[tilespmem:s24+$0xFFFFFF90] =	vst v28;
	v30 =	vld.idx.msk [tilespmem:v30+s23+$0x0], $0xffff  }
0x147: {  	[tilespmem:s24+$0xFFFFFC90] =	vst v29;
	v31 =	vld.idx.msk [tilespmem:v31+s23+$0x0], $0xffff  }
0x148: {  	[tilespmem:s24+$0xFFFFFF00] =	vst v50;
	v28 =	vor.u32 v2, v16;
	v32 =	vld.idx.msk [tilespmem:v53+s23+$0x0], $0xffff  }
0x149: {  	v29 =	vor.u32 v2, v19;
	[tilespmem:s24+$0xFFFFFD90] =	vst v33;
	v24 =	vld.idx.msk [tilespmem:v24+s23+$0x0], $0xffff  }
0x14a: {  	v55 =	vor.u32 v2, v22;
	v25 =	vld.idx.msk [tilespmem:v25+s23+$0x0], $0xffff;
	[tilespmem:s24+$0xFFFFFE10] =	vst v34  }
0x14b: {  	[tilespmem:s24+$0xFFFFFD10] =	vst v26;
	v26 =	vld.idx.msk [tilespmem:v27+s23+$0x0], $0xffff;
	v27 =	vor.u32 v3, v23  }
0x14c: {  	v56 =	vor.u32 v3, v18;
	[tilespmem:s24+$0xFFFFFE90] =	vst v30  }
0x14d: {  	v54 =	vor.u32 v2, v21;
	v28 =	vld.idx.msk [tilespmem:v28+s23+$0x0], $0xffff;
	[tilespmem:s24+$0xFFFFFFA0] =	vst v31  }
0x14e: {  	v30 =	vor.u32 v2, v20;
	v29 =	vld.idx.msk [tilespmem:v29+s23+$0x0], $0xffff;
	[tilespmem:s24+$0xFFFFFF10] =	vst v24  }
0x14f: {  	v31 =	vor.u32 v3, v17;
	[tilespmem:s24+$0xFFFFFCA0] =	vst v32;
	v57 =	vld.idx.msk [tilespmem:v55+s23+$0x0], $0xffff  }
0x150: {  	v24 =	vor.u32 v3, v16;
	[tilespmem:s24+$0xFFFFFDA0] =	vst v25;
	v27 =	vld.idx.msk [tilespmem:v27+s23+$0x0], $0xffff  }
0x151: {  	v58 =	vor.u32 v4, v23;
	v33 =	vld.idx.msk [tilespmem:v56+s23+$0x0], $0xffff;
	[tilespmem:s24+$0xFFFFFC10] =	vst v26  }
0x152: {  	v26 =	vld.idx.msk [tilespmem:v54+s23+$0x0], $0xffff;
	[tilespmem:s24+$0xFFFFFD20] =	vst v28;
	v28 =	vor.u32 v3, v19  }
0x153: {  	v30 =	vld.idx.msk [tilespmem:v30+s23+$0x0], $0xffff;
	[tilespmem:s24+$0xFFFFFE20] =	vst v29;
	v29 =	vor.u32 v3, v22  }
0x154: {  	v25 =	vld.idx.msk [tilespmem:v31+s23+$0x0], $0xffff;
	v31 =	vor.u32 v3, v21  }
0x155: {  	v24 =	vld.idx.msk [tilespmem:v24+s23+$0x0], $0xffff;
	[tilespmem:s24+$0xFFFFFFB0] =	vst v27  }
0x156: {  	v59 =	vor.u32 v4, v16;
	[tilespmem:s24+$0xFFFFFF20] =	vst v57;
	v34 =	vld.idx.msk [tilespmem:v58+s23+$0x0], $0xffff  }
0x157: {  	v27 =	vor.u32 v3, v20;
	[tilespmem:s24+$0xFFFFFEA0] =	vst v26;
	v28 =	vld.idx.msk [tilespmem:v28+s23+$0x0], $0xffff  }
0x158: {  	v26 =	vor.u32 v4, v17;
	[tilespmem:s24+$0xFFFFFC20] =	vst v30;
	v29 =	vld.idx.msk [tilespmem:v29+s23+$0x0], $0xffff  }
0x159: {  	v30 =	vld.idx.msk [tilespmem:v31+s23+$0x0], $0xffff;
	v31 =	vor.u32 v5, v23;
	[tilespmem:s24+$0xFFFFFCB0] =	vst v25  }
0x15a: {  	v25 =	vor.u32 v4, v18;
	[tilespmem:s24+$0xFFFFFD30] =	vst v24  }
0x15b: {  	v61 =	vor.u32 v4, v22;
	[tilespmem:s24+$0xFFFFFDB0] =	vst v33;
	v32 =	vld.idx.msk [tilespmem:v59+s23+$0x0], $0xffff  }
0x15c: {  	v60 =	vor.u32 v4, v21;
	v24 =	vld.idx.msk [tilespmem:v27+s23+$0x0], $0xffff;
	[tilespmem:s24+$0xFFFFFFC0] =	vst v34  }
0x15d: {  	v27 =	vor.u32 v4, v19;
	v26 =	vld.idx.msk [tilespmem:v26+s23+$0x0], $0xffff;
	[tilespmem:s24+$0xFFFFFE30] =	vst v28  }
0x15e: {  	v28 =	vor.u32 v4, v20;
	[tilespmem:s24+$0xFFFFFF30] =	vst v29;
	v31 =	vld.idx.msk [tilespmem:v31+s23+$0x0], $0xffff  }
0x15f: {  	[tilespmem:s24+$0xFFFFFEB0] =	vst v30;
	v25 =	vld.idx.msk [tilespmem:v25+s23+$0x0], $0xffff;
	v30 =	vor.u32 v5, v17  }
0x160: {  	v29 =	vor.u32 v6, v23;
	v34 =	vld.idx.msk [tilespmem:v61+s23+$0x0], $0xffff;
	[tilespmem:s24+$0xFFFFFD40] =	vst v32  }
0x161: {  	v33 =	vld.idx.msk [tilespmem:v60+s23+$0x0], $0xffff;
	[tilespmem:s24+$0xFFFFFC30] =	vst v24;
	v24 =	vor.u32 v5, v16  }
0x162: {  	v27 =	vld.idx.msk [tilespmem:v27+s23+$0x0], $0xffff;
	[tilespmem:s24+$0xFFFFFCC0] =	vst v26;
	v26 =	vor.u32 v5, v18  }
0x163: {  	v62 =	vor.u32 v5, v19;
	v28 =	vld.idx.msk [tilespmem:v28+s23+$0x0], $0xffff;
	[tilespmem:s24+$0xFFFFFFD0] =	vst v31  }
0x164: {  	v30 =	vld.idx.msk [tilespmem:v30+s23+$0x0], $0xffff;
	v31 =	vor.u32 v5, v21;
	[tilespmem:s24+$0xFFFFFDC0] =	vst v25  }
0x165: {  	v25 =	vor.u32 v5, v22;
	[tilespmem:s24+$0xFFFFFF40] =	vst v34;
	v29 =	vld.idx.msk [tilespmem:v29+s23+$0x0], $0xffff  }
0x166: {  	v63 =	vor.u32 v7, v23;
	[tilespmem:s24+$0xFFFFFEC0] =	vst v33;
	v24 =	vld.idx.msk [tilespmem:v24+s23+$0x0], $0xffff  }
0x167: {  	[tilespmem:s24+$0xFFFFFE40] =	vst v27;
	v27 =	vor.u32 v5, v20;
	v26 =	vld.idx.msk [tilespmem:v26+s23+$0x0], $0xffff  }
0x168: {  	v36 =	vor.u32 v6, v17;
	v32 =	vld.idx.msk [tilespmem:v62+s23+$0x0], $0xffff;
	[tilespmem:s24+$0xFFFFFC40] =	vst v28  }
0x169: {  	v28 =	vor.u32 v6, v16;
	v31 =	vld.idx.msk [tilespmem:v31+s23+$0x0], $0xffff;
	[tilespmem:s24+$0xFFFFFCD0] =	vst v30  }
0x16a: {  	v30 =	vor.u32 v6, v18;
	v25 =	vld.idx.msk [tilespmem:v25+s23+$0x0], $0xffff;
	[tilespmem:s24+$0xFFFFFFE0] =	vst v29  }
0x16b: {  	v29 =	vor.u32 v6, v19;
	v33 =	vld.idx.msk [tilespmem:v63+s23+$0x0], $0xffff;
	[tilespmem:s24+$0xFFFFFD50] =	vst v24  }
0x16c: {  	v37 =	vor.u32 v6, v22;
	v27 =	vld.idx.msk [tilespmem:v27+s23+$0x0], $0xffff;
	[tilespmem:s24+$0xFFFFFDD0] =	vst v26  }
0x16d: {  	v24 =	vor.u32 v6, v21;
	v26 =	vld.idx.msk [tilespmem:v36+s23+$0x0], $0xffff;
	[tilespmem:s24+$0xFFFFFE50] =	vst v32  }
0x16e: {  	v38 =	vor.u32 v8, v23;
	v28 =	vld.idx.msk [tilespmem:v28+s23+$0x0], $0xffff;
	[tilespmem:s24+$0xFFFFFED0] =	vst v31  }
0x16f: {  	v31 =	vor.u32 v6, v20;
	v30 =	vld.idx.msk [tilespmem:v30+s23+$0x0], $0xffff;
	[tilespmem:s24+$0xFFFFFF50] =	vst v25  }
0x170: {  	v25 =	vor.u32 v7, v17;
	v29 =	vld.idx.msk [tilespmem:v29+s23+$0x0], $0xffff;
	[tilespmem:s24+$0xFFFFFFF0] =	vst v33  }
0x171: {  	v39 =	vor.u32 v7, v18;
	v34 =	vld.idx.msk [tilespmem:v37+s23+$0x0], $0xffff;
	[tilespmem:s24+$0xFFFFFC50] =	vst v27  }
0x172: {  	v27 =	vor.u32 v7, v16;
	v24 =	vld.idx.msk [tilespmem:v24+s23+$0x0], $0xffff;
	[tilespmem:s24+$0xFFFFFCE0] =	vst v26  }
0x173: {  	v26 =	vor.u32 v7, v19;
	v32 =	vld.idx.msk [tilespmem:v38+s23+$0x0], $0xffff;
	[tilespmem:s24+$0xFFFFFD60] =	vst v28  }
0x174: {  	v28 =	vld.idx.msk [tilespmem:v31+s23+$0x0], $0xffff;
	v31 =	vor.u32 v7, v21;
	[tilespmem:s24+$0xFFFFFDE0] =	vst v30  }
0x175: {  	v25 =	vld.idx.msk [tilespmem:v25+s23+$0x0], $0xffff;
	v30 =	vor.u32 v9, v23;
	[tilespmem:s24+$0xFFFFFE60] =	vst v29  }
0x176: {  	v29 =	vor.u32 v7, v22;
	v33 =	vld.idx.msk [tilespmem:v39+s23+$0x0], $0xffff;
	[tilespmem:s24+$0xFFFFFF60] =	vst v34  }
0x177: {  	v40 =	vor.u32 v8, v17;
	v27 =	vld.idx.msk [tilespmem:v27+s23+$0x0], $0xffff;
	[tilespmem:s24+$0xFFFFFEE0] =	vst v24  }
0x178: {  	v24 =	vor.u32 v7, v20;
	v26 =	vld.idx.msk [tilespmem:v26+s23+$0x0], $0xffff;
	[tilespmem:s24+$0x380] =	vst v32  }
0x179: {  	v41 =	vor.u32 v8, v16;
	v31 =	vld.idx.msk [tilespmem:v31+s23+$0x0], $0xffff;
	[tilespmem:s24+$0xFFFFFC60] =	vst v28  }
0x17a: {  	v28 =	vor.u32 v8, v18;
	v30 =	vld.idx.msk [tilespmem:v30+s23+$0x0], $0xffff;
	[tilespmem:s24+$0xFFFFFCF0] =	vst v25  }
0x17b: {  	v25 =	vld.idx.msk [tilespmem:v29+s23+$0x0], $0xffff;
	v29 =	vor.u32 v8, v19;
	[tilespmem:s24+$0xFFFFFDF0] =	vst v33  }
0x17c: {  	v43 =	vor.u32 v8, v22;
	v34 =	vld.idx.msk [tilespmem:v40+s23+$0x0], $0xffff;
	[tilespmem:s24+$0xFFFFFD70] =	vst v27  }
0x17d: {  	v24 =	vld.idx.msk [tilespmem:v24+s23+$0x0], $0xffff;
	v27 =	vor.u32 v10, v23;
	[tilespmem:s24+$0xFFFFFE70] =	vst v26  }
0x17e: {  	v42 =	vor.u32 v8, v21;
	v26 =	vld.idx.msk [tilespmem:v41+s23+$0x0], $0xffff;
	[tilespmem:s24+$0xFFFFFEF0] =	vst v31  }
0x17f: {  	v31 =	vor.u32 v8, v20;
	v28 =	vld.idx.msk [tilespmem:v28+s23+$0x0], $0xffff;
	[tilespmem:s24+$0x390] =	vst v30  }
0x180: {  	v30 =	vor.u32 v9, v17;
	v29 =	vld.idx.msk [tilespmem:v29+s23+$0x0], $0xffff;
	[tilespmem:s24+$0xFFFFFF70] =	vst v25  }
0x181: {  	v25 =	vor.u32 v9, v16;
	[tilespmem:s24+$0x80] =	vst v34;
	v32 =	vld.idx.msk [tilespmem:v43+s23+$0x0], $0xffff  }
0x182: {  	v44 =	vor.u32 v9, v18;
	v27 =	vld.idx.msk [tilespmem:v27+s23+$0x0], $0xffff;
	[tilespmem:s24+$0xFFFFFC70] =	vst v24  }
0x183: {  	v45 =	vor.u32 v11, v23;
	v24 =	vld.idx.msk [tilespmem:v42+s23+$0x0], $0xffff;
	[tilespmem:s24+$0x100] =	vst v26  }
0x184: {  	v26 =	vor.u32 v9, v19;
	v31 =	vld.idx.msk [tilespmem:v31+s23+$0x0], $0xffff;
	[tilespmem:s24+$0x180] =	vst v28  }
0x185: {  	v28 =	vld.idx.msk [tilespmem:v30+s23+$0x0], $0xffff;
	v30 =	vor.u32 v9, v21;
	[tilespmem:s24+$0x200] =	vst v29  }
0x186: {  	v25 =	vld.idx.msk [tilespmem:v25+s23+$0x0], $0xffff;
	v29 =	vor.u32 v9, v22;
	[tilespmem:s24+$0x300] =	vst v32  }
0x187: {  	v46 =	vor.u32 v10, v16;
	v33 =	vld.idx.msk [tilespmem:v44+s23+$0x0], $0xffff;
	[tilespmem:s24+$0x3A0] =	vst v27  }
0x188: {  	v27 =	vor.u32 v9, v20;
	[tilespmem:s24+$0x280] =	vst v24;
	v34 =	vld.idx.msk [tilespmem:v45+s23+$0x0], $0xffff  }
0x189: {  	v24 =	vor.u32 v10, v17;
	v26 =	vld.idx.msk [tilespmem:v26+s23+$0x0], $0xffff;
	[tilespmem:s24+$0x0] =	vst v31  }
0x18a: {  	v30 =	vld.idx.msk [tilespmem:v30+s23+$0x0], $0xffff;
	v31 =	vor.u32 v12, v23;
	[tilespmem:s24+$0x90] =	vst v28  }
0x18b: {  	v28 =	vor.u32 v10, v18;
	v29 =	vld.idx.msk [tilespmem:v29+s23+$0x0], $0xffff;
	[tilespmem:s24+$0x110] =	vst v25  }
0x18c: {  	v47 =	vor.u32 v10, v21;
	[tilespmem:s24+$0x190] =	vst v33;
	v32 =	vld.idx.msk [tilespmem:v46+s23+$0x0], $0xffff  }
0x18d: {  	v48 =	vor.u32 v10, v22;
	v25 =	vld.idx.msk [tilespmem:v27+s23+$0x0], $0xffff;
	[tilespmem:s24+$0x3B0] =	vst v34  }
0x18e: {  	v27 =	vor.u32 v10, v19;
	v24 =	vld.idx.msk [tilespmem:v24+s23+$0x0], $0xffff;
	[tilespmem:s24+$0x210] =	vst v26  }
0x18f: {  	v26 =	vor.u32 v10, v20;
	v31 =	vld.idx.msk [tilespmem:v31+s23+$0x0], $0xffff;
	[tilespmem:s24+$0x290] =	vst v30  }
0x190: {  	v28 =	vld.idx.msk [tilespmem:v28+s23+$0x0], $0xffff;
	v30 =	vor.u32 v11, v17;
	[tilespmem:s24+$0x310] =	vst v29  }
0x191: {  	v29 =	vor.u32 v13, v23;
	v33 =	vld.idx.msk [tilespmem:v47+s23+$0x0], $0xffff;
	[tilespmem:s24+$0x120] =	vst v32  }
0x192: {  	v34 =	vld.idx.msk [tilespmem:v48+s23+$0x0], $0xffff;
	[tilespmem:s24+$0x10] =	vst v25;
	v25 =	vor.u32 v11, v16  }
0x193: {  	v27 =	vld.idx.msk [tilespmem:v27+s23+$0x0], $0xffff;
	[tilespmem:s24+$0xA0] =	vst v24;
	v24 =	vor.u32 v11, v18  }
0x194: {  	v49 =	vor.u32 v11, v19;
	v26 =	vld.idx.msk [tilespmem:v26+s23+$0x0], $0xffff;
	[tilespmem:s24+$0x3C0] =	vst v31  }
0x195: {  	v30 =	vld.idx.msk [tilespmem:v30+s23+$0x0], $0xffff;
	v31 =	vor.u32 v11, v21;
	[tilespmem:s24+$0x1A0] =	vst v28  }
0x196: {  	v28 =	vor.u32 v11, v22;
	v29 =	vld.idx.msk [tilespmem:v29+s23+$0x0], $0xffff;
	[tilespmem:s24+$0x2A0] =	vst v33  }
0x197: {  	v50 =	vor.u32 v14, v23;
	[tilespmem:s24+$0x320] =	vst v34;
	v25 =	vld.idx.msk [tilespmem:v25+s23+$0x0], $0xffff  }
0x198: {  	[tilespmem:s24+$0x220] =	vst v27;
	v27 =	vor.u32 v11, v20;
	v24 =	vld.idx.msk [tilespmem:v24+s23+$0x0], $0xffff  }
0x199: {  	v51 =	vor.u32 v12, v17;
	v32 =	vld.idx.msk [tilespmem:v49+s23+$0x0], $0xffff;
	[tilespmem:s24+$0x20] =	vst v26  }
0x19a: {  	v26 =	vor.u32 v12, v16;
	v31 =	vld.idx.msk [tilespmem:v31+s23+$0x0], $0xffff;
	[tilespmem:s24+$0xB0] =	vst v30  }
0x19b: {  	v30 =	vor.u32 v12, v18;
	v28 =	vld.idx.msk [tilespmem:v28+s23+$0x0], $0xffff;
	[tilespmem:s24+$0x3D0] =	vst v29  }
0x19c: {  	v29 =	vor.u32 v12, v19;
	v33 =	vld.idx.msk [tilespmem:v50+s23+$0x0], $0xffff;
	[tilespmem:s24+$0x130] =	vst v25  }
0x19d: {  	v52 =	vor.u32 v12, v22;
	v27 =	vld.idx.msk [tilespmem:v27+s23+$0x0], $0xffff;
	[tilespmem:s24+$0x1B0] =	vst v24  }
0x19e: {  	v25 =	vor.u32 v12, v21;
	v24 =	vld.idx.msk [tilespmem:v51+s23+$0x0], $0xffff;
	[tilespmem:s24+$0x230] =	vst v32  }
0x19f: {  	v23 =	vor.u32 v15, v23;
	v26 =	vld.idx.msk [tilespmem:v26+s23+$0x0], $0xffff;
	[tilespmem:s24+$0x2B0] =	vst v31  }
0x1a0: {  	v31 =	vor.u32 v12, v20;
	v30 =	vld.idx.msk [tilespmem:v30+s23+$0x0], $0xffff;
	[tilespmem:s24+$0x330] =	vst v28  }
0x1a1: {  	v28 =	vor.u32 v13, v17;
	v29 =	vld.idx.msk [tilespmem:v29+s23+$0x0], $0xffff;
	[tilespmem:s24+$0x3E0] =	vst v33  }
0x1a2: {  	v54 =	vld.idx.msk [tilespmem:v52+s23+$0x0], $0xffff;
	[tilespmem:s24+$0x30] =	vst v27;
	v27 =	vor.u32 v13, v16  }
0x1a3: {  	v53 =	vor.u32 v13, v18;
	v25 =	vld.idx.msk [tilespmem:v25+s23+$0x0], $0xffff;
	[tilespmem:s24+$0xC0] =	vst v24  }
0x1a4: {  	v24 =	vor.u32 v13, v19;
	v23 =	vld.idx.msk [tilespmem:v23+s23+$0x0], $0xffff;
	[tilespmem:s24+$0x140] =	vst v26  }
0x1a5: {  	v26 =	vld.idx.msk [tilespmem:v31+s23+$0x0], $0xffff;
	v31 =	vor.u32 v13, v21;
	[tilespmem:s24+$0x1C0] =	vst v30  }
0x1a6: {  	v28 =	vld.idx.msk [tilespmem:v28+s23+$0x0], $0xffff;
	v30 =	vor.u32 v13, v22;
	[tilespmem:s24+$0x240] =	vst v29  }
0x1a7: {  	v29 =	vor.u32 v13, v20;
	[tilespmem:s24+$0x340] =	vst v54;
	v27 =	vld.idx.msk [tilespmem:v27+s23+$0x0], $0xffff  }
0x1a8: {  	v55 =	vor.u32 v14, v17;
	[tilespmem:s24+$0x2C0] =	vst v25;
	v25 =	vld.idx.msk [tilespmem:v53+s23+$0x0], $0xffff  }
0x1a9: {  	v56 =	vor.u32 v14, v16;
	v24 =	vld.idx.msk [tilespmem:v24+s23+$0x0], $0xffff;
	[tilespmem:s24+$0x3F0] =	vst v23  }
0x1aa: {  	v23 =	vld.idx.msk [tilespmem:v31+s23+$0x0], $0xffff;
	v31 =	vor.u32 v14, v18;
	[tilespmem:s24+$0x40] =	vst v26  }
0x1ab: {  	v26 =	vld.idx.msk [tilespmem:v30+s23+$0x0], $0xffff;
	v30 =	vor.u32 v14, v19;
	[tilespmem:s24+$0xD0] =	vst v28  }
0x1ac: {  	v28 =	vld.idx.msk [tilespmem:v29+s23+$0x0], $0xffff;
	v29 =	vor.u32 v14, v21;
	[tilespmem:s24+$0x150] =	vst v27  }
0x1ad: {  	v57 =	vor.u32 v14, v22;
	v27 =	vld.idx.msk [tilespmem:v55+s23+$0x0], $0xffff;
	[tilespmem:s24+$0x1D0] =	vst v25  }
0x1ae: {  	v25 =	vor.u32 v14, v20;
	[tilespmem:s24+$0x250] =	vst v24;
	v33 =	vld.idx.msk [tilespmem:v56+s23+$0x0], $0xffff  }
0x1af: {  	v17 =	vor.u32 v15, v17;
	v24 =	vld.idx.msk [tilespmem:v31+s23+$0x0], $0xffff;
	[tilespmem:s24+$0x2D0] =	vst v23  }
0x1b0: {  	v16 =	vor.u32 v15, v16;
	v23 =	vld.idx.msk [tilespmem:v30+s23+$0x0], $0xffff;
	[tilespmem:s24+$0x350] =	vst v26  }
0x1b1: {  	v18 =	vor.u32 v15, v18;
	v26 =	vld.idx.msk [tilespmem:v29+s23+$0x0], $0xffff;
	[tilespmem:s24+$0x50] =	vst v28  }
0x1b2: {  	v19 =	vor.u32 v15, v19;
	v28 =	vld.idx.msk [tilespmem:v57+s23+$0x0], $0xffff;
	[tilespmem:s24+$0xE0] =	vst v27  }
0x1b3: {  	v21 =	vor.u32 v15, v21;
	v25 =	vld.idx.msk [tilespmem:v25+s23+$0x0], $0xffff;
	[tilespmem:s24+$0x160] =	vst v33  }
0x1b4: {  	v22 =	vor.u32 v15, v22;
	v17 =	vld.idx.msk [tilespmem:v17+s23+$0x0], $0xffff;
	[tilespmem:s24+$0x1E0] =	vst v24  }
0x1b5: {  	v20 =	vor.u32 v15, v20;
	v16 =	vld.idx.msk [tilespmem:v16+s23+$0x0], $0xffff;
	[tilespmem:s24+$0x260] =	vst v23  }
0x1b6: {  	v18 =	vld.idx.msk [tilespmem:v18+s23+$0x0], $0xffff;
	[tilespmem:s24+$0x2E0] =	vst v26  }
0x1b7: {  	v19 =	vld.idx.msk [tilespmem:v19+s23+$0x0], $0xffff;
	[tilespmem:s24+$0x360] =	vst v28  }
0x1b8: {  	v21 =	vld.idx.msk [tilespmem:v21+s23+$0x0], $0xffff;
	[tilespmem:s24+$0x60] =	vst v25  }
0x1b9: {  	v22 =	vld.idx.msk [tilespmem:v22+s23+$0x0], $0xffff;
	[tilespmem:s24+$0xF0] =	vst v17  }
0x1ba: {  	v17 =	vld.idx.msk [tilespmem:v20+s23+$0x0], $0xffff;
	[tilespmem:s24+$0x170] =	vst v16  }
0x1bb: {  	s1 =	sadd.s32 s3, s20;
	[tilespmem:s24+$0x1F0] =	vst v18  }
0x1bc: {  	s8 =	sshll.u32 s1, $0x8;
	s0 =	sshll.u32 s1, $0xB;
	[tilespmem:s24+$0x270] =	vst v19  }
0x1bd: {  	s1 =	sand.u32 $0x3E00, s8;
	s0 =	sand.u32 $0xFFE0000, s0;
	[tilespmem:s24+$0x2F0] =	vst v21  }
0x1be: {  	s0 =	sor.u32 s1, s0;
	[tilespmem:s24+$0x370] =	vst v22  }
0x1bf: {  	s1 =	sadd.s32 s4, s0;
	[tilespmem:s24+$0x70] =	vst v17;
	s24 =	simm.s32 $0x10200  }
0x1c0: {  	[hbm4b:s1+s5] =	stream.linear.scatter [tilespmem:s24], [sflag:$0x3], $0x800, $0x38;
	[tilespmem:$0x18200] =	vst v63  }
0x1c1: {  	s8 =	sadd.s32 s0, s12;
	s24 =	simm.s32 $0x10A00  }
0x1c2: {  	[hbm4b:s8+s5] =	stream.linear.scatter [tilespmem:s24], [sflag:$0x3], $0x800, $0x38;
	[tilespmem:$0x18200] =	vst v63  }
0x1c3: {  	s8 =	sadd.s32 s0, s13;
	s24 =	simm.s32 $0x11200  }
0x1c4: {  	[hbm4b:s8+s5] =	stream.linear.scatter [tilespmem:s24], [sflag:$0x3], $0x800, $0x38;
	[tilespmem:$0x18200] =	vst v63  }
0x1c5: {  	s8 =	sadd.s32 s0, s14;
	s24 =	simm.s32 $0x11A00  }
0x1c6: {  	[hbm4b:s8+s5] =	stream.linear.scatter [tilespmem:s24], [sflag:$0x3], $0x800, $0x38;
	[tilespmem:$0x18200] =	vst v63  }
0x1c7: {  	s8 =	sadd.s32 s0, s15;
	s24 =	simm.s32 $0x12200  }
0x1c8: {  	[hbm4b:s8+s5] =	stream.linear.scatter [tilespmem:s24], [sflag:$0x3], $0x800, $0x38;
	[tilespmem:$0x18200] =	vst v63  }
0x1c9: {  	s8 =	sadd.s32 s0, s16;
	s24 =	simm.s32 $0x12A00  }
0x1ca: {  	[hbm4b:s8+s5] =	stream.linear.scatter [tilespmem:s24], [sflag:$0x3], $0x800, $0x38;
	[tilespmem:$0x18200] =	vst v63  }
0x1cb: {  	s8 =	sadd.s32 s0, s17;
	s24 =	simm.s32 $0x13200  }
0x1cc: {  	[hbm4b:s8+s5] =	stream.linear.scatter [tilespmem:s24], [sflag:$0x3], $0x800, $0x38;
	[tilespmem:$0x18200] =	vst v63  }
0x1cd: {  	s0 =	sadd.s32 s0, s18;
	s8 =	simm.s32 $0x13A00  }
0x1ce: {  	[hbm4b:s0+s5] =	stream.linear.scatter [tilespmem:s8], [sflag:$0x3], $0x800, $0x38;
	[tilespmem:$0x18200] =	vst v63  }
0x1cf: {  	s0 =	simm.s32 @p0 $0x3  }
0x1d0: {  	_ =	swait.ge @p0 [sflag:s0], $0x4000  }
0x1d1: {  	[sflag:s0] =	ssyncset.done @p0 $0x0  }
0x1d2: {  	[sflag:s0] =	ssyncadd.s32 @p0 $0xFFFFC000;
	s0 =	simm.s32 @p0 $0x2  }
0x1d3: {  	_ =	swait.ge @p0 [sflag:s0], $0x8000  }
0x1d4: {  	[sflag:s0] =	ssyncset.done @p0 $0x0  }
0x1d5: {  	[sflag:s0] =	ssyncadd.s32 @p0 $0xFFFF8000;
	s0 =	simm.s32 @!p0 $0x1  }
0x1d6: {  	p1 =	seq.s32 @!p0 s10, $0x0;
	_ =	swait.ge @!p0 [sflag:s0], $0x100  }
0x1d7: {  	s29 =	simm.s32 $0x0;
	s7 =	simm.s32 @!p0 $0x0;
	[sflag:s0] =	ssyncset.done @!p0 $0x0  }
0x1d8: {  	s1 =	simm.s32 @!p0 $0x200;
	[sflag:s0] =	ssyncadd.s32 @!p0 $0xFFFFFF00;
	s0 =	simm.s32 @!p0 $0x80  }
0x1d9: {  	[tilespmem:s1], [sflag:$0x2] =	stream.indirect.gather @!p0 [hbm4b:s6+s0], $0x80, s7, s0, $0xb8;
	[tilespmem:$0x18200] =	vst v63  }
0x1da: {  	p1 =	por p1, p0;
	s24 =	simm.s32 $0x2;
	s1 =	simm.s32 @!p0 $0x4200  }
0x1db: {  	[tilespmem:s1], [sflag:$0x2] =	stream.indirect.gather @!p0 [hbm4b:s6+s0], $0x80, s0, s0, $0xb8;
	[tilespmem:$0x18200] =	vst v63  }
0x1dc: {  	v16 =	vmov s29;
	v18 =	vmov s24;
	s24 =	simm.s32 $0x4;
	s8 =	simm.s32 $0x7;
	s0 =	simm.s32 @!p1 $0x3  }
0x1dd: {  	v16 =	vand.u32 $0x78, v16;
	v25 =	vmov s24;
	s24 =	simm.s32 $0x5;
	s1 =	sadd.s32 @!p0 s20, s19;
	_ =	swait.ge @!p1 [sflag:s0], $0x4000  }
0x1de: {  	v16 =	vbroadcast v16, $0x0;
	v20 =	vmov s8;
	s8 =	simm.s32 @!p0 $0x2;
	s31 =	sshll.u32 @!p0 s1, $0xB;
	[sflag:s0] =	ssyncset.done @!p1 $0x0  }
0x1df: {  	s29 =	sand.u32 @!p0 $0x1F800, s31;
	[sflag:s0] =	ssyncadd.s32 @!p1 $0xFFFFC000;
	s0 =	sshll.u32 @!p0 s1, $0x8  }
0x1e0: {  	v24 =	vor.u32 v0, v16;
	s31 =	simm.s32 $0x1;
	s1 =	sshll.u32 @!p0 s1, $0x1;
	s0 =	sand.u32 @!p0 $0x7FFE0000, s0  }
0x1e1: {  	v26 =	vmov s24;
	s24 =	simm.s32 $0x6;
	v20 =	vand.u32 $0x7F, v20;
	v17 =	vmov s31;
	s1 =	sand.u32 @!p0 $0x380, s1;
	s0 =	sor.u32 @!p0 s29, s0  }
0x1e2: {  	v27 =	vmov s24;
	v20 =	vbroadcast v20, $0x0;
	s31 =	simm.s32 $0x3;
	_ =	swait.ge @!p0 [sflag:s8], $0x8000;
	v17 =	vand.u32 $0x79, v17;
	s0 =	sor.u32 @!p0 s1, s0  }
0x1e3: {  	v19 =	vmov s31;
	[sflag:s8] =	ssyncset.done @!p0 $0x0;
	v23 =	vbroadcast v17, $0x0;
	v17 =	vand.u32 $0x7A, v18;
	s0 =	sshrl.u32 @!p0 s0, $0x3  }
0x1e4: {  	v28 =	vor.u32 v0, v20;
	[sflag:s8] =	ssyncadd.s32 @!p0 $0xFFFF8000;
	s1 =	simm.s32 @!p0 $0x100;
	v22 =	vbroadcast v17, $0x0;
	v17 =	vand.u32 $0x7B, v19;
	s0 =	sadd.s32 @!p0 s2, s0  }
0x1e5: {  	v29 =	vor.u32 v0, v23;
	v21 =	vbroadcast v17, $0x0;
	v17 =	vand.u32 $0x7C, v25;
	[tilespmem:s1], [sflag:$0x1] =	stream.linear.gather @!p0 [hbm4b:s0+s7], $0x80, $0x38;
	[tilespmem:$0x18200] =	vst v63  }
0x1e6: {  	v25 =	vor.u32 v0, v22;
	v19 =	vbroadcast v17, $0x0;
	v17 =	vand.u32 $0x7D, v26;
	s0 =	sadd.s32 @!p0 $0x80, s0;
	s1 =	simm.s32 @!p0 $0x180  }
0x1e7: {  	v26 =	vor.u32 v0, v21;
	v18 =	vbroadcast v17, $0x0;
	v17 =	vand.u32 $0x7E, v27;
	[tilespmem:s1], [sflag:$0x1] =	stream.linear.gather @!p0 [hbm4b:s0+s7], $0x80, $0x38;
	[tilespmem:$0x18200] =	vst v63  }
0x1e8: {  	v27 =	vor.u32 v0, v19;
	v17 =	vbroadcast v17, $0x0;
	v24 =	vld.idx.msk [tilespmem:v24+s28+$0x0], $0xffff  }
0x1e9: {  	v30 =	vor.u32 v0, v18;
	v28 =	vld.idx.msk [tilespmem:v28+s28+$0x0], $0xffff  }
0x1ea: {  	v29 =	vld.idx.msk [tilespmem:v29+s28+$0x0], $0xffff;
	v31 =	vor.u32 v0, v17  }
0x1eb: {  	v58 =	vor.u32 v1, v20;
	v25 =	vld.idx.msk [tilespmem:v25+s28+$0x0], $0xffff  }
0x1ec: {  	v59 =	vor.u32 v1, v23;
	v26 =	vld.idx.msk [tilespmem:v26+s28+$0x0], $0xffff  }
0x1ed: {  	v60 =	vor.u32 v1, v22;
	s7 =	simm.s32 $0x14200;
	v27 =	vld.idx.msk [tilespmem:v27+s28+$0x0], $0xffff  }
0x1ee: {  	v61 =	vor.u32 v1, v21;
	v30 =	vld.idx.msk [tilespmem:v30+s28+$0x0], $0xffff;
	[tilespmem:s7+$0x380] =	vst v28  }
0x1ef: {  	v62 =	vor.u32 v1, v19;
	v31 =	vld.idx.msk [tilespmem:v31+s28+$0x0], $0xffff;
	[tilespmem:s7+$0x80] =	vst v29  }
0x1f0: {  	v28 =	vor.u32 v1, v18;
	[tilespmem:s7+$0x0] =	vst v24;
	v29 =	vld.idx.msk [tilespmem:v58+s28+$0x0], $0xffff  }
0x1f1: {  	v63 =	vld.idx.msk [tilespmem:v59+s28+$0x0], $0xffff;
	[tilespmem:s7+$0x100] =	vst v25;
	v25 =	vor.u32 v1, v17  }
0x1f2: {  	v41 =	vor.u32 v1, v16;
	v40 =	vld.idx.msk [tilespmem:v60+s28+$0x0], $0xffff;
	[tilespmem:s7+$0x180] =	vst v26  }
0x1f3: {  	v26 =	vor.u32 v2, v20;
	v35 =	vld.idx.msk [tilespmem:v61+s28+$0x0], $0xffff;
	[tilespmem:s7+$0x200] =	vst v27  }
0x1f4: {  	v27 =	vor.u32 v2, v23;
	v36 =	vld.idx.msk [tilespmem:v62+s28+$0x0], $0xffff;
	[tilespmem:s7+$0x280] =	vst v30  }
0x1f5: {  	v30 =	vor.u32 v2, v22;
	v28 =	vld.idx.msk [tilespmem:v28+s28+$0x0], $0xffff;
	[tilespmem:s7+$0x300] =	vst v31  }
0x1f6: {  	v31 =	vor.u32 v2, v21;
	v25 =	vld.idx.msk [tilespmem:v25+s28+$0x0], $0xffff;
	[tilespmem:s7+$0x390] =	vst v29  }
0x1f7: {  	v24 =	vor.u32 v2, v19;
	v29 =	vld.idx.msk [tilespmem:v41+s28+$0x0], $0xffff;
	[tilespmem:s7+$0x90] =	vst v63  }
0x1f8: {  	v42 =	vor.u32 v2, v18;
	v26 =	vld.idx.msk [tilespmem:v26+s28+$0x0], $0xffff;
	[tilespmem:s7+$0x110] =	vst v40  }
0x1f9: {  	v44 =	vor.u32 v2, v17;
	v27 =	vld.idx.msk [tilespmem:v27+s28+$0x0], $0xffff;
	[tilespmem:s7+$0x190] =	vst v35  }
0x1fa: {  	v45 =	vor.u32 v2, v16;
	v30 =	vld.idx.msk [tilespmem:v30+s28+$0x0], $0xffff;
	[tilespmem:s7+$0x210] =	vst v36  }
0x1fb: {  	v43 =	vor.u32 v3, v20;
	v31 =	vld.idx.msk [tilespmem:v31+s28+$0x0], $0xffff;
	[tilespmem:s7+$0x290] =	vst v28  }
0x1fc: {  	v46 =	vor.u32 v3, v23;
	v24 =	vld.idx.msk [tilespmem:v24+s28+$0x0], $0xffff;
	[tilespmem:s7+$0x310] =	vst v25  }
0x1fd: {  	v28 =	vor.u32 v3, v22;
	v32 =	vld.idx.msk [tilespmem:v42+s28+$0x0], $0xffff;
	[tilespmem:s7+$0x10] =	vst v29  }
0x1fe: {  	v29 =	vor.u32 v3, v19;
	[tilespmem:s7+$0x3A0] =	vst v26;
	v47 =	vld.idx.msk [tilespmem:v44+s28+$0x0], $0xffff  }
0x1ff: {  	v26 =	vor.u32 v3, v21;
	v48 =	vld.idx.msk [tilespmem:v45+s28+$0x0], $0xffff;
	[tilespmem:s7+$0xA0] =	vst v27  }
0x200: {  	v50 =	vor.u32 v3, v16;
	v25 =	vld.idx.msk [tilespmem:v43+s28+$0x0], $0xffff;
	[tilespmem:s7+$0x120] =	vst v30  }
0x201: {  	v27 =	vor.u32 v4, v20;
	v49 =	vld.idx.msk [tilespmem:v46+s28+$0x0], $0xffff;
	[tilespmem:s7+$0x1A0] =	vst v31  }
0x202: {  	v30 =	vor.u32 v3, v18;
	v28 =	vld.idx.msk [tilespmem:v28+s28+$0x0], $0xffff;
	[tilespmem:s7+$0x220] =	vst v24  }
0x203: {  	v31 =	vor.u32 v3, v17;
	v29 =	vld.idx.msk [tilespmem:v29+s28+$0x0], $0xffff;
	[tilespmem:s7+$0x2A0] =	vst v32  }
0x204: {  	v24 =	vor.u32 v4, v23;
	v26 =	vld.idx.msk [tilespmem:v26+s28+$0x0], $0xffff;
	[tilespmem:s7+$0x20] =	vst v48  }
0x205: {  	v53 =	vor.u32 v4, v19;
	[tilespmem:s7+$0x3B0] =	vst v25;
	v34 =	vld.idx.msk [tilespmem:v50+s28+$0x0], $0xffff  }
0x206: {  	[tilespmem:s7+$0x320] =	vst v47;
	v25 =	vor.u32 v4, v22;
	v27 =	vld.idx.msk [tilespmem:v27+s28+$0x0], $0xffff  }
0x207: {  	v51 =	vor.u32 v4, v21;
	v30 =	vld.idx.msk [tilespmem:v30+s28+$0x0], $0xffff;
	[tilespmem:s7+$0xB0] =	vst v49  }
0x208: {  	v54 =	vor.u32 v4, v16;
	v31 =	vld.idx.msk [tilespmem:v31+s28+$0x0], $0xffff;
	[tilespmem:s7+$0x130] =	vst v28  }
0x209: {  	v52 =	vor.u32 v5, v20;
	v24 =	vld.idx.msk [tilespmem:v24+s28+$0x0], $0xffff;
	[tilespmem:s7+$0x230] =	vst v29  }
0x20a: {  	v28 =	vor.u32 v4, v18;
	[tilespmem:s7+$0x1B0] =	vst v26;
	v35 =	vld.idx.msk [tilespmem:v53+s28+$0x0], $0xffff  }
0x20b: {  	v26 =	vor.u32 v4, v17;
	v25 =	vld.idx.msk [tilespmem:v25+s28+$0x0], $0xffff;
	[tilespmem:s7+$0x30] =	vst v34  }
0x20c: {  	v32 =	vld.idx.msk [tilespmem:v51+s28+$0x0], $0xffff;
	[tilespmem:s7+$0x3C0] =	vst v27;
	v27 =	vor.u32 v5, v23  }
0x20d: {  	v55 =	vor.u32 v5, v22;
	[tilespmem:s7+$0x2B0] =	vst v30;
	v34 =	vld.idx.msk [tilespmem:v54+s28+$0x0], $0xffff  }
0x20e: {  	v29 =	vld.idx.msk [tilespmem:v52+s28+$0x0], $0xffff;
	[tilespmem:s7+$0x330] =	vst v31;
	v31 =	vor.u32 v5, v21  }
0x20f: {  	v28 =	vld.idx.msk [tilespmem:v28+s28+$0x0], $0xffff;
	[tilespmem:s7+$0xC0] =	vst v24;
	v24 =	vor.u32 v5, v19  }
0x210: {  	v30 =	vor.u32 v6, v20;
	v26 =	vld.idx.msk [tilespmem:v26+s28+$0x0], $0xffff;
	[tilespmem:s7+$0x240] =	vst v35  }
0x211: {  	[tilespmem:s7+$0x140] =	vst v25;
	v25 =	vor.u32 v5, v18;
	v27 =	vld.idx.msk [tilespmem:v27+s28+$0x0], $0xffff  }
0x212: {  	v56 =	vor.u32 v5, v17;
	[tilespmem:s7+$0x1C0] =	vst v32;
	v33 =	vld.idx.msk [tilespmem:v55+s28+$0x0], $0xffff  }
0x213: {  	[tilespmem:s7+$0x3D0] =	vst v29;
	v29 =	vor.u32 v5, v16;
	v31 =	vld.idx.msk [tilespmem:v31+s28+$0x0], $0xffff  }
0x214: {  	v57 =	vor.u32 v6, v23;
	[tilespmem:s7+$0x40] =	vst v34;
	v24 =	vld.idx.msk [tilespmem:v24+s28+$0x0], $0xffff  }
0x215: {  	v58 =	vor.u32 v6, v22;
	[tilespmem:s7+$0x2C0] =	vst v28;
	v30 =	vld.idx.msk [tilespmem:v30+s28+$0x0], $0xffff  }
0x216: {  	v28 =	vor.u32 v7, v20;
	[tilespmem:s7+$0x340] =	vst v26;
	v25 =	vld.idx.msk [tilespmem:v25+s28+$0x0], $0xffff  }
0x217: {  	v26 =	vor.u32 v6, v21;
	v59 =	vld.idx.msk [tilespmem:v56+s28+$0x0], $0xffff;
	[tilespmem:s7+$0xD0] =	vst v27  }
0x218: {  	v27 =	vor.u32 v6, v19;
	[tilespmem:s7+$0x150] =	vst v33;
	v29 =	vld.idx.msk [tilespmem:v29+s28+$0x0], $0xffff  }
0x219: {  	v60 =	vor.u32 v6, v18;
	v32 =	vld.idx.msk [tilespmem:v57+s28+$0x0], $0xffff;
	[tilespmem:s7+$0x1D0] =	vst v31  }
0x21a: {  	v35 =	vld.idx.msk [tilespmem:v58+s28+$0x0], $0xffff;
	[tilespmem:s7+$0x3E0] =	vst v30;
	v30 =	vor.u32 v6, v17  }
0x21b: {  	v61 =	vor.u32 v6, v16;
	[tilespmem:s7+$0x250] =	vst v24;
	v28 =	vld.idx.msk [tilespmem:v28+s28+$0x0], $0xffff  }
0x21c: {  	v31 =	vor.u32 v7, v23;
	v26 =	vld.idx.msk [tilespmem:v26+s28+$0x0], $0xffff;
	[tilespmem:s7+$0x2D0] =	vst v25  }
0x21d: {  	v24 =	vor.u32 v8, v20;
	[tilespmem:s7+$0x350] =	vst v59;
	v27 =	vld.idx.msk [tilespmem:v27+s28+$0x0], $0xffff  }
0x21e: {  	v25 =	vor.u32 v7, v22;
	v36 =	vld.idx.msk [tilespmem:v60+s28+$0x0], $0xffff;
	[tilespmem:s7+$0x50] =	vst v29  }
0x21f: {  	v29 =	vor.u32 v7, v21;
	[tilespmem:s7+$0xE0] =	vst v32;
	v30 =	vld.idx.msk [tilespmem:v30+s28+$0x0], $0xffff  }
0x220: {  	v62 =	vor.u32 v7, v19;
	[tilespmem:s7+$0x160] =	vst v35;
	v33 =	vld.idx.msk [tilespmem:v61+s28+$0x0], $0xffff  }
0x221: {  	v31 =	vld.idx.msk [tilespmem:v31+s28+$0x0], $0xffff;
	[tilespmem:s7+$0x3F0] =	vst v28;
	v28 =	vor.u32 v7, v18  }
0x222: {  	v63 =	vor.u32 v7, v17;
	[tilespmem:s7+$0x1E0] =	vst v26;
	v24 =	vld.idx.msk [tilespmem:v24+s28+$0x0], $0xffff  }
0x223: {  	v40 =	vor.u32 v7, v16;
	v25 =	vld.idx.msk [tilespmem:v25+s28+$0x0], $0xffff;
	[tilespmem:s7+$0x260] =	vst v27  }
0x224: {  	v26 =	vor.u32 v9, v20;
	[tilespmem:s7+$0x2E0] =	vst v36;
	v29 =	vld.idx.msk [tilespmem:v29+s28+$0x0], $0xffff  }
0x225: {  	v27 =	vor.u32 v8, v23;
	v34 =	vld.idx.msk [tilespmem:v62+s28+$0x0], $0xffff;
	[tilespmem:s7+$0x360] =	vst v30  }
0x226: {  	v41 =	vor.u32 v8, v22;
	[tilespmem:s7+$0x60] =	vst v33;
	v28 =	vld.idx.msk [tilespmem:v28+s28+$0x0], $0xffff  }
0x227: {  	v30 =	vor.u32 v8, v21;
	[tilespmem:s7+$0xF0] =	vst v31;
	v32 =	vld.idx.msk [tilespmem:v63+s28+$0x0], $0xffff  }
0x228: {  	v33 =	vld.idx.msk [tilespmem:v40+s28+$0x0], $0xffff;
	[tilespmem:s7+$0x780] =	vst v24;
	v24 =	vor.u32 v8, v19  }
0x229: {  	v31 =	vor.u32 v8, v18;
	[tilespmem:s7+$0x170] =	vst v25;
	v26 =	vld.idx.msk [tilespmem:v26+s28+$0x0], $0xffff  }
0x22a: {  	v43 =	vor.u32 v8, v16;
	v27 =	vld.idx.msk [tilespmem:v27+s28+$0x0], $0xffff;
	[tilespmem:s7+$0x1F0] =	vst v29  }
0x22b: {  	v25 =	vor.u32 v10, v20;
	v42 =	vld.idx.msk [tilespmem:v41+s28+$0x0], $0xffff;
	[tilespmem:s7+$0x270] =	vst v34  }
0x22c: {  	v29 =	vor.u32 v8, v17;
	v30 =	vld.idx.msk [tilespmem:v30+s28+$0x0], $0xffff;
	[tilespmem:s7+$0x2F0] =	vst v28  }
0x22d: {  	v44 =	vor.u32 v9, v23;
	[tilespmem:s7+$0x370] =	vst v32;
	v24 =	vld.idx.msk [tilespmem:v24+s28+$0x0], $0xffff  }
0x22e: {  	v28 =	vor.u32 v9, v22;
	[tilespmem:s7+$0x70] =	vst v33;
	v31 =	vld.idx.msk [tilespmem:v31+s28+$0x0], $0xffff  }
0x22f: {  	v33 =	vld.idx.msk [tilespmem:v43+s28+$0x0], $0xffff;
	[tilespmem:s7+$0x790] =	vst v26;
	v26 =	vor.u32 v9, v21  }
0x230: {  	v45 =	vor.u32 v9, v19;
	[tilespmem:s7+$0x480] =	vst v27;
	v25 =	vld.idx.msk [tilespmem:v25+s28+$0x0], $0xffff  }
0x231: {  	v46 =	vor.u32 v9, v18;
	[tilespmem:s7+$0x500] =	vst v42;
	v29 =	vld.idx.msk [tilespmem:v29+s28+$0x0], $0xffff  }
0x232: {  	v47 =	vor.u32 v9, v16;
	v34 =	vld.idx.msk [tilespmem:v44+s28+$0x0], $0xffff;
	[tilespmem:s7+$0x580] =	vst v30  }
0x233: {  	v27 =	vor.u32 v11, v20;
	v28 =	vld.idx.msk [tilespmem:v28+s28+$0x0], $0xffff;
	[tilespmem:s7+$0x600] =	vst v24  }
0x234: {  	v30 =	vor.u32 v9, v17;
	[tilespmem:s7+$0x680] =	vst v31;
	v26 =	vld.idx.msk [tilespmem:v26+s28+$0x0], $0xffff  }
0x235: {  	v24 =	vor.u32 v10, v23;
	[tilespmem:s7+$0x400] =	vst v33;
	v32 =	vld.idx.msk [tilespmem:v45+s28+$0x0], $0xffff  }
0x236: {  	v35 =	vld.idx.msk [tilespmem:v46+s28+$0x0], $0xffff;
	[tilespmem:s7+$0x7A0] =	vst v25;
	v25 =	vor.u32 v10, v22  }
0x237: {  	v31 =	vor.u32 v10, v21;
	v33 =	vld.idx.msk [tilespmem:v47+s28+$0x0], $0xffff;
	[tilespmem:s7+$0x700] =	vst v29  }
0x238: {  	v48 =	vor.u32 v10, v19;
	[tilespmem:s7+$0x490] =	vst v34;
	v27 =	vld.idx.msk [tilespmem:v27+s28+$0x0], $0xffff  }
0x239: {  	v49 =	vor.u32 v10, v16;
	v29 =	vld.idx.msk [tilespmem:v30+s28+$0x0], $0xffff;
	[tilespmem:s7+$0x510] =	vst v28  }
0x23a: {  	v30 =	vor.u32 v12, v20;
	v24 =	vld.idx.msk [tilespmem:v24+s28+$0x0], $0xffff;
	[tilespmem:s7+$0x590] =	vst v26  }
0x23b: {  	v28 =	vor.u32 v10, v18;
	[tilespmem:s7+$0x610] =	vst v32;
	v25 =	vld.idx.msk [tilespmem:v25+s28+$0x0], $0xffff  }
0x23c: {  	v26 =	vor.u32 v10, v17;
	[tilespmem:s7+$0x410] =	vst v33;
	v31 =	vld.idx.msk [tilespmem:v31+s28+$0x0], $0xffff  }
0x23d: {  	v34 =	vld.idx.msk [tilespmem:v48+s28+$0x0], $0xffff;
	[tilespmem:s7+$0x7B0] =	vst v27;
	v27 =	vor.u32 v11, v23  }
0x23e: {  	v50 =	vor.u32 v11, v22;
	v52 =	vld.idx.msk [tilespmem:v49+s28+$0x0], $0xffff  }
0x23f: {  	v51 =	vor.u32 v11, v21;
	[tilespmem:s7+$0x690] =	vst v35;
	v30 =	vld.idx.msk [tilespmem:v30+s28+$0x0], $0xffff  }
0x240: {  	[tilespmem:s7+$0x710] =	vst v29;
	v29 =	vor.u32 v13, v20;
	v28 =	vld.idx.msk [tilespmem:v28+s28+$0x0], $0xffff  }
0x241: {  	[tilespmem:s7+$0x4A0] =	vst v24;
	v24 =	vor.u32 v11, v19;
	v26 =	vld.idx.msk [tilespmem:v26+s28+$0x0], $0xffff  }
0x242: {  	[tilespmem:s7+$0x520] =	vst v25;
	v25 =	vor.u32 v11, v18;
	v27 =	vld.idx.msk [tilespmem:v27+s28+$0x0], $0xffff  }
0x243: {  	v53 =	vor.u32 v11, v17;
	[tilespmem:s7+$0x5A0] =	vst v31;
	v32 =	vld.idx.msk [tilespmem:v50+s28+$0x0], $0xffff  }
0x244: {  	v33 =	vld.idx.msk [tilespmem:v51+s28+$0x0], $0xffff;
	[tilespmem:s7+$0x7C0] =	vst v30;
	v30 =	vor.u32 v11, v16  }
0x245: {  	v31 =	vor.u32 v12, v23;
	[tilespmem:s7+$0x620] =	vst v34;
	v29 =	vld.idx.msk [tilespmem:v29+s28+$0x0], $0xffff  }
0x246: {  	v54 =	vor.u32 v12, v22;
	[tilespmem:s7+$0x6A0] =	vst v28;
	v24 =	vld.idx.msk [tilespmem:v24+s28+$0x0], $0xffff  }
0x247: {  	v28 =	vor.u32 v14, v20;
	[tilespmem:s7+$0x720] =	vst v26;
	v25 =	vld.idx.msk [tilespmem:v25+s28+$0x0], $0xffff  }
0x248: {  	[tilespmem:s7+$0x420] =	vst v52;
	v26 =	vor.u32 v12, v21;
	v55 =	vld.idx.msk [tilespmem:v53+s28+$0x0], $0xffff  }
0x249: {  	[tilespmem:s7+$0x4B0] =	vst v27;
	v27 =	vor.u32 v12, v19;
	v30 =	vld.idx.msk [tilespmem:v30+s28+$0x0], $0xffff  }
0x24a: {  	v56 =	vor.u32 v12, v18;
	[tilespmem:s7+$0x530] =	vst v32;
	v31 =	vld.idx.msk [tilespmem:v31+s28+$0x0], $0xffff  }
0x24b: {  	v34 =	vld.idx.msk [tilespmem:v54+s28+$0x0], $0xffff;
	[tilespmem:s7+$0x7D0] =	vst v29;
	v29 =	vor.u32 v12, v17  }
0x24c: {  	v57 =	vor.u32 v12, v16;
	[tilespmem:s7+$0x5B0] =	vst v33;
	v28 =	vld.idx.msk [tilespmem:v28+s28+$0x0], $0xffff  }
0x24d: {  	s29 =	simm.s32 $0x8;
	v58 =	vor.u32 v13, v23;
	[tilespmem:s7+$0x630] =	vst v24;
	v26 =	vld.idx.msk [tilespmem:v26+s28+$0x0], $0xffff  }
0x24e: {  	v24 =	vor.u32 v15, v20;
	v20 =	vmov s29;
	[tilespmem:s7+$0x6B0] =	vst v25;
	v27 =	vld.idx.msk [tilespmem:v27+s28+$0x0], $0xffff  }
0x24f: {  	v20 =	vand.u32 $0x78, v20;
	v25 =	vor.u32 v13, v22;
	[tilespmem:s7+$0x730] =	vst v55;
	v36 =	vld.idx.msk [tilespmem:v56+s28+$0x0], $0xffff  }
0x250: {  	v20 =	vbroadcast v20, $0x0;
	[tilespmem:s7+$0x430] =	vst v30;
	v30 =	vor.u32 v13, v21;
	v29 =	vld.idx.msk [tilespmem:v29+s28+$0x0], $0xffff  }
0x251: {  	v59 =	vor.u32 v13, v19;
	[tilespmem:s7+$0x4C0] =	vst v31;
	v32 =	vld.idx.msk [tilespmem:v57+s28+$0x0], $0xffff  }
0x252: {  	v61 =	vor.u32 v0, v20;
	v31 =	vld.idx.msk [tilespmem:v58+s28+$0x0], $0xffff;
	[tilespmem:s7+$0x7E0] =	vst v28  }
0x253: {  	[tilespmem:s7+$0x540] =	vst v34;
	v28 =	vor.u32 v13, v18;
	v24 =	vld.idx.msk [tilespmem:v24+s28+$0x0], $0xffff  }
0x254: {  	v60 =	vor.u32 v13, v17;
	[tilespmem:s7+$0x5C0] =	vst v26;
	v62 =	vld.idx.msk [tilespmem:v25+s28+$0x0], $0xffff  }
0x255: {  	v26 =	vor.u32 v13, v16;
	[tilespmem:s7+$0x640] =	vst v27;
	v30 =	vld.idx.msk [tilespmem:v30+s28+$0x0], $0xffff  }
0x256: {  	v27 =	vor.u32 v14, v23;
	[tilespmem:s7+$0x6C0] =	vst v36;
	v35 =	vld.idx.msk [tilespmem:v59+s28+$0x0], $0xffff  }
0x257: {  	v63 =	vor.u32 v14, v22;
	v25 =	vld.idx.msk [tilespmem:v61+s28+$0x0], $0xffff;
	[tilespmem:s7+$0x740] =	vst v29  }
0x258: {  	[tilespmem:s7+$0x440] =	vst v32;
	v29 =	vor.u32 v14, v19;
	v39 =	vld.idx.msk [tilespmem:v28+s28+$0x0], $0xffff  }
0x259: {  	[tilespmem:s7+$0x4D0] =	vst v31;
	v28 =	vor.u32 v14, v21;
	v40 =	vld.idx.msk [tilespmem:v60+s28+$0x0], $0xffff  }
0x25a: {  	v41 =	vor.u32 v14, v18;
	v32 =	vld.idx.msk [tilespmem:v26+s28+$0x0], $0xffff;
	[tilespmem:s7+$0x7F0] =	vst v24  }
0x25b: {  	v36 =	vor.u32 v14, v17;
	[tilespmem:s7+$0x550] =	vst v62;
	v24 =	vld.idx.msk [tilespmem:v27+s28+$0x0], $0xffff  }
0x25c: {  	v33 =	vor.u32 v14, v16;
	v27 =	vld.idx.msk [tilespmem:v63+s28+$0x0], $0xffff;
	[tilespmem:s7+$0x650] =	vst v35  }
0x25d: {  	s24 =	simm.s32 $0xA;
	s8 =	simm.s32 $0x9;
	[tilespmem:s7+$0x5D0] =	vst v30;
	v30 =	vor.u32 v15, v23;
	v29 =	vld.idx.msk [tilespmem:v29+s28+$0x0], $0xffff  }
0x25e: {  	s20 =	sor.u32 $0x1, s20;
	v22 =	vor.u32 v15, v22;
	v31 =	vmov s24;
	s24 =	simm.s32 $0xC;
	v23 =	vmov s8;
	s8 =	simm.s32 $0xB;
	v28 =	vld.idx.msk [tilespmem:v28+s28+$0x0], $0xffff;
	[tilespmem:s7+$0x6D0] =	vst v39  }
0x25f: {  	s31 =	simm.s32 $0x10;
	s0 =	simm.s32 $0xD;
	s1 =	simm.s32 $0xF;
	v26 =	vmov s24;
	v21 =	vor.u32 v15, v21;
	v34 =	vmov s8;
	[tilespmem:s7+$0x750] =	vst v40;
	v35 =	vld.idx.msk [tilespmem:v41+s28+$0x0], $0xffff  }
.LBB2_5:
0x260: {  	p0 =	slt.u32 s31, $0x38;
	v37 =	vmov s0;
	s0 =	sadd.s32 $0x6, s29;
	v38 =	vmov s1;
	[tilespmem:s7+$0x450] =	vst v32;
	v19 =	vor.u32 v15, v19;
	v32 =	vld.idx.msk [tilespmem:v36+s28+$0x0], $0xffff;
	s29 =	smov.u32 s31  }
0x261: {  	v18 =	vor.u32 v15, v18;
	v36 =	vmov s0;
	v38 =	vand.u32 $0x7F, v38;
	v33 =	vld.idx.msk [tilespmem:v33+s28+$0x0], $0xffff;
	[tilespmem:s7+$0x4E0] =	vst v24  }
0x262: {  	v23 =	vand.u32 $0x79, v23;
	v17 =	vor.u32 v15, v17;
	v24 =	vbroadcast v38, $0x0;
	v30 =	vld.idx.msk [tilespmem:v30+s28+$0x0], $0xffff;
	[tilespmem:s7+$0x560] =	vst v27  }
0x263: {  	v23 =	vbroadcast v23, $0x0;
	v27 =	vand.u32 $0x7A, v31;
	v31 =	vor.u32 v15, v16;
	v16 =	vmovc v20;
	v38 =	vld.idx.msk [tilespmem:v22+s28+$0x0], $0xffff;
	[tilespmem:s7+$0x5E0] =	vst v28  }
0x264: {  	v20 =	vand.u32 $0x7B, v34;
	v22 =	vbroadcast v27, $0x0;
	v27 =	vor.u32 v0, v24;
	v28 =	vld.idx.msk [tilespmem:v21+s28+$0x0], $0xffff;
	[tilespmem:s7+$0x660] =	vst v29  }
0x265: {  	v29 =	vor.u32 v0, v23;
	v21 =	vbroadcast v20, $0x0;
	v20 =	vand.u32 $0x7C, v26;
	v26 =	vld.idx.msk [tilespmem:v19+s28+$0x0], $0xffff;
	[tilespmem:s7+$0x6E0] =	vst v35  }
0x266: {  	v34 =	vor.u32 v0, v22;
	v19 =	vbroadcast v20, $0x0;
	v20 =	vand.u32 $0x7D, v37;
	v35 =	vld.idx.msk [tilespmem:v18+s28+$0x0], $0xffff;
	[tilespmem:s7+$0x760] =	vst v32  }
0x267: {  	v32 =	vor.u32 v0, v21;
	v18 =	vbroadcast v20, $0x0;
	v20 =	vand.u32 $0x7E, v36;
	[tilespmem:s7+$0x460] =	vst v33;
	v33 =	vld.idx.msk [tilespmem:v17+s28+$0x0], $0xffff  }
0x268: {  	v36 =	vor.u32 v0, v19;
	v17 =	vbroadcast v20, $0x0;
	v20 =	vld.idx.msk [tilespmem:v31+s28+$0x0], $0xffff;
	[tilespmem:s7+$0x4F0] =	vst v30  }
0x269: {  	v30 =	vor.u32 v0, v18;
	v27 =	vld.idx.msk [tilespmem:v27+s28+$0x0], $0xffff;
	[tilespmem:s7+$0x570] =	vst v38  }
0x26a: {  	v31 =	vor.u32 v0, v17;
	v29 =	vld.idx.msk [tilespmem:v29+s28+$0x0], $0xffff;
	[tilespmem:s7+$0x5F0] =	vst v28  }
0x26b: {  	v28 =	vld.idx.msk [tilespmem:v34+s28+$0x0], $0xffff;
	v34 =	vor.u32 v1, v24;
	[tilespmem:s7+$0x670] =	vst v26  }
0x26c: {  	v26 =	vor.u32 v1, v23;
	v32 =	vld.idx.msk [tilespmem:v32+s28+$0x0], $0xffff;
	[tilespmem:s7+$0x6F0] =	vst v35  }
0x26d: {  	v35 =	vor.u32 v1, v22;
	v36 =	vld.idx.msk [tilespmem:v36+s28+$0x0], $0xffff;
	[tilespmem:s7+$0x770] =	vst v33  }
0x26e: {  	v33 =	vor.u32 v1, v21;
	v30 =	vld.idx.msk [tilespmem:v30+s28+$0x0], $0xffff;
	[tilespmem:s7+$0x470] =	vst v20;
	s7 =	sadd.s32 $0x800, s7  }
0x26f: {  	v20 =	vor.u32 v1, v19;
	v31 =	vld.idx.msk [tilespmem:v31+s28+$0x0], $0xffff;
	[tilespmem:s7+$0x380] =	vst v27  }
0x270: {  	v27 =	vor.u32 v1, v18;
	[tilespmem:s7+$0x80] =	vst v29;
	v29 =	vld.idx.msk [tilespmem:v34+s28+$0x0], $0xffff  }
0x271: {  	v26 =	vld.idx.msk [tilespmem:v26+s28+$0x0], $0xffff;
	[tilespmem:s7+$0x100] =	vst v28;
	v28 =	vor.u32 v1, v17  }
0x272: {  	v34 =	vld.idx.msk [tilespmem:v35+s28+$0x0], $0xffff;
	[tilespmem:s7+$0x180] =	vst v32;
	v32 =	vor.u32 v2, v24  }
0x273: {  	v35 =	vor.u32 v1, v16;
	v33 =	vld.idx.msk [tilespmem:v33+s28+$0x0], $0xffff;
	[tilespmem:s7+$0x200] =	vst v36  }
0x274: {  	v36 =	vor.u32 v2, v23;
	v20 =	vld.idx.msk [tilespmem:v20+s28+$0x0], $0xffff;
	[tilespmem:s7+$0x280] =	vst v30  }
0x275: {  	v30 =	vor.u32 v2, v22;
	v27 =	vld.idx.msk [tilespmem:v27+s28+$0x0], $0xffff;
	[tilespmem:s7+$0x300] =	vst v31  }
0x276: {  	v31 =	vor.u32 v2, v21;
	v28 =	vld.idx.msk [tilespmem:v28+s28+$0x0], $0xffff;
	[tilespmem:s7+$0x390] =	vst v29  }
0x277: {  	[tilespmem:s7+$0x0] =	vst v25;
	v25 =	vor.u32 v2, v19;
	v29 =	vld.idx.msk [tilespmem:v32+s28+$0x0], $0xffff  }
0x278: {  	v32 =	vld.idx.msk [tilespmem:v35+s28+$0x0], $0xffff;
	[tilespmem:s7+$0x90] =	vst v26;
	v26 =	vor.u32 v2, v18  }
0x279: {  	v35 =	vld.idx.msk [tilespmem:v36+s28+$0x0], $0xffff;
	[tilespmem:s7+$0x110] =	vst v34;
	v34 =	vor.u32 v3, v24  }
0x27a: {  	v30 =	vld.idx.msk [tilespmem:v30+s28+$0x0], $0xffff;
	[tilespmem:s7+$0x190] =	vst v33;
	v33 =	vor.u32 v2, v17  }
0x27b: {  	v36 =	vor.u32 v2, v16;
	v31 =	vld.idx.msk [tilespmem:v31+s28+$0x0], $0xffff;
	[tilespmem:s7+$0x210] =	vst v20  }
0x27c: {  	v20 =	vor.u32 v3, v23;
	v25 =	vld.idx.msk [tilespmem:v25+s28+$0x0], $0xffff;
	[tilespmem:s7+$0x290] =	vst v27  }
0x27d: {  	v27 =	vor.u32 v3, v22;
	v26 =	vld.idx.msk [tilespmem:v26+s28+$0x0], $0xffff;
	[tilespmem:s7+$0x3A0] =	vst v29  }
0x27e: {  	v29 =	vor.u32 v3, v21;
	[tilespmem:s7+$0x310] =	vst v28;
	v28 =	vld.idx.msk [tilespmem:v34+s28+$0x0], $0xffff  }
0x27f: {  	[tilespmem:s7+$0x10] =	vst v32;
	v32 =	vor.u32 v3, v19;
	v33 =	vld.idx.msk [tilespmem:v33+s28+$0x0], $0xffff  }
0x280: {  	v34 =	vld.idx.msk [tilespmem:v36+s28+$0x0], $0xffff;
	[tilespmem:s7+$0xA0] =	vst v35;
	v35 =	vor.u32 v4, v24  }
0x281: {  	v20 =	vld.idx.msk [tilespmem:v20+s28+$0x0], $0xffff;
	[tilespmem:s7+$0x120] =	vst v30;
	v30 =	vor.u32 v3, v18  }
0x282: {  	v27 =	vld.idx.msk [tilespmem:v27+s28+$0x0], $0xffff;
	[tilespmem:s7+$0x1A0] =	vst v31;
	v31 =	vor.u32 v3, v17  }
0x283: {  	v36 =	vor.u32 v3, v16;
	v29 =	vld.idx.msk [tilespmem:v29+s28+$0x0], $0xffff;
	[tilespmem:s7+$0x220] =	vst v25  }
0x284: {  	v25 =	vor.u32 v4, v23;
	v32 =	vld.idx.msk [tilespmem:v32+s28+$0x0], $0xffff;
	[tilespmem:s7+$0x3B0] =	vst v28  }
0x285: {  	v28 =	vor.u32 v4, v22;
	[tilespmem:s7+$0x2A0] =	vst v26;
	v26 =	vld.idx.msk [tilespmem:v35+s28+$0x0], $0xffff  }
0x286: {  	v35 =	vor.u32 v4, v21;
	v30 =	vld.idx.msk [tilespmem:v30+s28+$0x0], $0xffff;
	[tilespmem:s7+$0x320] =	vst v33  }
0x287: {  	v33 =	vor.u32 v5, v24;
	[tilespmem:s7+$0x20] =	vst v34;
	v31 =	vld.idx.msk [tilespmem:v31+s28+$0x0], $0xffff  }
0x288: {  	v34 =	vld.idx.msk [tilespmem:v36+s28+$0x0], $0xffff;
	[tilespmem:s7+$0xB0] =	vst v20;
	v20 =	vor.u32 v4, v19  }
0x289: {  	v25 =	vld.idx.msk [tilespmem:v25+s28+$0x0], $0xffff;
	[tilespmem:s7+$0x130] =	vst v27;
	v27 =	vor.u32 v4, v18  }
0x28a: {  	v28 =	vld.idx.msk [tilespmem:v28+s28+$0x0], $0xffff;
	[tilespmem:s7+$0x1B0] =	vst v29;
	v29 =	vor.u32 v4, v17  }
0x28b: {  	v36 =	vor.u32 v4, v16;
	v35 =	vld.idx.msk [tilespmem:v35+s28+$0x0], $0xffff;
	[tilespmem:s7+$0x3C0] =	vst v26  }
0x28c: {  	v26 =	vor.u32 v5, v23;
	[tilespmem:s7+$0x230] =	vst v32;
	v32 =	vld.idx.msk [tilespmem:v33+s28+$0x0], $0xffff  }
0x28d: {  	v33 =	vor.u32 v5, v22;
	v20 =	vld.idx.msk [tilespmem:v20+s28+$0x0], $0xffff;
	[tilespmem:s7+$0x2B0] =	vst v30  }
0x28e: {  	v30 =	vor.u32 v6, v24;
	v27 =	vld.idx.msk [tilespmem:v27+s28+$0x0], $0xffff;
	[tilespmem:s7+$0x330] =	vst v31  }
0x28f: {  	v31 =	vor.u32 v5, v21;
	[tilespmem:s7+$0x30] =	vst v34;
	v29 =	vld.idx.msk [tilespmem:v29+s28+$0x0], $0xffff  }
0x290: {  	v34 =	vld.idx.msk [tilespmem:v36+s28+$0x0], $0xffff;
	[tilespmem:s7+$0xC0] =	vst v25;
	v25 =	vor.u32 v5, v19  }
0x291: {  	v26 =	vld.idx.msk [tilespmem:v26+s28+$0x0], $0xffff;
	[tilespmem:s7+$0x140] =	vst v28;
	v28 =	vor.u32 v5, v18  }
0x292: {  	v36 =	vor.u32 v5, v17;
	v33 =	vld.idx.msk [tilespmem:v33+s28+$0x0], $0xffff;
	[tilespmem:s7+$0x3D0] =	vst v32  }
0x293: {  	v32 =	vor.u32 v5, v16;
	[tilespmem:s7+$0x1C0] =	vst v35;
	v30 =	vld.idx.msk [tilespmem:v30+s28+$0x0], $0xffff  }
0x294: {  	v35 =	vor.u32 v6, v23;
	v31 =	vld.idx.msk [tilespmem:v31+s28+$0x0], $0xffff;
	[tilespmem:s7+$0x240] =	vst v20  }
0x295: {  	v20 =	vld.idx.msk [tilespmem:v25+s28+$0x0], $0xffff;
	[tilespmem:s7+$0x2C0] =	vst v27;
	v25 =	vor.u32 v7, v24  }
0x296: {  	v27 =	vor.u32 v6, v22;
	v28 =	vld.idx.msk [tilespmem:v28+s28+$0x0], $0xffff;
	[tilespmem:s7+$0x340] =	vst v29  }
0x297: {  	v29 =	vor.u32 v6, v21;
	[tilespmem:s7+$0x40] =	vst v34;
	v34 =	vld.idx.msk [tilespmem:v36+s28+$0x0], $0xffff  }
0x298: {  	v32 =	vld.idx.msk [tilespmem:v32+s28+$0x0], $0xffff;
	[tilespmem:s7+$0xD0] =	vst v26;
	v26 =	vor.u32 v6, v19  }
0x299: {  	v36 =	vor.u32 v6, v18;
	v35 =	vld.idx.msk [tilespmem:v35+s28+$0x0], $0xffff;
	[tilespmem:s7+$0x3E0] =	vst v30  }
0x29a: {  	v30 =	vor.u32 v6, v17;
	[tilespmem:s7+$0x150] =	vst v33;
	v25 =	vld.idx.msk [tilespmem:v25+s28+$0x0], $0xffff  }
0x29b: {  	v33 =	vor.u32 v6, v16;
	v27 =	vld.idx.msk [tilespmem:v27+s28+$0x0], $0xffff;
	[tilespmem:s7+$0x1D0] =	vst v31  }
0x29c: {  	v29 =	vld.idx.msk [tilespmem:v29+s28+$0x0], $0xffff;
	[tilespmem:s7+$0x250] =	vst v20;
	v20 =	vor.u32 v8, v24  }
0x29d: {  	v31 =	vor.u32 v7, v23;
	v26 =	vld.idx.msk [tilespmem:v26+s28+$0x0], $0xffff;
	[tilespmem:s7+$0x2D0] =	vst v28  }
0x29e: {  	v28 =	vor.u32 v7, v22;
	v36 =	vld.idx.msk [tilespmem:v36+s28+$0x0], $0xffff;
	[tilespmem:s7+$0x350] =	vst v34  }
0x29f: {  	[tilespmem:s7+$0x50] =	vst v32;
	v32 =	vor.u32 v7, v21;
	v30 =	vld.idx.msk [tilespmem:v30+s28+$0x0], $0xffff  }
0x2a0: {  	v34 =	vor.u32 v7, v19;
	v33 =	vld.idx.msk [tilespmem:v33+s28+$0x0], $0xffff;
	[tilespmem:s7+$0x3F0] =	vst v25  }
0x2a1: {  	v25 =	vor.u32 v7, v18;
	[tilespmem:s7+$0xE0] =	vst v35;
	v20 =	vld.idx.msk [tilespmem:v20+s28+$0x0], $0xffff  }
0x2a2: {  	v31 =	vld.idx.msk [tilespmem:v31+s28+$0x0], $0xffff;
	[tilespmem:s7+$0x160] =	vst v27;
	v27 =	vor.u32 v7, v17  }
0x2a3: {  	v28 =	vld.idx.msk [tilespmem:v28+s28+$0x0], $0xffff;
	[tilespmem:s7+$0x1E0] =	vst v29;
	v29 =	vor.u32 v9, v24  }
0x2a4: {  	v35 =	vor.u32 v7, v16;
	v32 =	vld.idx.msk [tilespmem:v32+s28+$0x0], $0xffff;
	[tilespmem:s7+$0x260] =	vst v26  }
0x2a5: {  	v26 =	vor.u32 v8, v23;
	v34 =	vld.idx.msk [tilespmem:v34+s28+$0x0], $0xffff;
	[tilespmem:s7+$0x2E0] =	vst v36  }
0x2a6: {  	v36 =	vor.u32 v8, v22;
	v25 =	vld.idx.msk [tilespmem:v25+s28+$0x0], $0xffff;
	[tilespmem:s7+$0x360] =	vst v30  }
0x2a7: {  	v30 =	vor.u32 v8, v21;
	v27 =	vld.idx.msk [tilespmem:v27+s28+$0x0], $0xffff;
	[tilespmem:s7+$0x780] =	vst v20  }
0x2a8: {  	v20 =	vor.u32 v8, v19;
	[tilespmem:s7+$0x60] =	vst v33;
	v29 =	vld.idx.msk [tilespmem:v29+s28+$0x0], $0xffff  }
0x2a9: {  	v33 =	vld.idx.msk [tilespmem:v35+s28+$0x0], $0xffff;
	[tilespmem:s7+$0xF0] =	vst v31;
	v31 =	vor.u32 v8, v18  }
0x2aa: {  	v26 =	vld.idx.msk [tilespmem:v26+s28+$0x0], $0xffff;
	[tilespmem:s7+$0x170] =	vst v28;
	v28 =	vor.u32 v10, v24  }
0x2ab: {  	v35 =	vld.idx.msk [tilespmem:v36+s28+$0x0], $0xffff;
	[tilespmem:s7+$0x1F0] =	vst v32;
	v32 =	vor.u32 v8, v17  }
0x2ac: {  	v36 =	vor.u32 v8, v16;
	v30 =	vld.idx.msk [tilespmem:v30+s28+$0x0], $0xffff;
	[tilespmem:s7+$0x270] =	vst v34  }
0x2ad: {  	v34 =	vor.u32 v9, v23;
	v20 =	vld.idx.msk [tilespmem:v20+s28+$0x0], $0xffff;
	[tilespmem:s7+$0x2F0] =	vst v25  }
0x2ae: {  	v25 =	vor.u32 v9, v22;
	v31 =	vld.idx.msk [tilespmem:v31+s28+$0x0], $0xffff;
	[tilespmem:s7+$0x790] =	vst v29  }
0x2af: {  	v29 =	vor.u32 v9, v21;
	[tilespmem:s7+$0x370] =	vst v27;
	v27 =	vld.idx.msk [tilespmem:v28+s28+$0x0], $0xffff  }
0x2b0: {  	v28 =	vor.u32 v9, v19;
	[tilespmem:s7+$0x70] =	vst v33;
	v32 =	vld.idx.msk [tilespmem:v32+s28+$0x0], $0xffff  }
0x2b1: {  	v33 =	vld.idx.msk [tilespmem:v36+s28+$0x0], $0xffff;
	[tilespmem:s7+$0x480] =	vst v26;
	v26 =	vor.u32 v11, v24  }
0x2b2: {  	v34 =	vld.idx.msk [tilespmem:v34+s28+$0x0], $0xffff;
	[tilespmem:s7+$0x500] =	vst v35;
	v35 =	vor.u32 v9, v18  }
0x2b3: {  	v25 =	vld.idx.msk [tilespmem:v25+s28+$0x0], $0xffff;
	[tilespmem:s7+$0x580] =	vst v30;
	v30 =	vor.u32 v9, v17  }
0x2b4: {  	v36 =	vor.u32 v9, v16;
	v29 =	vld.idx.msk [tilespmem:v29+s28+$0x0], $0xffff;
	[tilespmem:s7+$0x600] =	vst v20  }
0x2b5: {  	v20 =	vor.u32 v10, v23;
	v28 =	vld.idx.msk [tilespmem:v28+s28+$0x0], $0xffff;
	[tilespmem:s7+$0x7A0] =	vst v27  }
0x2b6: {  	v27 =	vor.u32 v10, v22;
	[tilespmem:s7+$0x680] =	vst v31;
	v26 =	vld.idx.msk [tilespmem:v26+s28+$0x0], $0xffff  }
0x2b7: {  	v31 =	vor.u32 v10, v21;
	v35 =	vld.idx.msk [tilespmem:v35+s28+$0x0], $0xffff;
	[tilespmem:s7+$0x700] =	vst v32  }
0x2b8: {  	v32 =	vor.u32 v12, v24;
	[tilespmem:s7+$0x400] =	vst v33;
	v30 =	vld.idx.msk [tilespmem:v30+s28+$0x0], $0xffff  }
0x2b9: {  	v33 =	vld.idx.msk [tilespmem:v36+s28+$0x0], $0xffff;
	[tilespmem:s7+$0x490] =	vst v34;
	v34 =	vor.u32 v10, v19  }
0x2ba: {  	v20 =	vld.idx.msk [tilespmem:v20+s28+$0x0], $0xffff;
	[tilespmem:s7+$0x510] =	vst v25;
	v25 =	vor.u32 v10, v18  }
0x2bb: {  	v27 =	vld.idx.msk [tilespmem:v27+s28+$0x0], $0xffff;
	[tilespmem:s7+$0x590] =	vst v29;
	v29 =	vor.u32 v10, v17  }
0x2bc: {  	v36 =	vor.u32 v10, v16;
	v31 =	vld.idx.msk [tilespmem:v31+s28+$0x0], $0xffff;
	[tilespmem:s7+$0x7B0] =	vst v26  }
0x2bd: {  	v26 =	vor.u32 v11, v23;
	[tilespmem:s7+$0x610] =	vst v28;
	v28 =	vld.idx.msk [tilespmem:v32+s28+$0x0], $0xffff  }
0x2be: {  	v32 =	vor.u32 v11, v22;
	v34 =	vld.idx.msk [tilespmem:v34+s28+$0x0], $0xffff;
	[tilespmem:s7+$0x690] =	vst v35  }
0x2bf: {  	v25 =	vld.idx.msk [tilespmem:v25+s28+$0x0], $0xffff;
	[tilespmem:s7+$0x710] =	vst v30;
	v30 =	vor.u32 v13, v24  }
0x2c0: {  	[tilespmem:s7+$0x410] =	vst v33;
	v33 =	vor.u32 v11, v21;
	v29 =	vld.idx.msk [tilespmem:v29+s28+$0x0], $0xffff  }
0x2c1: {  	v35 =	vld.idx.msk [tilespmem:v36+s28+$0x0], $0xffff;
	[tilespmem:s7+$0x4A0] =	vst v20;
	v20 =	vor.u32 v11, v19  }
0x2c2: {  	v26 =	vld.idx.msk [tilespmem:v26+s28+$0x0], $0xffff;
	[tilespmem:s7+$0x520] =	vst v27;
	v27 =	vor.u32 v11, v18  }
0x2c3: {  	v36 =	vor.u32 v11, v17;
	v32 =	vld.idx.msk [tilespmem:v32+s28+$0x0], $0xffff;
	[tilespmem:s7+$0x7C0] =	vst v28  }
0x2c4: {  	v28 =	vor.u32 v11, v16;
	[tilespmem:s7+$0x5A0] =	vst v31;
	v30 =	vld.idx.msk [tilespmem:v30+s28+$0x0], $0xffff  }
0x2c5: {  	v31 =	vor.u32 v12, v23;
	v33 =	vld.idx.msk [tilespmem:v33+s28+$0x0], $0xffff;
	[tilespmem:s7+$0x620] =	vst v34  }
0x2c6: {  	v20 =	vld.idx.msk [tilespmem:v20+s28+$0x0], $0xffff;
	[tilespmem:s7+$0x6A0] =	vst v25;
	v25 =	vor.u32 v14, v24  }
0x2c7: {  	v34 =	vor.u32 v12, v22;
	v27 =	vld.idx.msk [tilespmem:v27+s28+$0x0], $0xffff;
	[tilespmem:s7+$0x720] =	vst v29  }
0x2c8: {  	v29 =	vor.u32 v12, v21;
	[tilespmem:s7+$0x420] =	vst v35;
	v35 =	vld.idx.msk [tilespmem:v36+s28+$0x0], $0xffff  }
0x2c9: {  	v28 =	vld.idx.msk [tilespmem:v28+s28+$0x0], $0xffff;
	[tilespmem:s7+$0x4B0] =	vst v26;
	v26 =	vor.u32 v12, v19  }
0x2ca: {  	v36 =	vor.u32 v12, v18;
	v31 =	vld.idx.msk [tilespmem:v31+s28+$0x0], $0xffff;
	[tilespmem:s7+$0x7D0] =	vst v30  }
0x2cb: {  	v30 =	vor.u32 v12, v17;
	[tilespmem:s7+$0x530] =	vst v32;
	v25 =	vld.idx.msk [tilespmem:v25+s28+$0x0], $0xffff  }
0x2cc: {  	v32 =	vor.u32 v12, v16;
	v34 =	vld.idx.msk [tilespmem:v34+s28+$0x0], $0xffff;
	[tilespmem:s7+$0x5B0] =	vst v33  }
0x2cd: {  	v24 =	vor.u32 v15, v24;
	v29 =	vld.idx.msk [tilespmem:v29+s28+$0x0], $0xffff;
	[tilespmem:s7+$0x630] =	vst v20  }
0x2ce: {  	v33 =	vor.u32 v13, v23;
	v26 =	vld.idx.msk [tilespmem:v26+s28+$0x0], $0xffff;
	[tilespmem:s7+$0x6B0] =	vst v27  }
0x2cf: {  	v27 =	vor.u32 v13, v22;
	v36 =	vld.idx.msk [tilespmem:v36+s28+$0x0], $0xffff;
	[tilespmem:s7+$0x730] =	vst v35  }
0x2d0: {  	v20 =	vmov s31;
	[tilespmem:s7+$0x430] =	vst v28;
	v28 =	vor.u32 v13, v21;
	v30 =	vld.idx.msk [tilespmem:v30+s28+$0x0], $0xffff  }
0x2d1: {  	v20 =	vand.u32 $0x78, v20;
	v35 =	vor.u32 v13, v19;
	v32 =	vld.idx.msk [tilespmem:v32+s28+$0x0], $0xffff;
	[tilespmem:s7+$0x7E0] =	vst v25  }
0x2d2: {  	v20 =	vbroadcast v20, $0x0;
	v25 =	vor.u32 v13, v18;
	[tilespmem:s7+$0x4C0] =	vst v31;
	v24 =	vld.idx.msk [tilespmem:v24+s28+$0x0], $0xffff  }
0x2d3: {  	v31 =	vld.idx.msk [tilespmem:v33+s28+$0x0], $0xffff;
	[tilespmem:s7+$0x540] =	vst v34;
	v33 =	vor.u32 v13, v17  }
0x2d4: {  	v34 =	vor.u32 v0, v20;
	v27 =	vld.idx.msk [tilespmem:v27+s28+$0x0], $0xffff;
	[tilespmem:s7+$0x5C0] =	vst v29  }
0x2d5: {  	v29 =	vor.u32 v13, v16;
	v28 =	vld.idx.msk [tilespmem:v28+s28+$0x0], $0xffff;
	[tilespmem:s7+$0x640] =	vst v26  }
0x2d6: {  	v26 =	vor.u32 v14, v23;
	v35 =	vld.idx.msk [tilespmem:v35+s28+$0x0], $0xffff;
	[tilespmem:s7+$0x6C0] =	vst v36  }
0x2d7: {  	v37 =	vor.u32 v14, v22;
	v38 =	vld.idx.msk [tilespmem:v25+s28+$0x0], $0xffff;
	[tilespmem:s7+$0x740] =	vst v30  }
0x2d8: {  	v39 =	vor.u32 v14, v21;
	v40 =	vld.idx.msk [tilespmem:v33+s28+$0x0], $0xffff;
	[tilespmem:s7+$0x7F0] =	vst v24  }
0x2d9: {  	v25 =	vld.idx.msk [tilespmem:v34+s28+$0x0], $0xffff;
	[tilespmem:s7+$0x440] =	vst v32;
	v34 =	vor.u32 v14, v19  }
0x2da: {  	v41 =	vor.u32 v14, v18;
	v32 =	vld.idx.msk [tilespmem:v29+s28+$0x0], $0xffff;
	[tilespmem:s7+$0x4D0] =	vst v31  }
.Ltmp1:
0x2db: {  	v36 =	vor.u32 v14, v17;
	v24 =	vld.idx.msk [tilespmem:v26+s28+$0x0], $0xffff;
	[tilespmem:s7+$0x550] =	vst v27;
	(pc) =	sbr.rel @p0 .LBB2_5-.Ltmp1, $4  }
0x2dc: {  	v33 =	vor.u32 v14, v16;
	v27 =	vld.idx.msk [tilespmem:v37+s28+$0x0], $0xffff;
	[tilespmem:s7+$0x5D0] =	vst v28  }
0x2dd: {  	s1 =	sadd.s32 $0x2, s31;
	s0 =	sadd.s32 $0x1, s31;
	v30 =	vor.u32 v15, v23;
	v28 =	vld.idx.msk [tilespmem:v39+s28+$0x0], $0xffff;
	[tilespmem:s7+$0x650] =	vst v35  }
0x2de: {  	v22 =	vor.u32 v15, v22;
	v23 =	vmov s0;
	s0 =	sadd.s32 $0x3, s31;
	v31 =	vmov s1;
	s1 =	sadd.s32 $0x4, s31;
	v29 =	vld.idx.msk [tilespmem:v34+s28+$0x0], $0xffff;
	[tilespmem:s7+$0x6D0] =	vst v38  }
0x2df: {  	v21 =	vor.u32 v15, v21;
	s31 =	sadd.s32 $0x8, s31;
	v26 =	vmov s1;
	s1 =	sadd.s32 $0x7, s29;
	v34 =	vmov s0;
	s0 =	sadd.s32 $0x5, s29;
	v35 =	vld.idx.msk [tilespmem:v41+s28+$0x0], $0xffff;
	[tilespmem:s7+$0x750] =	vst v40  }
0x2e0: {  	_ =	sdelay $0x1  }
0x2e1: {  	[tilespmem:s7+$0x450] =	vst v32  }
0x2e2: {  	[tilespmem:s7+$0x4E0] =	vst v24  }
0x2e3: {  	v19 =	vor.u32 v15, v19;
	v36 =	vld.idx.msk [tilespmem:v36+s28+$0x0], $0xffff;
	s8 =	sadd.s32 $0x800, s7;
	[tilespmem:s7+$0x560] =	vst v27  }
0x2e4: {  	v60 =	vmov s0;
	v38 =	vor.u32 v15, v18;
	v62 =	vand.u32 $0x79, v23;
	v33 =	vld.idx.msk [tilespmem:v33+s28+$0x0], $0xffff;
	[tilespmem:s8+$0x0] =	vst v25  }
0x2e5: {  	v40 =	vor.u32 v15, v17;
	v41 =	vand.u32 $0x7A, v31;
	v63 =	vld.idx.msk [tilespmem:v30+s28+$0x0], $0xffff;
	v17 =	vbroadcast v62, $0x0;
	[tilespmem:s7+$0x5E0] =	vst v28  }
0x2e6: {  	v42 =	vor.u32 v15, v16;
	v44 =	vand.u32 $0x7B, v34;
	v16 =	vbroadcast v41, $0x0;
	v43 =	vld.idx.msk [tilespmem:v22+s28+$0x0], $0xffff;
	[tilespmem:s7+$0x660] =	vst v29  }
0x2e7: {  	s31 =	sadd.s32 $0x6, s29;
	v37 =	vmov s1;
	v18 =	vbroadcast v44, $0x0;
	v46 =	vld.idx.msk [tilespmem:v21+s28+$0x0], $0xffff;
	v47 =	vor.u32 v0, v17;
	[tilespmem:s7+$0x6E0] =	vst v35  }
0x2e8: {  	v61 =	vmov s31;
	v37 =	vand.u32 $0x7F, v37;
	v50 =	vor.u32 v0, v16;
	v49 =	vld.idx.msk [tilespmem:v19+s28+$0x0], $0xffff;
	[tilespmem:s7+$0x760] =	vst v36  }
0x2e9: {  	v51 =	vand.u32 $0x7D, v60;
	v23 =	vbroadcast v37, $0x0;
	v53 =	vor.u32 v0, v18;
	v52 =	vld.idx.msk [tilespmem:v38+s28+$0x0], $0xffff;
	[tilespmem:s7+$0x460] =	vst v33  }
0x2ea: {  	v44 =	vor.u32 v1, v20;
	v54 =	vand.u32 $0x7E, v61;
	v21 =	vbroadcast v51, $0x0;
	v55 =	vld.idx.msk [tilespmem:v40+s28+$0x0], $0xffff;
	[tilespmem:s7+$0x4F0] =	vst v63  }
0x2eb: {  	v48 =	vand.u32 $0x7C, v26;
	v22 =	vbroadcast v54, $0x0;
	v45 =	vor.u32 v0, v23;
	v28 =	vld.idx.msk [tilespmem:v42+s28+$0x0], $0xffff;
	[tilespmem:s7+$0x570] =	vst v43  }
0x2ec: {  	v19 =	vbroadcast v48, $0x0;
	v57 =	vor.u32 v0, v21;
	[tilespmem:s7+$0x5F0] =	vst v46;
	v58 =	vld.idx.msk [tilespmem:v47+s28+$0x0], $0xffff  }
0x2ed: {  	v59 =	vor.u32 v0, v22;
	v60 =	vld.idx.msk [tilespmem:v50+s28+$0x0], $0xffff;
	[tilespmem:s7+$0x670] =	vst v49  }
0x2ee: {  	v56 =	vor.u32 v0, v19;
	v62 =	vld.idx.msk [tilespmem:v53+s28+$0x0], $0xffff;
	[tilespmem:s7+$0x6F0] =	vst v52  }
0x2ef: {  	v63 =	vor.u32 v1, v17;
	v50 =	vld.idx.msk [tilespmem:v44+s28+$0x0], $0xffff;
	[tilespmem:s7+$0x770] =	vst v55  }
0x2f0: {  	v36 =	vor.u32 v1, v16;
	v29 =	vld.idx.msk [tilespmem:v45+s28+$0x0], $0xffff;
	[tilespmem:s7+$0x470] =	vst v28  }
0x2f1: {  	v37 =	vor.u32 v1, v18;
	v30 =	vld.idx.msk [tilespmem:v57+s28+$0x0], $0xffff;
	[tilespmem:s8+$0x80] =	vst v58  }
0x2f2: {  	v61 =	vor.u32 v1, v23;
	v38 =	vld.idx.msk [tilespmem:v59+s28+$0x0], $0xffff;
	[tilespmem:s8+$0x100] =	vst v60  }
0x2f3: {  	v41 =	vor.u32 v1, v21;
	v27 =	vld.idx.msk [tilespmem:v56+s28+$0x0], $0xffff;
	[tilespmem:s8+$0x180] =	vst v62  }
0x2f4: {  	v43 =	vor.u32 v1, v22;
	[tilespmem:s8+$0x10] =	vst v50;
	v24 =	vld.idx.msk [tilespmem:v63+s28+$0x0], $0xffff  }
0x2f5: {  	v39 =	vor.u32 v1, v19;
	[tilespmem:s8+$0x380] =	vst v29;
	v28 =	vld.idx.msk [tilespmem:v36+s28+$0x0], $0xffff  }
0x2f6: {  	v45 =	vor.u32 v2, v17;
	v29 =	vld.idx.msk [tilespmem:v37+s28+$0x0], $0xffff;
	[tilespmem:s8+$0x280] =	vst v30  }
0x2f7: {  	v46 =	vor.u32 v2, v16;
	v40 =	vld.idx.msk [tilespmem:v61+s28+$0x0], $0xffff;
	[tilespmem:s8+$0x300] =	vst v38  }
0x2f8: {  	v47 =	vor.u32 v2, v18;
	v26 =	vld.idx.msk [tilespmem:v41+s28+$0x0], $0xffff;
	[tilespmem:s8+$0x200] =	vst v27  }
0x2f9: {  	v42 =	vor.u32 v2, v23;
	v48 =	vld.idx.msk [tilespmem:v43+s28+$0x0], $0xffff;
	[tilespmem:s8+$0x90] =	vst v24  }
0x2fa: {  	v55 =	vor.u32 v2, v20;
	v31 =	vld.idx.msk [tilespmem:v39+s28+$0x0], $0xffff;
	[tilespmem:s8+$0x110] =	vst v28  }
0x2fb: {  	v52 =	vor.u32 v2, v21;
	[tilespmem:s8+$0x190] =	vst v29;
	v33 =	vld.idx.msk [tilespmem:v45+s28+$0x0], $0xffff  }
0x2fc: {  	v54 =	vor.u32 v2, v22;
	[tilespmem:s8+$0x390] =	vst v40;
	v53 =	vld.idx.msk [tilespmem:v46+s28+$0x0], $0xffff  }
0x2fd: {  	v49 =	vor.u32 v2, v19;
	v25 =	vld.idx.msk [tilespmem:v47+s28+$0x0], $0xffff;
	[tilespmem:s8+$0x290] =	vst v26  }
0x2fe: {  	v56 =	vor.u32 v3, v17;
	v32 =	vld.idx.msk [tilespmem:v42+s28+$0x0], $0xffff;
	[tilespmem:s8+$0x310] =	vst v48  }
0x2ff: {  	v57 =	vor.u32 v3, v16;
	v26 =	vld.idx.msk [tilespmem:v55+s28+$0x0], $0xffff;
	[tilespmem:s8+$0x210] =	vst v31  }
0x300: {  	v59 =	vor.u32 v3, v18;
	v58 =	vld.idx.msk [tilespmem:v52+s28+$0x0], $0xffff;
	[tilespmem:s8+$0xA0] =	vst v33  }
0x301: {  	v51 =	vor.u32 v3, v23;
	v60 =	vld.idx.msk [tilespmem:v54+s28+$0x0], $0xffff;
	[tilespmem:s8+$0x120] =	vst v53  }
0x302: {  	v38 =	vor.u32 v3, v20;
	v27 =	vld.idx.msk [tilespmem:v49+s28+$0x0], $0xffff;
	[tilespmem:s8+$0x1A0] =	vst v25  }
0x303: {  	v36 =	vor.u32 v3, v21;
	[tilespmem:s8+$0x3A0] =	vst v32;
	v63 =	vld.idx.msk [tilespmem:v56+s28+$0x0], $0xffff  }
0x304: {  	v37 =	vor.u32 v3, v22;
	v24 =	vld.idx.msk [tilespmem:v57+s28+$0x0], $0xffff;
	[tilespmem:s8+$0x20] =	vst v26  }
0x305: {  	v62 =	vor.u32 v3, v19;
	v29 =	vld.idx.msk [tilespmem:v59+s28+$0x0], $0xffff;
	[tilespmem:s8+$0x2A0] =	vst v58  }
0x306: {  	v39 =	vor.u32 v4, v17;
	v30 =	vld.idx.msk [tilespmem:v51+s28+$0x0], $0xffff;
	[tilespmem:s8+$0x320] =	vst v60  }
0x307: {  	v40 =	vor.u32 v4, v16;
	v44 =	vld.idx.msk [tilespmem:v38+s28+$0x0], $0xffff;
	[tilespmem:s8+$0x220] =	vst v27  }
0x308: {  	v61 =	vor.u32 v4, v23;
	v41 =	vld.idx.msk [tilespmem:v36+s28+$0x0], $0xffff;
	[tilespmem:s8+$0xB0] =	vst v63  }
0x309: {  	v43 =	vor.u32 v4, v18;
	v27 =	vld.idx.msk [tilespmem:v37+s28+$0x0], $0xffff;
	[tilespmem:s8+$0x130] =	vst v24  }
0x30a: {  	v46 =	vor.u32 v4, v21;
	v31 =	vld.idx.msk [tilespmem:v62+s28+$0x0], $0xffff;
	[tilespmem:s8+$0x1B0] =	vst v29  }
0x30b: {  	v48 =	vor.u32 v4, v20;
	[tilespmem:s8+$0x3B0] =	vst v30;
	v28 =	vld.idx.msk [tilespmem:v39+s28+$0x0], $0xffff  }
0x30c: {  	v45 =	vor.u32 v4, v19;
	v33 =	vld.idx.msk [tilespmem:v40+s28+$0x0], $0xffff;
	[tilespmem:s8+$0x30] =	vst v44  }
0x30d: {  	v47 =	vor.u32 v4, v22;
	v34 =	vld.idx.msk [tilespmem:v61+s28+$0x0], $0xffff;
	[tilespmem:s8+$0x2B0] =	vst v41  }
0x30e: {  	v49 =	vor.u32 v5, v17;
	v25 =	vld.idx.msk [tilespmem:v43+s28+$0x0], $0xffff;
	[tilespmem:s8+$0x330] =	vst v27  }
0x30f: {  	v42 =	vor.u32 v5, v23;
	v29 =	vld.idx.msk [tilespmem:v46+s28+$0x0], $0xffff;
	[tilespmem:s8+$0x230] =	vst v31  }
0x310: {  	v52 =	vor.u32 v5, v16;
	v31 =	vld.idx.msk [tilespmem:v48+s28+$0x0], $0xffff;
	[tilespmem:s8+$0xC0] =	vst v28  }
0x311: {  	v53 =	vor.u32 v5, v18;
	v50 =	vld.idx.msk [tilespmem:v45+s28+$0x0], $0xffff;
	[tilespmem:s8+$0x140] =	vst v33  }
0x312: {  	v57 =	vor.u32 v5, v20;
	[tilespmem:s8+$0x3C0] =	vst v34;
	v34 =	vld.idx.msk [tilespmem:v47+s28+$0x0], $0xffff  }
0x313: {  	v54 =	vor.u32 v5, v19;
	[tilespmem:s8+$0x1C0] =	vst v25;
	v26 =	vld.idx.msk [tilespmem:v49+s28+$0x0], $0xffff  }
0x314: {  	v55 =	vor.u32 v5, v21;
	v32 =	vld.idx.msk [tilespmem:v42+s28+$0x0], $0xffff;
	[tilespmem:s8+$0x2C0] =	vst v29  }
0x315: {  	v56 =	vor.u32 v5, v22;
	v24 =	vld.idx.msk [tilespmem:v52+s28+$0x0], $0xffff;
	[tilespmem:s8+$0x40] =	vst v31  }
0x316: {  	v51 =	vor.u32 v6, v23;
	v28 =	vld.idx.msk [tilespmem:v53+s28+$0x0], $0xffff;
	[tilespmem:s8+$0x240] =	vst v50  }
0x317: {  	v59 =	vor.u32 v6, v17;
	v27 =	vld.idx.msk [tilespmem:v57+s28+$0x0], $0xffff;
	[tilespmem:s8+$0x340] =	vst v34  }
0x318: {  	v60 =	vor.u32 v6, v16;
	v33 =	vld.idx.msk [tilespmem:v54+s28+$0x0], $0xffff;
	[tilespmem:s8+$0xD0] =	vst v26  }
0x319: {  	v61 =	vor.u32 v6, v18;
	[tilespmem:s8+$0x3D0] =	vst v32;
	v32 =	vld.idx.msk [tilespmem:v55+s28+$0x0], $0xffff  }
0x31a: {  	v39 =	vor.u32 v6, v20;
	[tilespmem:s8+$0x150] =	vst v24;
	v25 =	vld.idx.msk [tilespmem:v56+s28+$0x0], $0xffff  }
0x31b: {  	v62 =	vor.u32 v6, v19;
	[tilespmem:s8+$0x1D0] =	vst v28;
	v30 =	vld.idx.msk [tilespmem:v51+s28+$0x0], $0xffff  }
0x31c: {  	v63 =	vor.u32 v6, v21;
	v36 =	vld.idx.msk [tilespmem:v59+s28+$0x0], $0xffff;
	[tilespmem:s8+$0x50] =	vst v27  }
0x31d: {  	v58 =	vor.u32 v7, v23;
	v31 =	vld.idx.msk [tilespmem:v60+s28+$0x0], $0xffff;
	[tilespmem:s8+$0x250] =	vst v33  }
0x31e: {  	v37 =	vor.u32 v6, v22;
	v26 =	vld.idx.msk [tilespmem:v61+s28+$0x0], $0xffff;
	[tilespmem:s8+$0x2D0] =	vst v32  }
0x31f: {  	v40 =	vor.u32 v7, v17;
	v44 =	vld.idx.msk [tilespmem:v39+s28+$0x0], $0xffff;
	[tilespmem:s8+$0x350] =	vst v25  }
0x320: {  	v41 =	vor.u32 v7, v16;
	[tilespmem:s8+$0x3E0] =	vst v30;
	v30 =	vld.idx.msk [tilespmem:v62+s28+$0x0], $0xffff  }
0x321: {  	v48 =	vor.u32 v7, v20;
	[tilespmem:s8+$0xE0] =	vst v36;
	v24 =	vld.idx.msk [tilespmem:v63+s28+$0x0], $0xffff  }
0x322: {  	v42 =	vor.u32 v7, v18;
	[tilespmem:s8+$0x160] =	vst v31;
	v29 =	vld.idx.msk [tilespmem:v58+s28+$0x0], $0xffff  }
0x323: {  	v43 =	vor.u32 v7, v19;
	[tilespmem:s8+$0x1E0] =	vst v26;
	v34 =	vld.idx.msk [tilespmem:v37+s28+$0x0], $0xffff  }
0x324: {  	v45 =	vor.u32 v7, v21;
	v25 =	vld.idx.msk [tilespmem:v40+s28+$0x0], $0xffff;
	[tilespmem:s8+$0x60] =	vst v44  }
0x325: {  	v47 =	vor.u32 v7, v22;
	v27 =	vld.idx.msk [tilespmem:v41+s28+$0x0], $0xffff;
	[tilespmem:s8+$0x260] =	vst v30  }
0x326: {  	v38 =	vor.u32 v8, v23;
	[tilespmem:s8+$0x2E0] =	vst v24;
	v24 =	vld.idx.msk [tilespmem:v48+s28+$0x0], $0xffff  }
0x327: {  	v49 =	vor.u32 v8, v17;
	[tilespmem:s8+$0x3F0] =	vst v29;
	v29 =	vld.idx.msk [tilespmem:v42+s28+$0x0], $0xffff  }
0x328: {  	v50 =	vor.u32 v8, v16;
	[tilespmem:s8+$0x360] =	vst v34;
	v28 =	vld.idx.msk [tilespmem:v43+s28+$0x0], $0xffff  }
0x329: {  	v58 =	vor.u32 v8, v20;
	[tilespmem:s8+$0xF0] =	vst v25;
	v32 =	vld.idx.msk [tilespmem:v45+s28+$0x0], $0xffff  }
0x32a: {  	v51 =	vor.u32 v8, v18;
	[tilespmem:s8+$0x170] =	vst v27;
	v52 =	vld.idx.msk [tilespmem:v47+s28+$0x0], $0xffff  }
0x32b: {  	v53 =	vor.u32 v8, v19;
	v33 =	vld.idx.msk [tilespmem:v38+s28+$0x0], $0xffff;
	[tilespmem:s8+$0x70] =	vst v24  }
0x32c: {  	v46 =	vor.u32 v9, v23;
	v34 =	vld.idx.msk [tilespmem:v49+s28+$0x0], $0xffff;
	[tilespmem:s8+$0x1F0] =	vst v29  }
0x32d: {  	v55 =	vor.u32 v8, v21;
	v56 =	vld.idx.msk [tilespmem:v50+s28+$0x0], $0xffff;
	[tilespmem:s8+$0x270] =	vst v28  }
0x32e: {  	v57 =	vor.u32 v8, v22;
	[tilespmem:s8+$0x2F0] =	vst v32;
	v32 =	vld.idx.msk [tilespmem:v58+s28+$0x0], $0xffff  }
0x32f: {  	v60 =	vor.u32 v9, v16;
	[tilespmem:s8+$0x370] =	vst v52;
	v31 =	vld.idx.msk [tilespmem:v51+s28+$0x0], $0xffff  }
0x330: {  	v39 =	vor.u32 v9, v20;
	[tilespmem:s8+$0x780] =	vst v33;
	v30 =	vld.idx.msk [tilespmem:v53+s28+$0x0], $0xffff  }
0x331: {  	v59 =	vor.u32 v9, v17;
	[tilespmem:s8+$0x480] =	vst v34;
	v26 =	vld.idx.msk [tilespmem:v46+s28+$0x0], $0xffff  }
0x332: {  	v62 =	vor.u32 v9, v18;
	[tilespmem:s8+$0x500] =	vst v56;
	v61 =	vld.idx.msk [tilespmem:v55+s28+$0x0], $0xffff  }
0x333: {  	v36 =	vor.u32 v9, v19;
	v33 =	vld.idx.msk [tilespmem:v57+s28+$0x0], $0xffff;
	[tilespmem:s8+$0x400] =	vst v32  }
0x334: {  	v37 =	vor.u32 v9, v21;
	v25 =	vld.idx.msk [tilespmem:v60+s28+$0x0], $0xffff;
	[tilespmem:s8+$0x580] =	vst v31  }
0x335: {  	v54 =	vor.u32 v10, v23;
	[tilespmem:s8+$0x600] =	vst v30;
	v44 =	vld.idx.msk [tilespmem:v39+s28+$0x0], $0xffff  }
0x336: {  	v38 =	vor.u32 v9, v22;
	[tilespmem:s8+$0x790] =	vst v26;
	v26 =	vld.idx.msk [tilespmem:v59+s28+$0x0], $0xffff  }
0x337: {  	v41 =	vor.u32 v10, v16;
	[tilespmem:s8+$0x680] =	vst v61;
	v29 =	vld.idx.msk [tilespmem:v62+s28+$0x0], $0xffff  }
0x338: {  	v48 =	vor.u32 v10, v20;
	[tilespmem:s8+$0x700] =	vst v33;
	v28 =	vld.idx.msk [tilespmem:v36+s28+$0x0], $0xffff  }
0x339: {  	v40 =	vor.u32 v10, v17;
	[tilespmem:s8+$0x510] =	vst v25;
	v31 =	vld.idx.msk [tilespmem:v37+s28+$0x0], $0xffff  }
0x33a: {  	v45 =	vor.u32 v10, v19;
	v27 =	vld.idx.msk [tilespmem:v54+s28+$0x0], $0xffff;
	[tilespmem:s8+$0x410] =	vst v44  }
0x33b: {  	v63 =	vor.u32 v11, v23;
	v30 =	vld.idx.msk [tilespmem:v38+s28+$0x0], $0xffff;
	[tilespmem:s8+$0x490] =	vst v26  }
0x33c: {  	v43 =	vor.u32 v10, v18;
	v33 =	vld.idx.msk [tilespmem:v41+s28+$0x0], $0xffff;
	[tilespmem:s8+$0x590] =	vst v29  }
0x33d: {  	v46 =	vor.u32 v10, v21;
	[tilespmem:s8+$0x610] =	vst v28;
	v28 =	vld.idx.msk [tilespmem:v48+s28+$0x0], $0xffff  }
0x33e: {  	v51 =	vor.u32 v11, v16;
	[tilespmem:s8+$0x690] =	vst v31;
	v24 =	vld.idx.msk [tilespmem:v40+s28+$0x0], $0xffff  }
0x33f: {  	v56 =	vor.u32 v11, v20;
	[tilespmem:s8+$0x7A0] =	vst v27;
	v27 =	vld.idx.msk [tilespmem:v45+s28+$0x0], $0xffff  }
0x340: {  	v47 =	vor.u32 v10, v22;
	[tilespmem:s8+$0x710] =	vst v30;
	v34 =	vld.idx.msk [tilespmem:v63+s28+$0x0], $0xffff  }
0x341: {  	v49 =	vor.u32 v11, v17;
	[tilespmem:s8+$0x520] =	vst v33;
	v26 =	vld.idx.msk [tilespmem:v43+s28+$0x0], $0xffff  }
0x342: {  	v42 =	vor.u32 v12, v23;
	v29 =	vld.idx.msk [tilespmem:v46+s28+$0x0], $0xffff;
	[tilespmem:s8+$0x420] =	vst v28  }
0x343: {  	v52 =	vor.u32 v11, v18;
	v25 =	vld.idx.msk [tilespmem:v51+s28+$0x0], $0xffff;
	[tilespmem:s8+$0x4A0] =	vst v24  }
0x344: {  	v53 =	vor.u32 v11, v19;
	[tilespmem:s8+$0x620] =	vst v27;
	v27 =	vld.idx.msk [tilespmem:v56+s28+$0x0], $0xffff  }
0x345: {  	v59 =	vor.u32 v12, v16;
	[tilespmem:s8+$0x7B0] =	vst v34;
	v34 =	vld.idx.msk [tilespmem:v47+s28+$0x0], $0xffff  }
0x346: {  	v37 =	vor.u32 v12, v20;
	[tilespmem:s8+$0x5A0] =	vst v26;
	v31 =	vld.idx.msk [tilespmem:v49+s28+$0x0], $0xffff  }
0x347: {  	v54 =	vor.u32 v11, v21;
	[tilespmem:s8+$0x6A0] =	vst v29;
	v32 =	vld.idx.msk [tilespmem:v42+s28+$0x0], $0xffff  }
0x348: {  	v55 =	vor.u32 v11, v22;
	[tilespmem:s8+$0x530] =	vst v25;
	v24 =	vld.idx.msk [tilespmem:v52+s28+$0x0], $0xffff  }
0x349: {  	v50 =	vor.u32 v13, v23;
	v33 =	vld.idx.msk [tilespmem:v53+s28+$0x0], $0xffff;
	[tilespmem:s8+$0x430] =	vst v27  }
0x34a: {  	v58 =	vor.u32 v12, v17;
	v28 =	vld.idx.msk [tilespmem:v59+s28+$0x0], $0xffff;
	[tilespmem:s8+$0x720] =	vst v34  }
0x34b: {  	v60 =	vor.u32 v12, v18;
	[tilespmem:s8+$0x4B0] =	vst v31;
	v43 =	vld.idx.msk [tilespmem:v37+s28+$0x0], $0xffff  }
0x34c: {  	v39 =	vor.u32 v13, v16;
	[tilespmem:s8+$0x7C0] =	vst v32;
	v32 =	vld.idx.msk [tilespmem:v54+s28+$0x0], $0xffff  }
0x34d: {  	v46 =	vor.u32 v13, v20;
	[tilespmem:s8+$0x5B0] =	vst v24;
	v26 =	vld.idx.msk [tilespmem:v55+s28+$0x0], $0xffff  }
0x34e: {  	v61 =	vor.u32 v12, v19;
	[tilespmem:s8+$0x630] =	vst v33;
	v30 =	vld.idx.msk [tilespmem:v50+s28+$0x0], $0xffff  }
0x34f: {  	v62 =	vor.u32 v12, v21;
	[tilespmem:s8+$0x540] =	vst v28;
	v63 =	vld.idx.msk [tilespmem:v58+s28+$0x0], $0xffff  }
0x350: {  	v36 =	vor.u32 v12, v22;
	v31 =	vld.idx.msk [tilespmem:v60+s28+$0x0], $0xffff;
	[tilespmem:s8+$0x440] =	vst v43  }
0x351: {  	v38 =	vor.u32 v13, v17;
	v27 =	vld.idx.msk [tilespmem:v39+s28+$0x0], $0xffff;
	[tilespmem:s8+$0x6B0] =	vst v32  }
0x352: {  	v40 =	vor.u32 v13, v18;
	[tilespmem:s8+$0x730] =	vst v26;
	v54 =	vld.idx.msk [tilespmem:v46+s28+$0x0], $0xffff  }
0x353: {  	v49 =	vor.u32 v14, v16;
	[tilespmem:s8+$0x7D0] =	vst v30;
	v30 =	vld.idx.msk [tilespmem:v61+s28+$0x0], $0xffff  }
0x354: {  	v57 =	vor.u32 v14, v23;
	[tilespmem:s8+$0x4C0] =	vst v63;
	v25 =	vld.idx.msk [tilespmem:v62+s28+$0x0], $0xffff  }
0x355: {  	v58 =	vor.u32 v14, v20;
	[tilespmem:s8+$0x5C0] =	vst v31;
	v41 =	vld.idx.msk [tilespmem:v36+s28+$0x0], $0xffff  }
0x356: {  	v42 =	vor.u32 v13, v19;
	[tilespmem:s8+$0x550] =	vst v27;
	v26 =	vld.idx.msk [tilespmem:v38+s28+$0x0], $0xffff  }
0x357: {  	v48 =	vor.u32 v14, v17;
	v47 =	vld.idx.msk [tilespmem:v40+s28+$0x0], $0xffff;
	[tilespmem:s8+$0x450] =	vst v54  }
0x358: {  	v44 =	vor.u32 v13, v21;
	v33 =	vld.idx.msk [tilespmem:v49+s28+$0x0], $0xffff;
	[tilespmem:s8+$0x640] =	vst v30  }
0x359: {  	v45 =	vor.u32 v13, v22;
	v29 =	vld.idx.msk [tilespmem:v57+s28+$0x0], $0xffff;
	[tilespmem:s8+$0x6C0] =	vst v25  }
0x35a: {  	v51 =	vor.u32 v14, v18;
	[tilespmem:s8+$0x740] =	vst v41;
	v25 =	vld.idx.msk [tilespmem:v58+s28+$0x0], $0xffff  }
0x35b: {  	v16 =	vor.u32 v15, v16;
	[tilespmem:s8+$0x4D0] =	vst v26;
	v24 =	vld.idx.msk [tilespmem:v42+s28+$0x0], $0xffff  }
0x35c: {  	v53 =	vor.u32 v14, v19;
	[tilespmem:s8+$0x5D0] =	vst v47;
	v56 =	vld.idx.msk [tilespmem:v48+s28+$0x0], $0xffff  }
0x35d: {  	v17 =	vor.u32 v15, v17;
	[tilespmem:s8+$0x560] =	vst v33;
	v50 =	vld.idx.msk [tilespmem:v44+s28+$0x0], $0xffff  }
0x35e: {  	v55 =	vor.u32 v14, v21;
	[tilespmem:s8+$0x7E0] =	vst v29;
	v52 =	vld.idx.msk [tilespmem:v45+s28+$0x0], $0xffff  }
0x35f: {  	v57 =	vor.u32 v14, v22;
	v59 =	vld.idx.msk [tilespmem:v51+s28+$0x0], $0xffff;
	[tilespmem:s8+$0x460] =	vst v25  }
0x360: {  	v23 =	vor.u32 v15, v23;
	v16 =	vld.idx.msk [tilespmem:v16+s28+$0x0], $0xffff;
	[tilespmem:s8+$0x650] =	vst v24  }
0x361: {  	v18 =	vor.u32 v15, v18;
	[tilespmem:s8+$0x4E0] =	vst v56;
	v60 =	vld.idx.msk [tilespmem:v53+s28+$0x0], $0xffff  }
0x362: {  	v63 =	vor.u32 v15, v20;
	[tilespmem:s8+$0x6D0] =	vst v50;
	v17 =	vld.idx.msk [tilespmem:v17+s28+$0x0], $0xffff  }
0x363: {  	v19 =	vor.u32 v15, v19;
	[tilespmem:s8+$0x750] =	vst v52;
	v61 =	vld.idx.msk [tilespmem:v55+s28+$0x0], $0xffff  }
0x364: {  	v21 =	vor.u32 v15, v21;
	[tilespmem:s8+$0x5E0] =	vst v59;
	v62 =	vld.idx.msk [tilespmem:v57+s28+$0x0], $0xffff  }
0x365: {  	v22 =	vor.u32 v15, v22;
	v23 =	vld.idx.msk [tilespmem:v23+s28+$0x0], $0xffff;
	[tilespmem:s8+$0x570] =	vst v16  }
0x366: {  	v18 =	vld.idx.msk [tilespmem:v18+s28+$0x0], $0xffff;
	[tilespmem:s8+$0x660] =	vst v60  }
0x367: {  	[tilespmem:s8+$0x4F0] =	vst v17;
	v17 =	vld.idx.msk [tilespmem:v63+s28+$0x0], $0xffff  }
0x368: {  	[tilespmem:s8+$0x6E0] =	vst v61;
	v19 =	vld.idx.msk [tilespmem:v19+s28+$0x0], $0xffff  }
0x369: {  	[tilespmem:s8+$0x760] =	vst v62;
	v21 =	vld.idx.msk [tilespmem:v21+s28+$0x0], $0xffff  }
0x36a: {  	[tilespmem:s8+$0x7F0] =	vst v23;
	v22 =	vld.idx.msk [tilespmem:v22+s28+$0x0], $0xffff  }
0x36b: {  	s24 =	sadd.s32 s3, s20;
	[tilespmem:s8+$0x5F0] =	vst v18  }
0x36c: {  	s29 =	sshll.u32 s24, $0x8;
	s0 =	sshll.u32 s24, $0xB;
	[tilespmem:s8+$0x470] =	vst v17  }
0x36d: {  	s1 =	sand.u32 $0x3F00, s29;
	s0 =	sand.u32 $0xFFE0000, s0;
	[tilespmem:s8+$0x670] =	vst v19  }
0x36e: {  	s0 =	sor.u32 s1, s0;
	[tilespmem:s8+$0x6F0] =	vst v21  }
0x36f: {  	s31 =	simm.s32 $0x14200;
	s1 =	sadd.s32 s4, s0;
	[tilespmem:s8+$0x770] =	vst v22  }
0x370: {  	[hbm4b:s1+s5] =	stream.linear.scatter [tilespmem:s31], [sflag:$0x3], $0x800, $0x38;
	[tilespmem:$0x18200] =	vst v63  }
0x371: {  	s7 =	sadd.s32 s0, s12;
	s8 =	simm.s32 $0x14A00  }
0x372: {  	[hbm4b:s7+s5] =	stream.linear.scatter [tilespmem:s8], [sflag:$0x3], $0x800, $0x38;
	[tilespmem:$0x18200] =	vst v63  }
0x373: {  	s24 =	simm.s32 $0x15200;
	s20 =	sadd.s32 s0, s13  }
0x374: {  	[hbm4b:s20+s5] =	stream.linear.scatter [tilespmem:s24], [sflag:$0x3], $0x800, $0x38;
	[tilespmem:$0x18200] =	vst v63  }
0x375: {  	s29 =	sadd.s32 s0, s14;
	s31 =	simm.s32 $0x15A00  }
0x376: {  	[hbm4b:s29+s5] =	stream.linear.scatter [tilespmem:s31], [sflag:$0x3], $0x800, $0x38;
	[tilespmem:$0x18200] =	vst v63  }
0x377: {  	s10 =	sadd.s32 $0x1, s10;
	s7 =	sadd.s32 s0, s15;
	s8 =	simm.s32 $0x16200  }
0x378: {  	[hbm4b:s7+s5] =	stream.linear.scatter [tilespmem:s8], [sflag:$0x3], $0x800, $0x38;
	[tilespmem:$0x18200] =	vst v63  }
0x379: {  	p0 =	sne.s32 s10, $0x32;
	s20 =	sadd.s32 s0, s16;
	s24 =	simm.s32 $0x16A00  }
0x37a: {  	[hbm4b:s20+s5] =	stream.linear.scatter [tilespmem:s24], [sflag:$0x3], $0x800, $0x38;
	[tilespmem:$0x18200] =	vst v63  }
.Ltmp2:
0x37b: {  	_ = 	snop;
	(pc) =	sbr.rel @p0 .LBB2_2-.Ltmp2, $4  }
0x37c: {  	s29 =	sadd.s32 s0, s17;
	s31 =	simm.s32 $0x17200  }
0x37d: {  	[hbm4b:s29+s5] =	stream.linear.scatter [tilespmem:s31], [sflag:$0x3], $0x800, $0x38;
	[tilespmem:$0x18200] =	vst v63  }
0x37e: {  	s0 =	sadd.s32 s0, s18  }
0x37f: {  	[hbm4b:s0+s5] =	stream.linear.scatter [tilespmem:s9], [sflag:$0x3], $0x800, $0x38;
	[tilespmem:$0x18200] =	vst v63  }
0x380: {  	s1 =	simm.s32 $0x3  }
0x381: {  	_ =	swait.ge [sflag:s1], $0x4000  }
0x382: {  	[sflag:s1] =	ssyncset.done $0x0  }
0x383: {  	[sflag:s1] =	ssyncadd.s32 $0xFFFFC000  }
0x384: {  	_ =	swait.ge [sflag:s1], $0x4000  }
0x385: {  	s7 =	rddreg [dreg:$0x9]  }
0x386: {  	s0 =	rddreg [dreg:$0x8];
	s7 =	sadd.s32 $0x1, s7  }
0x387: {  	p0 =	sne.s32 s7, s0  }
.Ltmp3:
0x388: {  	_ = 	snop;
	(pc) =	sbr.rel @p0 .LBB2_1-.Ltmp3, $3  }
0x389: {  	_ =	sdelay $0x1  }
0x38a: {  	[sflag:s1] =	ssyncset.done $0x0  }
0x38b: {  	[sflag:s1] =	ssyncadd.s32 $0xFFFFC000  }
0x38c: {  	_ =	sfence.sel $0x180000  }
0x38d: {  	[bflag:$0x0] =	sbarrier.arrive $0xFFFF  }
0x38e: {  	_ =	strace $0x90000047  }
0x38f: {  	s0 =	stileid.u32;
	[bflag:$0x2] =	sbarrier.arrive $0xFFFF  }
0x390: {  	p0 =	sne.s32 s0, $0x0;
	s0 =	rddreg [dreg:$0x3]  }
0x391: {  	s0 =	sadd.s32 @!p0 $0x100000, s0  }
0x392: {  	[sflag:s0] =	ssyncadd.tile.s32 @!p0 $0x1;
	_ =	shalt  }
.Lfunc_end2:
_tile_overlayer_lowered:
.L_overlay_start_2:
0x393: {  	(tag) =	ssettag $0x2  }
0x394: {  	s0 =	rddreg [dreg:$0x0];
	s2 =	stileid.u32  }
0x395: {  	s1 =	rddreg [dreg:$0x1];
	p0 =	sne.s32 s2, $0x0  }
0x396: {  	s3 =	rddreg [dreg:$0x2];
	[bflag:$0x3] =	sbarrier.arrive $0xFFFF;
	s2 =	simm.s32 @!p0 $0x1C04  }
0x397: {  	[timem:s3], [sflag:s2] =	dma.local @!p0 [hbm:s0], s1  }
0x398: {  	s0 =	simm.s32 @!p0 $0x4  }
0x399: {  	_ =	swait.ge @!p0 [sflag:s0], s1  }
0x39a: {  	s1 =	ssub.s32 @!p0 $0x0, s1;
	[sflag:s0] =	ssyncset.done @!p0 $0x0  }
0x39b: {  	[sflag:s0] =	ssyncadd.s32 @!p0 s1  }
0x39c: {  	[bflag:$0x3] =	sbarrier.arrive $0xFFFF  }
0x39d: {  	_ =	shalt  }

</sc_bundles>
